<compile_context>
chip_gen: v7x
topology: tpu7x:2x2x1
jax: 0.10.2.dev20260603
libtpu: 0.0.44.dev20260713+nightly
codegen_flags: <defaults>
</compile_context>

<pallas_src>
import functools

import jax
import jax.numpy as jnp
from jax import lax
from jax.experimental import pallas as pl
from jax.experimental.pallas import tpu as pltpu
from jax.experimental.pallas import tpu_sc as plsc



_CH = 16


@functools.lru_cache(maxsize=None)
def _make_sc_gather(vocab, emb, batch):
    info = plsc.get_sparse_core_info()
    nc, ns = info.num_cores, info.num_subcores
    nw = nc * ns
    b_per_w = batch // nw
    n_chunks = b_per_w // _CH
    assert batch % nw == 0 and b_per_w % _CH == 0
    mesh = plsc.VectorSubcoreMesh(core_axis_name="c", subcore_axis_name="s")

    @functools.partial(
        pl.kernel,
        out_type=jax.ShapeDtypeStruct((batch, emb), jnp.float32),
        mesh=mesh,
        scratch_types=[
            pltpu.VMEM((b_per_w,), jnp.int32),
            pltpu.VMEM((b_per_w, emb), jnp.float32),
            pltpu.SemaphoreType.DMA,
        ],
    )
    def sc_gather(tbl_hbm, idx_hbm, out_hbm, idx_v, rows_v, sem):
        wid = lax.axis_index("s") * nc + lax.axis_index("c")
        base = wid * b_per_w
        pltpu.sync_copy(idx_hbm.at[wid], idx_v)

        def fire(c):
            vv = idx_v[pl.ds(c * _CH, _CH)]
            for j in range(_CH):
                i = c * _CH + j
                pltpu.async_copy(tbl_hbm.at[vv[j]], rows_v.at[i], sem)

        def drain():
            for _ in range(_CH):
                pltpu.make_async_copy(
                    tbl_hbm.at[0], rows_v.at[0], sem).wait()

        def body(c, carry):
            fire(c)

            @pl.when(c > 0)
            def _():
                drain()

            return carry

        lax.fori_loop(0, n_chunks, body, 0, unroll=False)
        drain()
        pltpu.sync_copy(rows_v, out_hbm.at[pl.ds(base, b_per_w)])

    return sc_gather



_BM = 2048


def _mm_body(l_ref, r_ref, wl_ref, wr_ref, b_ref, o_ref):
    acc = jnp.dot(l_ref[...], wl_ref[...], preferred_element_type=jnp.float32)
    acc += jnp.dot(r_ref[...], wr_ref[...], preferred_element_type=jnp.float32)
    o_ref[...] = acc + b_ref[...]


@functools.lru_cache(maxsize=None)
def _make_mm(batch, emb, dim):
    grid = batch // _BM
    return pl.pallas_call(
        _mm_body,
        grid=(grid,),
        in_specs=[
            pl.BlockSpec((_BM, emb), lambda i: (i, 0)),
            pl.BlockSpec((_BM, emb), lambda i: (i, 0)),
            pl.BlockSpec((emb, dim), lambda i: (0, 0)),
            pl.BlockSpec((emb, dim), lambda i: (0, 0)),
            pl.BlockSpec((1, dim), lambda i: (0, 0)),
        ],
        out_specs=pl.BlockSpec((_BM, dim), lambda i: (i, 0)),
        out_shape=jax.ShapeDtypeStruct((batch, dim), jnp.float32),
    )


def kernel(x, left_table, right_table, W, b):
    batch = x.shape[0]
    vocab, emb = left_table.shape
    dim = W.shape[0]
    info = plsc.get_sparse_core_info()
    nw = info.num_cores * info.num_subcores
    xi = x.astype(jnp.int32)
    left_idx = xi[:, 0].reshape(nw, batch // nw)
    right_idx = xi[:, 1].reshape(nw, batch // nw)
    gf = _make_sc_gather(vocab, emb, batch)
    left_enc = gf(left_table, left_idx)
    right_enc = gf(right_table, right_idx)
    wl = W[:, :emb].T
    wr = W[:, emb:].T
    return _make_mm(batch, emb, dim)(
        left_enc, right_enc, wl, wr, b.reshape(1, dim))

# --- scband reference (transcript-rebuilt; emitter-appended) ---
"""Pipeline reference for scband-entity-pair-encoder-49881750176211 (READ-ONLY COPY).

The authoritative reference and input builder live on the scoring server;
editing this copy changes nothing except your own understanding.
"""

import jax, jax.numpy as jnp
import numpy as np

VOCAB = 100000
EMB = 64
BATCH = 16384
DIM = 128

def setup_inputs(seed: int = 0) -> dict:
    key = jax.random.key(seed)
    k1, k2, k3, k4, k5 = jax.random.split(key, 5)
    x = jax.random.randint(k1, (BATCH, 2), 0, VOCAB, dtype=jnp.int64 if jax.config.jax_enable_x64 else jnp.int32)
    left_table = jax.random.normal(k2, (VOCAB, EMB), dtype=jnp.float32) * 0.02
    right_table = jax.random.normal(k3, (VOCAB, EMB), dtype=jnp.float32) * 0.02
    W = jax.random.normal(k4, (DIM, 2 * EMB), dtype=jnp.float32) * (1.0 / np.sqrt(2 * EMB))
    b = jax.random.normal(k5, (DIM,), dtype=jnp.float32) * 0.01
    return {"x": x, "left_table": left_table, "right_table": right_table, "W": W, "b": b}

def reference(x, left_table, right_table, W, b):
    # left/right encoders are pretrained lookup tables -> embedding gathers
    left = x[:, 0]
    right = x[:, 1]
    left_enc = jnp.take(left_table, left, axis=0)    # [B, EMB]
    right_enc = jnp.take(right_table, right, axis=0)  # [B, EMB]
    # original code stacks then applies Linear(dim_encoders=left+right dims);
    # faithful intent is concatenation along the feature axis so the Linear
    # in_features (2*EMB) matches.
    concat_enc = jnp.concatenate([left_enc, right_enc], axis=-1)  # [B, 2*EMB]
    out = concat_enc @ W.T + b  # [B, DIM]
    return out

if __name__ == "__main__":
    import jax
    _d = setup_inputs()
    print(jax.jit(kernel)(*tuple(_d.values())))

</pallas_src>

<mosaic_0001>
#map = affine_map<(d0, d1) -> (0, 0)>
module attributes {stable_mosaic.version = 14 : i64} {
  func.func @sc_gather(%arg0: i32, %arg1: i32, %arg2: memref<100000x64xf32, #tpu.memory_space<hbm>>, %arg3: memref<32x512xi32, #tpu.memory_space<hbm>>, %arg4: memref<16384x64xf32, #tpu.memory_space<hbm>>, %arg5: memref<512xi32, #tpu.memory_space<vmem>>, %arg6: memref<512x64xf32, #tpu.memory_space<vmem>>, %arg7: memref<!tpu.dma_semaphore, #tpu.memory_space<semaphore_mem>>) attributes {dimension_semantics = [#tpu.dimension_semantics<core_parallel>, #tpu.dimension_semantics<subcore_parallel>], iteration_bounds = array<i64: 2, 16>, scalar_prefetch = 0 : i64, scratch_operands = 3 : i64, tpu.core_type = #tpu.core_type<sc_vector_subcore>, window_params = [{transform_indices = #map}, {transform_indices = #map}, {transform_indices = #map}]} {
    %mul3A = arith.constant 2 : i32
    %mul3A_0 = arith.muli %arg1, %mul3A : i32
    %add3A = arith.addi %mul3A_0, %arg0 : i32
    %mul3A_1 = arith.constant 512 : i32
    %mul3A_2 = arith.muli %add3A, %mul3A_1 : i32
    "tpu.region"() ({
      %run_scoped3A = tpu.sem_alloc : memref<!tpu.dma_semaphore, #tpu.memory_space<semaphore_mem>>
      %dma_start3A = arith.constant 0 : i32
      %dma_start3A_231 = tpu.memref_slice %arg3[%add3A, %dma_start3A] : memref<32x512xi32, #tpu.memory_space<hbm>> -> memref<1x512xi32, #tpu.memory_space<hbm>>
      %dma_start3A_232 = tpu.memref_squeeze %dma_start3A_231 : memref<1x512xi32, #tpu.memory_space<hbm>> -> memref<512xi32, #tpu.memory_space<hbm>>
      %dma_start3A_233 = arith.constant 0 : i32
      %dma_start3A_234 = tpu.memref_slice %arg3[%add3A, %dma_start3A_233] : memref<32x512xi32, #tpu.memory_space<hbm>> -> memref<1x512xi32, #tpu.memory_space<hbm>>
      %dma_start3A_235 = tpu.memref_squeeze %dma_start3A_234 : memref<1x512xi32, #tpu.memory_space<hbm>> -> memref<512xi32, #tpu.memory_space<hbm>>
      tpu.enqueue_dma source(%dma_start3A_235 : memref<512xi32, #tpu.memory_space<hbm>>) target(%arg5 : memref<512xi32, #tpu.memory_space<vmem>>) target_semaphore(%run_scoped3A : memref<!tpu.dma_semaphore, #tpu.memory_space<semaphore_mem>>)
      %dma_wait3A_236 = arith.constant 0 : i32
      %dma_wait3A_237 = tpu.memref_slice %arg3[%add3A, %dma_wait3A_236] : memref<32x512xi32, #tpu.memory_space<hbm>> -> memref<1x512xi32, #tpu.memory_space<hbm>>
      %dma_wait3A_238 = tpu.memref_squeeze %dma_wait3A_237 : memref<1x512xi32, #tpu.memory_space<hbm>> -> memref<512xi32, #tpu.memory_space<hbm>>
      %dma_wait3A_239 = arith.constant 0 : i32
      %dma_wait3A_240 = tpu.memref_slice %arg3[%add3A, %dma_wait3A_239] : memref<32x512xi32, #tpu.memory_space<hbm>> -> memref<1x512xi32, #tpu.memory_space<hbm>>
      %dma_wait3A_241 = tpu.memref_squeeze %dma_wait3A_240 : memref<1x512xi32, #tpu.memory_space<hbm>> -> memref<512xi32, #tpu.memory_space<hbm>>
      tpu.wait_dma2 semaphore(%run_scoped3A : memref<!tpu.dma_semaphore, #tpu.memory_space<semaphore_mem>>) src(%dma_wait3A_241 : memref<512xi32, #tpu.memory_space<hbm>>) dst(%arg5 : memref<512xi32, #tpu.memory_space<vmem>>)
      tpu.yield
    }) : () -> ()
    %scan3A = arith.constant 0 : i32
    %scan3A_3 = arith.constant 0 : i32
    %scan3A_4 = arith.constant 32 : i32
    %scan3A_5 = arith.addi %scan3A_3, %scan3A_4 : i32
    %scan3A_6 = arith.constant 1 : i32
    scf.for %scan3A_231 = %scan3A_3 to %scan3A_5 step %scan3A_6  : i32 {
      %mul3A_232 = arith.constant 16 : i32
      %mul3A_233 = arith.muli %scan3A_231, %mul3A_232 : i32
      %get3A = arith.index_cast %mul3A_233 : i32 to index
      %get3A_234 = tpu.vector_load %arg5[%get3A] {strides = array<i32>} : memref<512xi32, #tpu.memory_space<vmem>>, vector<16xi32>,
      %get3A_235 = vector.shape_cast %get3A_234 : vector<16xi32> to vector<16xi32>
      %mul3A_236 = arith.constant 16 : i32
      %mul3A_237 = arith.muli %scan3A_231, %mul3A_236 : i32
      %add3A_238 = arith.constant 0 : i32
      %add3A_239 = arith.addi %mul3A_237, %add3A_238 : i32
      %slice3A = vector.extract_strided_slice %get3A_235 {offsets = [0], sizes = [1], strides = [1]} : vector<16xi32> to vector<1xi32>
      %squeeze3A = vector.extract %slice3A[0] : i32 from vector<1xi32>
      %dma_start3A = arith.constant 0 : i32
      %dma_start3A_240 = tpu.memref_slice %arg6[%add3A_239, %dma_start3A] : memref<512x64xf32, #tpu.memory_space<vmem>> -> memref<1x64xf32, #tpu.memory_space<vmem>>
      %dma_start3A_241 = tpu.memref_squeeze %dma_start3A_240 : memref<1x64xf32, #tpu.memory_space<vmem>> -> memref<64xf32, #tpu.memory_space<vmem>>
      %dma_start3A_242 = arith.constant 0 : i32
      %dma_start3A_243 = tpu.memref_slice %arg2[%squeeze3A, %dma_start3A_242] : memref<100000x64xf32, #tpu.memory_space<hbm>> -> memref<1x64xf32, #tpu.memory_space<hbm>>
      %dma_start3A_244 = tpu.memref_squeeze %dma_start3A_243 : memref<1x64xf32, #tpu.memory_space<hbm>> -> memref<64xf32, #tpu.memory_space<hbm>>
      %dma_start3A_245 = arith.constant 0 : i32
      %dma_start3A_246 = tpu.memref_slice %arg6[%add3A_239, %dma_start3A_245] : memref<512x64xf32, #tpu.memory_space<vmem>> -> memref<1x64xf32, #tpu.memory_space<vmem>>
      %dma_start3A_247 = tpu.memref_squeeze %dma_start3A_246 : memref<1x64xf32, #tpu.memory_space<vmem>> -> memref<64xf32, #tpu.memory_space<vmem>>
      %dma_start3A_248 = arith.constant 0 : i32
      %dma_start3A_249 = tpu.memref_slice %arg2[%squeeze3A, %dma_start3A_248] : memref<100000x64xf32, #tpu.memory_space<hbm>> -> memref<1x64xf32, #tpu.memory_space<hbm>>
      %dma_start3A_250 = tpu.memref_squeeze %dma_start3A_249 : memref<1x64xf32, #tpu.memory_space<hbm>> -> memref<64xf32, #tpu.memory_space<hbm>>
      tpu.enqueue_dma source(%dma_start3A_250 : memref<64xf32, #tpu.memory_space<hbm>>) target(%dma_start3A_247 : memref<64xf32, #tpu.memory_space<vmem>>) target_semaphore(%arg7 : memref<!tpu.dma_semaphore, #tpu.memory_space<semaphore_mem>>)
      %mul3A_251 = arith.constant 16 : i32
      %mul3A_252 = arith.muli %scan3A_231, %mul3A_251 : i32
      %add3A_253 = arith.constant 1 : i32
      %add3A_254 = arith.addi %mul3A_252, %add3A_253 : i32
      %slice3A_255 = vector.extract_strided_slice %get3A_235 {offsets = [1], sizes = [1], strides = [1]} : vector<16xi32> to vector<1xi32>
      %squeeze3A_256 = vector.extract %slice3A_255[0] : i32 from vector<1xi32>
      %dma_start3A_257 = arith.constant 0 : i32
      %dma_start3A_258 = tpu.memref_slice %arg6[%add3A_254, %dma_start3A_257] : memref<512x64xf32, #tpu.memory_space<vmem>> -> memref<1x64xf32, #tpu.memory_space<vmem>>
      %dma_start3A_259 = tpu.memref_squeeze %dma_start3A_258 : memref<1x64xf32, #tpu.memory_space<vmem>> -> memref<64xf32, #tpu.memory_space<vmem>>
      %dma_start3A_260 = arith.constant 0 : i32
      %dma_start3A_261 = tpu.memref_slice %arg2[%squeeze3A_256, %dma_start3A_260] : memref<100000x64xf32, #tpu.memory_space<hbm>> -> memref<1x64xf32, #tpu.memory_space<hbm>>
      %dma_start3A_262 = tpu.memref_squeeze %dma_start3A_261 : memref<1x64xf32, #tpu.memory_space<hbm>> -> memref<64xf32, #tpu.memory_space<hbm>>
      %dma_start3A_263 = arith.constant 0 : i32
      %dma_start3A_264 = tpu.memref_slice %arg6[%add3A_254, %dma_start3A_263] : memref<512x64xf32, #tpu.memory_space<vmem>> -> memref<1x64xf32, #tpu.memory_space<vmem>>
      %dma_start3A_265 = tpu.memref_squeeze %dma_start3A_264 : memref<1x64xf32, #tpu.memory_space<vmem>> -> memref<64xf32, #tpu.memory_space<vmem>>
      %dma_start3A_266 = arith.constant 0 : i32
      %dma_start3A_267 = tpu.memref_slice %arg2[%squeeze3A_256, %dma_start3A_266] : memref<100000x64xf32, #tpu.memory_space<hbm>> -> memref<1x64xf32, #tpu.memory_space<hbm>>
      %dma_start3A_268 = tpu.memref_squeeze %dma_start3A_267 : memref<1x64xf32, #tpu.memory_space<hbm>> -> memref<64xf32, #tpu.memory_space<hbm>>
      tpu.enqueue_dma source(%dma_start3A_268 : memref<64xf32, #tpu.memory_space<hbm>>) target(%dma_start3A_265 : memref<64xf32, #tpu.memory_space<vmem>>) target_semaphore(%arg7 : memref<!tpu.dma_semaphore, #tpu.memory_space<semaphore_mem>>)
      %mul3A_269 = arith.constant 16 : i32
      %mul3A_270 = arith.muli %scan3A_231, %mul3A_269 : i32
      %add3A_271 = arith.constant 2 : i32
      %add3A_272 = arith.addi %mul3A_270, %add3A_271 : i32
      %slice3A_273 = vector.extract_strided_slice %get3A_235 {offsets = [2], sizes = [1], strides = [1]} : vector<16xi32> to vector<1xi32>
      %squeeze3A_274 = vector.extract %slice3A_273[0] : i32 from vector<1xi32>
      %dma_start3A_275 = arith.constant 0 : i32
      %dma_start3A_276 = tpu.memref_slice %arg6[%add3A_272, %dma_start3A_275] : memref<512x64xf32, #tpu.memory_space<vmem>> -> memref<1x64xf32, #tpu.memory_space<vmem>>
      %dma_start3A_277 = tpu.memref_squeeze %dma_start3A_276 : memref<1x64xf32, #tpu.memory_space<vmem>> -> memref<64xf32, #tpu.memory_space<vmem>>
      %dma_start3A_278 = arith.constant 0 : i32
      %dma_start3A_279 = tpu.memref_slice %arg2[%squeeze3A_274, %dma_start3A_278] : memref<100000x64xf32, #tpu.memory_space<hbm>> -> memref<1x64xf32, #tpu.memory_space<hbm>>
      %dma_start3A_280 = tpu.memref_squeeze %dma_start3A_279 : memref<1x64xf32, #tpu.memory_space<hbm>> -> memref<64xf32, #tpu.memory_space<hbm>>
      %dma_start3A_281 = arith.constant 0 : i32
      %dma_start3A_282 = tpu.memref_slice %arg6[%add3A_272, %dma_start3A_281] : memref<512x64xf32, #tpu.memory_space<vmem>> -> memref<1x64xf32, #tpu.memory_space<vmem>>
      %dma_start3A_283 = tpu.memref_squeeze %dma_start3A_282 : memref<1x64xf32, #tpu.memory_space<vmem>> -> memref<64xf32, #tpu.memory_space<vmem>>
      %dma_start3A_284 = arith.constant 0 : i32
      %dma_start3A_285 = tpu.memref_slice %arg2[%squeeze3A_274, %dma_start3A_284] : memref<100000x64xf32, #tpu.memory_space<hbm>> -> memref<1x64xf32, #tpu.memory_space<hbm>>
      %dma_start3A_286 = tpu.memref_squeeze %dma_start3A_285 : memref<1x64xf32, #tpu.memory_space<hbm>> -> memref<64xf32, #tpu.memory_space<hbm>>
      tpu.enqueue_dma source(%dma_start3A_286 : memref<64xf32, #tpu.memory_space<hbm>>) target(%dma_start3A_283 : memref<64xf32, #tpu.memory_space<vmem>>) target_semaphore(%arg7 : memref<!tpu.dma_semaphore, #tpu.memory_space<semaphore_mem>>)
      %mul3A_287 = arith.constant 16 : i32
      %mul3A_288 = arith.muli %scan3A_231, %mul3A_287 : i32
      %add3A_289 = arith.constant 3 : i32
      %add3A_290 = arith.addi %mul3A_288, %add3A_289 : i32
      %slice3A_291 = vector.extract_strided_slice %get3A_235 {offsets = [3], sizes = [1], strides = [1]} : vector<16xi32> to vector<1xi32>
      %squeeze3A_292 = vector.extract %slice3A_291[0] : i32 from vector<1xi32>
      %dma_start3A_293 = arith.constant 0 : i32
      %dma_start3A_294 = tpu.memref_slice %arg6[%add3A_290, %dma_start3A_293] : memref<512x64xf32, #tpu.memory_space<vmem>> -> memref<1x64xf32, #tpu.memory_space<vmem>>
      %dma_start3A_295 = tpu.memref_squeeze %dma_start3A_294 : memref<1x64xf32, #tpu.memory_space<vmem>> -> memref<64xf32, #tpu.memory_space<vmem>>
      %dma_start3A_296 = arith.constant 0 : i32
      %dma_start3A_297 = tpu.memref_slice %arg2[%squeeze3A_292, %dma_start3A_296] : memref<100000x64xf32, #tpu.memory_space<hbm>> -> memref<1x64xf32, #tpu.memory_space<hbm>>
      %dma_start3A_298 = tpu.memref_squeeze %dma_start3A_297 : memref<1x64xf32, #tpu.memory_space<hbm>> -> memref<64xf32, #tpu.memory_space<hbm>>
      %dma_start3A_299 = arith.constant 0 : i32
      %dma_start3A_300 = tpu.memref_slice %arg6[%add3A_290, %dma_start3A_299] : memref<512x64xf32, #tpu.memory_space<vmem>> -> memref<1x64xf32, #tpu.memory_space<vmem>>
      %dma_start3A_301 = tpu.memref_squeeze %dma_start3A_300 : memref<1x64xf32, #tpu.memory_space<vmem>> -> memref<64xf32, #tpu.memory_space<vmem>>
      %dma_start3A_302 = arith.constant 0 : i32
      %dma_start3A_303 = tpu.memref_slice %arg2[%squeeze3A_292, %dma_start3A_302] : memref<100000x64xf32, #tpu.memory_space<hbm>> -> memref<1x64xf32, #tpu.memory_space<hbm>>
      %dma_start3A_304 = tpu.memref_squeeze %dma_start3A_303 : memref<1x64xf32, #tpu.memory_space<hbm>> -> memref<64xf32, #tpu.memory_space<hbm>>
      tpu.enqueue_dma source(%dma_start3A_304 : memref<64xf32, #tpu.memory_space<hbm>>) target(%dma_start3A_301 : memref<64xf32, #tpu.memory_space<vmem>>) target_semaphore(%arg7 : memref<!tpu.dma_semaphore, #tpu.memory_space<semaphore_mem>>)
      %mul3A_305 = arith.constant 16 : i32
      %mul3A_306 = arith.muli %scan3A_231, %mul3A_305 : i32
      %add3A_307 = arith.constant 4 : i32
      %add3A_308 = arith.addi %mul3A_306, %add3A_307 : i32
      %slice3A_309 = vector.extract_strided_slice %get3A_235 {offsets = [4], sizes = [1], strides = [1]} : vector<16xi32> to vector<1xi32>
      %squeeze3A_310 = vector.extract %slice3A_309[0] : i32 from vector<1xi32>
      %dma_start3A_311 = arith.constant 0 : i32
      %dma_start3A_312 = tpu.memref_slice %arg6[%add3A_308, %dma_start3A_311] : memref<512x64xf32, #tpu.memory_space<vmem>> -> memref<1x64xf32, #tpu.memory_space<vmem>>
      %dma_start3A_313 = tpu.memref_squeeze %dma_start3A_312 : memref<1x64xf32, #tpu.memory_space<vmem>> -> memref<64xf32, #tpu.memory_space<vmem>>
      %dma_start3A_314 = arith.constant 0 : i32
      %dma_start3A_315 = tpu.memref_slice %arg2[%squeeze3A_310, %dma_start3A_314] : memref<100000x64xf32, #tpu.memory_space<hbm>> -> memref<1x64xf32, #tpu.memory_space<hbm>>
      %dma_start3A_316 = tpu.memref_squeeze %dma_start3A_315 : memref<1x64xf32, #tpu.memory_space<hbm>> -> memref<64xf32, #tpu.memory_space<hbm>>
      %dma_start3A_317 = arith.constant 0 : i32
      %dma_start3A_318 = tpu.memref_slice %arg6[%add3A_308, %dma_start3A_317] : memref<512x64xf32, #tpu.memory_space<vmem>> -> memref<1x64xf32, #tpu.memory_space<vmem>>
      %dma_start3A_319 = tpu.memref_squeeze %dma_start3A_318 : memref<1x64xf32, #tpu.memory_space<vmem>> -> memref<64xf32, #tpu.memory_space<vmem>>
      %dma_start3A_320 = arith.constant 0 : i32
      %dma_start3A_321 = tpu.memref_slice %arg2[%squeeze3A_310, %dma_start3A_320] : memref<100000x64xf32, #tpu.memory_space<hbm>> -> memref<1x64xf32, #tpu.memory_space<hbm>>
      %dma_start3A_322 = tpu.memref_squeeze %dma_start3A_321 : memref<1x64xf32, #tpu.memory_space<hbm>> -> memref<64xf32, #tpu.memory_space<hbm>>
      tpu.enqueue_dma source(%dma_start3A_322 : memref<64xf32, #tpu.memory_space<hbm>>) target(%dma_start3A_319 : memref<64xf32, #tpu.memory_space<vmem>>) target_semaphore(%arg7 : memref<!tpu.dma_semaphore, #tpu.memory_space<semaphore_mem>>)
      %mul3A_323 = arith.constant 16 : i32
      %mul3A_324 = arith.muli %scan3A_231, %mul3A_323 : i32
      %add3A_325 = arith.constant 5 : i32
      %add3A_326 = arith.addi %mul3A_324, %add3A_325 : i32
      %slice3A_327 = vector.extract_strided_slice %get3A_235 {offsets = [5], sizes = [1], strides = [1]} : vector<16xi32> to vector<1xi32>
      %squeeze3A_328 = vector.extract %slice3A_327[0] : i32 from vector<1xi32>
      %dma_start3A_329 = arith.constant 0 : i32
      %dma_start3A_330 = tpu.memref_slice %arg6[%add3A_326, %dma_start3A_329] : memref<512x64xf32, #tpu.memory_space<vmem>> -> memref<1x64xf32, #tpu.memory_space<vmem>>
      %dma_start3A_331 = tpu.memref_squeeze %dma_start3A_330 : memref<1x64xf32, #tpu.memory_space<vmem>> -> memref<64xf32, #tpu.memory_space<vmem>>
      %dma_start3A_332 = arith.constant 0 : i32
      %dma_start3A_333 = tpu.memref_slice %arg2[%squeeze3A_328, %dma_start3A_332] : memref<100000x64xf32, #tpu.memory_space<hbm>> -> memref<1x64xf32, #tpu.memory_space<hbm>>
      %dma_start3A_334 = tpu.memref_squeeze %dma_start3A_333 : memref<1x64xf32, #tpu.memory_space<hbm>> -> memref<64xf32, #tpu.memory_space<hbm>>
      %dma_start3A_335 = arith.constant 0 : i32
      %dma_start3A_336 = tpu.memref_slice %arg6[%add3A_326, %dma_start3A_335] : memref<512x64xf32, #tpu.memory_space<vmem>> -> memref<1x64xf32, #tpu.memory_space<vmem>>
      %dma_start3A_337 = tpu.memref_squeeze %dma_start3A_336 : memref<1x64xf32, #tpu.memory_space<vmem>> -> memref<64xf32, #tpu.memory_space<vmem>>
      %dma_start3A_338 = arith.constant 0 : i32
      %dma_start3A_339 = tpu.memref_slice %arg2[%squeeze3A_328, %dma_start3A_338] : memref<100000x64xf32, #tpu.memory_space<hbm>> -> memref<1x64xf32, #tpu.memory_space<hbm>>
      %dma_start3A_340 = tpu.memref_squeeze %dma_start3A_339 : memref<1x64xf32, #tpu.memory_space<hbm>> -> memref<64xf32, #tpu.memory_space<hbm>>
      tpu.enqueue_dma source(%dma_start3A_340 : memref<64xf32, #tpu.memory_space<hbm>>) target(%dma_start3A_337 : memref<64xf32, #tpu.memory_space<vmem>>) target_semaphore(%arg7 : memref<!tpu.dma_semaphore, #tpu.memory_space<semaphore_mem>>)
      %mul3A_341 = arith.constant 16 : i32
      %mul3A_342 = arith.muli %scan3A_231, %mul3A_341 : i32
      %add3A_343 = arith.constant 6 : i32
      %add3A_344 = arith.addi %mul3A_342, %add3A_343 : i32
      %slice3A_345 = vector.extract_strided_slice %get3A_235 {offsets = [6], sizes = [1], strides = [1]} : vector<16xi32> to vector<1xi32>
      %squeeze3A_346 = vector.extract %slice3A_345[0] : i32 from vector<1xi32>
      %dma_start3A_347 = arith.constant 0 : i32
      %dma_start3A_348 = tpu.memref_slice %arg6[%add3A_344, %dma_start3A_347] : memref<512x64xf32, #tpu.memory_space<vmem>> -> memref<1x64xf32, #tpu.memory_space<vmem>>
      %dma_start3A_349 = tpu.memref_squeeze %dma_start3A_348 : memref<1x64xf32, #tpu.memory_space<vmem>> -> memref<64xf32, #tpu.memory_space<vmem>>
      %dma_start3A_350 = arith.constant 0 : i32
      %dma_start3A_351 = tpu.memref_slice %arg2[%squeeze3A_346, %dma_start3A_350] : memref<100000x64xf32, #tpu.memory_space<hbm>> -> memref<1x64xf32, #tpu.memory_space<hbm>>
      %dma_start3A_352 = tpu.memref_squeeze %dma_start3A_351 : memref<1x64xf32, #tpu.memory_space<hbm>> -> memref<64xf32, #tpu.memory_space<hbm>>
      %dma_start3A_353 = arith.constant 0 : i32
      %dma_start3A_354 = tpu.memref_slice %arg6[%add3A_344, %dma_start3A_353] : memref<512x64xf32, #tpu.memory_space<vmem>> -> memref<1x64xf32, #tpu.memory_space<vmem>>
      %dma_start3A_355 = tpu.memref_squeeze %dma_start3A_354 : memref<1x64xf32, #tpu.memory_space<vmem>> -> memref<64xf32, #tpu.memory_space<vmem>>
      %dma_start3A_356 = arith.constant 0 : i32
      %dma_start3A_357 = tpu.memref_slice %arg2[%squeeze3A_346, %dma_start3A_356] : memref<100000x64xf32, #tpu.memory_space<hbm>> -> memref<1x64xf32, #tpu.memory_space<hbm>>
      %dma_start3A_358 = tpu.memref_squeeze %dma_start3A_357 : memref<1x64xf32, #tpu.memory_space<hbm>> -> memref<64xf32, #tpu.memory_space<hbm>>
      tpu.enqueue_dma source(%dma_start3A_358 : memref<64xf32, #tpu.memory_space<hbm>>) target(%dma_start3A_355 : memref<64xf32, #tpu.memory_space<vmem>>) target_semaphore(%arg7 : memref<!tpu.dma_semaphore, #tpu.memory_space<semaphore_mem>>)
      %mul3A_359 = arith.constant 16 : i32
      %mul3A_360 = arith.muli %scan3A_231, %mul3A_359 : i32
      %add3A_361 = arith.constant 7 : i32
      %add3A_362 = arith.addi %mul3A_360, %add3A_361 : i32
      %slice3A_363 = vector.extract_strided_slice %get3A_235 {offsets = [7], sizes = [1], strides = [1]} : vector<16xi32> to vector<1xi32>
      %squeeze3A_364 = vector.extract %slice3A_363[0] : i32 from vector<1xi32>
      %dma_start3A_365 = arith.constant 0 : i32
      %dma_start3A_366 = tpu.memref_slice %arg6[%add3A_362, %dma_start3A_365] : memref<512x64xf32, #tpu.memory_space<vmem>> -> memref<1x64xf32, #tpu.memory_space<vmem>>
      %dma_start3A_367 = tpu.memref_squeeze %dma_start3A_366 : memref<1x64xf32, #tpu.memory_space<vmem>> -> memref<64xf32, #tpu.memory_space<vmem>>
      %dma_start3A_368 = arith.constant 0 : i32
      %dma_start3A_369 = tpu.memref_slice %arg2[%squeeze3A_364, %dma_start3A_368] : memref<100000x64xf32, #tpu.memory_space<hbm>> -> memref<1x64xf32, #tpu.memory_space<hbm>>
      %dma_start3A_370 = tpu.memref_squeeze %dma_start3A_369 : memref<1x64xf32, #tpu.memory_space<hbm>> -> memref<64xf32, #tpu.memory_space<hbm>>
      %dma_start3A_371 = arith.constant 0 : i32
      %dma_start3A_372 = tpu.memref_slice %arg6[%add3A_362, %dma_start3A_371] : memref<512x64xf32, #tpu.memory_space<vmem>> -> memref<1x64xf32, #tpu.memory_space<vmem>>
      %dma_start3A_373 = tpu.memref_squeeze %dma_start3A_372 : memref<1x64xf32, #tpu.memory_space<vmem>> -> memref<64xf32, #tpu.memory_space<vmem>>
      %dma_start3A_374 = arith.constant 0 : i32
      %dma_start3A_375 = tpu.memref_slice %arg2[%squeeze3A_364, %dma_start3A_374] : memref<100000x64xf32, #tpu.memory_space<hbm>> -> memref<1x64xf32, #tpu.memory_space<hbm>>
      %dma_start3A_376 = tpu.memref_squeeze %dma_start3A_375 : memref<1x64xf32, #tpu.memory_space<hbm>> -> memref<64xf32, #tpu.memory_space<hbm>>
      tpu.enqueue_dma source(%dma_start3A_376 : memref<64xf32, #tpu.memory_space<hbm>>) target(%dma_start3A_373 : memref<64xf32, #tpu.memory_space<vmem>>) target_semaphore(%arg7 : memref<!tpu.dma_semaphore, #tpu.memory_space<semaphore_mem>>)
      %mul3A_377 = arith.constant 16 : i32
      %mul3A_378 = arith.muli %scan3A_231, %mul3A_377 : i32
      %add3A_379 = arith.constant 8 : i32
      %add3A_380 = arith.addi %mul3A_378, %add3A_379 : i32
      %slice3A_381 = vector.extract_strided_slice %get3A_235 {offsets = [8], sizes = [1], strides = [1]} : vector<16xi32> to vector<1xi32>
      %squeeze3A_382 = vector.extract %slice3A_381[0] : i32 from vector<1xi32>
      %dma_start3A_383 = arith.constant 0 : i32
      %dma_start3A_384 = tpu.memref_slice %arg6[%add3A_380, %dma_start3A_383] : memref<512x64xf32, #tpu.memory_space<vmem>> -> memref<1x64xf32, #tpu.memory_space<vmem>>
      %dma_start3A_385 = tpu.memref_squeeze %dma_start3A_384 : memref<1x64xf32, #tpu.memory_space<vmem>> -> memref<64xf32, #tpu.memory_space<vmem>>
      %dma_start3A_386 = arith.constant 0 : i32
      %dma_start3A_387 = tpu.memref_slice %arg2[%squeeze3A_382, %dma_start3A_386] : memref<100000x64xf32, #tpu.memory_space<hbm>> -> memref<1x64xf32, #tpu.memory_space<hbm>>
      %dma_start3A_388 = tpu.memref_squeeze %dma_start3A_387 : memref<1x64xf32, #tpu.memory_space<hbm>> -> memref<64xf32, #tpu.memory_space<hbm>>
      %dma_start3A_389 = arith.constant 0 : i32
      %dma_start3A_390 = tpu.memref_slice %arg6[%add3A_380, %dma_start3A_389] : memref<512x64xf32, #tpu.memory_space<vmem>> -> memref<1x64xf32, #tpu.memory_space<vmem>>
      %dma_start3A_391 = tpu.memref_squeeze %dma_start3A_390 : memref<1x64xf32, #tpu.memory_space<vmem>> -> memref<64xf32, #tpu.memory_space<vmem>>
      %dma_start3A_392 = arith.constant 0 : i32
      %dma_start3A_393 = tpu.memref_slice %arg2[%squeeze3A_382, %dma_start3A_392] : memref<100000x64xf32, #tpu.memory_space<hbm>> -> memref<1x64xf32, #tpu.memory_space<hbm>>
      %dma_start3A_394 = tpu.memref_squeeze %dma_start3A_393 : memref<1x64xf32, #tpu.memory_space<hbm>> -> memref<64xf32, #tpu.memory_space<hbm>>
      tpu.enqueue_dma source(%dma_start3A_394 : memref<64xf32, #tpu.memory_space<hbm>>) target(%dma_start3A_391 : memref<64xf32, #tpu.memory_space<vmem>>) target_semaphore(%arg7 : memref<!tpu.dma_semaphore, #tpu.memory_space<semaphore_mem>>)
      %mul3A_395 = arith.constant 16 : i32
      %mul3A_396 = arith.muli %scan3A_231, %mul3A_395 : i32
      %add3A_397 = arith.constant 9 : i32
      %add3A_398 = arith.addi %mul3A_396, %add3A_397 : i32
      %slice3A_399 = vector.extract_strided_slice %get3A_235 {offsets = [9], sizes = [1], strides = [1]} : vector<16xi32> to vector<1xi32>
      %squeeze3A_400 = vector.extract %slice3A_399[0] : i32 from vector<1xi32>
      %dma_start3A_401 = arith.constant 0 : i32
      %dma_start3A_402 = tpu.memref_slice %arg6[%add3A_398, %dma_start3A_401] : memref<512x64xf32, #tpu.memory_space<vmem>> -> memref<1x64xf32, #tpu.memory_space<vmem>>
      %dma_start3A_403 = tpu.memref_squeeze %dma_start3A_402 : memref<1x64xf32, #tpu.memory_space<vmem>> -> memref<64xf32, #tpu.memory_space<vmem>>
      %dma_start3A_404 = arith.constant 0 : i32
      %dma_start3A_405 = tpu.memref_slice %arg2[%squeeze3A_400, %dma_start3A_404] : memref<100000x64xf32, #tpu.memory_space<hbm>> -> memref<1x64xf32, #tpu.memory_space<hbm>>
      %dma_start3A_406 = tpu.memref_squeeze %dma_start3A_405 : memref<1x64xf32, #tpu.memory_space<hbm>> -> memref<64xf32, #tpu.memory_space<hbm>>
      %dma_start3A_407 = arith.constant 0 : i32
      %dma_start3A_408 = tpu.memref_slice %arg6[%add3A_398, %dma_start3A_407] : memref<512x64xf32, #tpu.memory_space<vmem>> -> memref<1x64xf32, #tpu.memory_space<vmem>>
      %dma_start3A_409 = tpu.memref_squeeze %dma_start3A_408 : memref<1x64xf32, #tpu.memory_space<vmem>> -> memref<64xf32, #tpu.memory_space<vmem>>
      %dma_start3A_410 = arith.constant 0 : i32
      %dma_start3A_411 = tpu.memref_slice %arg2[%squeeze3A_400, %dma_start3A_410] : memref<100000x64xf32, #tpu.memory_space<hbm>> -> memref<1x64xf32, #tpu.memory_space<hbm>>
      %dma_start3A_412 = tpu.memref_squeeze %dma_start3A_411 : memref<1x64xf32, #tpu.memory_space<hbm>> -> memref<64xf32, #tpu.memory_space<hbm>>
      tpu.enqueue_dma source(%dma_start3A_412 : memref<64xf32, #tpu.memory_space<hbm>>) target(%dma_start3A_409 : memref<64xf32, #tpu.memory_space<vmem>>) target_semaphore(%arg7 : memref<!tpu.dma_semaphore, #tpu.memory_space<semaphore_mem>>)
      %mul3A_413 = arith.constant 16 : i32
      %mul3A_414 = arith.muli %scan3A_231, %mul3A_413 : i32
      %add3A_415 = arith.constant 10 : i32
      %add3A_416 = arith.addi %mul3A_414, %add3A_415 : i32
      %slice3A_417 = vector.extract_strided_slice %get3A_235 {offsets = [10], sizes = [1], strides = [1]} : vector<16xi32> to vector<1xi32>
      %squeeze3A_418 = vector.extract %slice3A_417[0] : i32 from vector<1xi32>
      %dma_start3A_419 = arith.constant 0 : i32
      %dma_start3A_420 = tpu.memref_slice %arg6[%add3A_416, %dma_start3A_419] : memref<512x64xf32, #tpu.memory_space<vmem>> -> memref<1x64xf32, #tpu.memory_space<vmem>>
      %dma_start3A_421 = tpu.memref_squeeze %dma_start3A_420 : memref<1x64xf32, #tpu.memory_space<vmem>> -> memref<64xf32, #tpu.memory_space<vmem>>
      %dma_start3A_422 = arith.constant 0 : i32
      %dma_start3A_423 = tpu.memref_slice %arg2[%squeeze3A_418, %dma_start3A_422] : memref<100000x64xf32, #tpu.memory_space<hbm>> -> memref<1x64xf32, #tpu.memory_space<hbm>>
      %dma_start3A_424 = tpu.memref_squeeze %dma_start3A_423 : memref<1x64xf32, #tpu.memory_space<hbm>> -> memref<64xf32, #tpu.memory_space<hbm>>
      %dma_start3A_425 = arith.constant 0 : i32
      %dma_start3A_426 = tpu.memref_slice %arg6[%add3A_416, %dma_start3A_425] : memref<512x64xf32, #tpu.memory_space<vmem>> -> memref<1x64xf32, #tpu.memory_space<vmem>>
      %dma_start3A_427 = tpu.memref_squeeze %dma_start3A_426 : memref<1x64xf32, #tpu.memory_space<vmem>> -> memref<64xf32, #tpu.memory_space<vmem>>
      %dma_start3A_428 = arith.constant 0 : i32
      %dma_start3A_429 = tpu.memref_slice %arg2[%squeeze3A_418, %dma_start3A_428] : memref<100000x64xf32, #tpu.memory_space<hbm>> -> memref<1x64xf32, #tpu.memory_space<hbm>>
      %dma_start3A_430 = tpu.memref_squeeze %dma_start3A_429 : memref<1x64xf32, #tpu.memory_space<hbm>> -> memref<64xf32, #tpu.memory_space<hbm>>
      tpu.enqueue_dma source(%dma_start3A_430 : memref<64xf32, #tpu.memory_space<hbm>>) target(%dma_start3A_427 : memref<64xf32, #tpu.memory_space<vmem>>) target_semaphore(%arg7 : memref<!tpu.dma_semaphore, #tpu.memory_space<semaphore_mem>>)
      %mul3A_431 = arith.constant 16 : i32
      %mul3A_432 = arith.muli %scan3A_231, %mul3A_431 : i32
      %add3A_433 = arith.constant 11 : i32
      %add3A_434 = arith.addi %mul3A_432, %add3A_433 : i32
      %slice3A_435 = vector.extract_strided_slice %get3A_235 {offsets = [11], sizes = [1], strides = [1]} : vector<16xi32> to vector<1xi32>
      %squeeze3A_436 = vector.extract %slice3A_435[0] : i32 from vector<1xi32>
      %dma_start3A_437 = arith.constant 0 : i32
      %dma_start3A_438 = tpu.memref_slice %arg6[%add3A_434, %dma_start3A_437] : memref<512x64xf32, #tpu.memory_space<vmem>> -> memref<1x64xf32, #tpu.memory_space<vmem>>
      %dma_start3A_439 = tpu.memref_squeeze %dma_start3A_438 : memref<1x64xf32, #tpu.memory_space<vmem>> -> memref<64xf32, #tpu.memory_space<vmem>>
      %dma_start3A_440 = arith.constant 0 : i32
      %dma_start3A_441 = tpu.memref_slice %arg2[%squeeze3A_436, %dma_start3A_440] : memref<100000x64xf32, #tpu.memory_space<hbm>> -> memref<1x64xf32, #tpu.memory_space<hbm>>
      %dma_start3A_442 = tpu.memref_squeeze %dma_start3A_441 : memref<1x64xf32, #tpu.memory_space<hbm>> -> memref<64xf32, #tpu.memory_space<hbm>>
      %dma_start3A_443 = arith.constant 0 : i32
      %dma_start3A_444 = tpu.memref_slice %arg6[%add3A_434, %dma_start3A_443] : memref<512x64xf32, #tpu.memory_space<vmem>> -> memref<1x64xf32, #tpu.memory_space<vmem>>
      %dma_start3A_445 = tpu.memref_squeeze %dma_start3A_444 : memref<1x64xf32, #tpu.memory_space<vmem>> -> memref<64xf32, #tpu.memory_space<vmem>>
      %dma_start3A_446 = arith.constant 0 : i32
      %dma_start3A_447 = tpu.memref_slice %arg2[%squeeze3A_436, %dma_start3A_446] : memref<100000x64xf32, #tpu.memory_space<hbm>> -> memref<1x64xf32, #tpu.memory_space<hbm>>
      %dma_start3A_448 = tpu.memref_squeeze %dma_start3A_447 : memref<1x64xf32, #tpu.memory_space<hbm>> -> memref<64xf32, #tpu.memory_space<hbm>>
      tpu.enqueue_dma source(%dma_start3A_448 : memref<64xf32, #tpu.memory_space<hbm>>) target(%dma_start3A_445 : memref<64xf32, #tpu.memory_space<vmem>>) target_semaphore(%arg7 : memref<!tpu.dma_semaphore, #tpu.memory_space<semaphore_mem>>)
      %mul3A_449 = arith.constant 16 : i32
      %mul3A_450 = arith.muli %scan3A_231, %mul3A_449 : i32
      %add3A_451 = arith.constant 12 : i32
      %add3A_452 = arith.addi %mul3A_450, %add3A_451 : i32
      %slice3A_453 = vector.extract_strided_slice %get3A_235 {offsets = [12], sizes = [1], strides = [1]} : vector<16xi32> to vector<1xi32>
      %squeeze3A_454 = vector.extract %slice3A_453[0] : i32 from vector<1xi32>
      %dma_start3A_455 = arith.constant 0 : i32
      %dma_start3A_456 = tpu.memref_slice %arg6[%add3A_452, %dma_start3A_455] : memref<512x64xf32, #tpu.memory_space<vmem>> -> memref<1x64xf32, #tpu.memory_space<vmem>>
      %dma_start3A_457 = tpu.memref_squeeze %dma_start3A_456 : memref<1x64xf32, #tpu.memory_space<vmem>> -> memref<64xf32, #tpu.memory_space<vmem>>
      %dma_start3A_458 = arith.constant 0 : i32
      %dma_start3A_459 = tpu.memref_slice %arg2[%squeeze3A_454, %dma_start3A_458] : memref<100000x64xf32, #tpu.memory_space<hbm>> -> memref<1x64xf32, #tpu.memory_space<hbm>>
      %dma_start3A_460 = tpu.memref_squeeze %dma_start3A_459 : memref<1x64xf32, #tpu.memory_space<hbm>> -> memref<64xf32, #tpu.memory_space<hbm>>
      %dma_start3A_461 = arith.constant 0 : i32
      %dma_start3A_462 = tpu.memref_slice %arg6[%add3A_452, %dma_start3A_461] : memref<512x64xf32, #tpu.memory_space<vmem>> -> memref<1x64xf32, #tpu.memory_space<vmem>>
      %dma_start3A_463 = tpu.memref_squeeze %dma_start3A_462 : memref<1x64xf32, #tpu.memory_space<vmem>> -> memref<64xf32, #tpu.memory_space<vmem>>
      %dma_start3A_464 = arith.constant 0 : i32
      %dma_start3A_465 = tpu.memref_slice %arg2[%squeeze3A_454, %dma_start3A_464] : memref<100000x64xf32, #tpu.memory_space<hbm>> -> memref<1x64xf32, #tpu.memory_space<hbm>>
      %dma_start3A_466 = tpu.memref_squeeze %dma_start3A_465 : memref<1x64xf32, #tpu.memory_space<hbm>> -> memref<64xf32, #tpu.memory_space<hbm>>
      tpu.enqueue_dma source(%dma_start3A_466 : memref<64xf32, #tpu.memory_space<hbm>>) target(%dma_start3A_463 : memref<64xf32, #tpu.memory_space<vmem>>) target_semaphore(%arg7 : memref<!tpu.dma_semaphore, #tpu.memory_space<semaphore_mem>>)
      %mul3A_467 = arith.constant 16 : i32
      %mul3A_468 = arith.muli %scan3A_231, %mul3A_467 : i32
      %add3A_469 = arith.constant 13 : i32
      %add3A_470 = arith.addi %mul3A_468, %add3A_469 : i32
      %slice3A_471 = vector.extract_strided_slice %get3A_235 {offsets = [13], sizes = [1], strides = [1]} : vector<16xi32> to vector<1xi32>
      %squeeze3A_472 = vector.extract %slice3A_471[0] : i32 from vector<1xi32>
      %dma_start3A_473 = arith.constant 0 : i32
      %dma_start3A_474 = tpu.memref_slice %arg6[%add3A_470, %dma_start3A_473] : memref<512x64xf32, #tpu.memory_space<vmem>> -> memref<1x64xf32, #tpu.memory_space<vmem>>
      %dma_start3A_475 = tpu.memref_squeeze %dma_start3A_474 : memref<1x64xf32, #tpu.memory_space<vmem>> -> memref<64xf32, #tpu.memory_space<vmem>>
      %dma_start3A_476 = arith.constant 0 : i32
      %dma_start3A_477 = tpu.memref_slice %arg2[%squeeze3A_472, %dma_start3A_476] : memref<100000x64xf32, #tpu.memory_space<hbm>> -> memref<1x64xf32, #tpu.memory_space<hbm>>
      %dma_start3A_478 = tpu.memref_squeeze %dma_start3A_477 : memref<1x64xf32, #tpu.memory_space<hbm>> -> memref<64xf32, #tpu.memory_space<hbm>>
      %dma_start3A_479 = arith.constant 0 : i32
      %dma_start3A_480 = tpu.memref_slice %arg6[%add3A_470, %dma_start3A_479] : memref<512x64xf32, #tpu.memory_space<vmem>> -> memref<1x64xf32, #tpu.memory_space<vmem>>
      %dma_start3A_481 = tpu.memref_squeeze %dma_start3A_480 : memref<1x64xf32, #tpu.memory_space<vmem>> -> memref<64xf32, #tpu.memory_space<vmem>>
      %dma_start3A_482 = arith.constant 0 : i32
      %dma_start3A_483 = tpu.memref_slice %arg2[%squeeze3A_472, %dma_start3A_482] : memref<100000x64xf32, #tpu.memory_space<hbm>> -> memref<1x64xf32, #tpu.memory_space<hbm>>
      %dma_start3A_484 = tpu.memref_squeeze %dma_start3A_483 : memref<1x64xf32, #tpu.memory_space<hbm>> -> memref<64xf32, #tpu.memory_space<hbm>>
      tpu.enqueue_dma source(%dma_start3A_484 : memref<64xf32, #tpu.memory_space<hbm>>) target(%dma_start3A_481 : memref<64xf32, #tpu.memory_space<vmem>>) target_semaphore(%arg7 : memref<!tpu.dma_semaphore, #tpu.memory_space<semaphore_mem>>)
      %mul3A_485 = arith.constant 16 : i32
      %mul3A_486 = arith.muli %scan3A_231, %mul3A_485 : i32
      %add3A_487 = arith.constant 14 : i32
      %add3A_488 = arith.addi %mul3A_486, %add3A_487 : i32
      %slice3A_489 = vector.extract_strided_slice %get3A_235 {offsets = [14], sizes = [1], strides = [1]} : vector<16xi32> to vector<1xi32>
      %squeeze3A_490 = vector.extract %slice3A_489[0] : i32 from vector<1xi32>
      %dma_start3A_491 = arith.constant 0 : i32
      %dma_start3A_492 = tpu.memref_slice %arg6[%add3A_488, %dma_start3A_491] : memref<512x64xf32, #tpu.memory_space<vmem>> -> memref<1x64xf32, #tpu.memory_space<vmem>>
      %dma_start3A_493 = tpu.memref_squeeze %dma_start3A_492 : memref<1x64xf32, #tpu.memory_space<vmem>> -> memref<64xf32, #tpu.memory_space<vmem>>
      %dma_start3A_494 = arith.constant 0 : i32
      %dma_start3A_495 = tpu.memref_slice %arg2[%squeeze3A_490, %dma_start3A_494] : memref<100000x64xf32, #tpu.memory_space<hbm>> -> memref<1x64xf32, #tpu.memory_space<hbm>>
      %dma_start3A_496 = tpu.memref_squeeze %dma_start3A_495 : memref<1x64xf32, #tpu.memory_space<hbm>> -> memref<64xf32, #tpu.memory_space<hbm>>
      %dma_start3A_497 = arith.constant 0 : i32
      %dma_start3A_498 = tpu.memref_slice %arg6[%add3A_488, %dma_start3A_497] : memref<512x64xf32, #tpu.memory_space<vmem>> -> memref<1x64xf32, #tpu.memory_space<vmem>>
      %dma_start3A_499 = tpu.memref_squeeze %dma_start3A_498 : memref<1x64xf32, #tpu.memory_space<vmem>> -> memref<64xf32, #tpu.memory_space<vmem>>
      %dma_start3A_500 = arith.constant 0 : i32
      %dma_start3A_501 = tpu.memref_slice %arg2[%squeeze3A_490, %dma_start3A_500] : memref<100000x64xf32, #tpu.memory_space<hbm>> -> memref<1x64xf32, #tpu.memory_space<hbm>>
      %dma_start3A_502 = tpu.memref_squeeze %dma_start3A_501 : memref<1x64xf32, #tpu.memory_space<hbm>> -> memref<64xf32, #tpu.memory_space<hbm>>
      tpu.enqueue_dma source(%dma_start3A_502 : memref<64xf32, #tpu.memory_space<hbm>>) target(%dma_start3A_499 : memref<64xf32, #tpu.memory_space<vmem>>) target_semaphore(%arg7 : memref<!tpu.dma_semaphore, #tpu.memory_space<semaphore_mem>>)
      %mul3A_503 = arith.constant 16 : i32
      %mul3A_504 = arith.muli %scan3A_231, %mul3A_503 : i32
      %add3A_505 = arith.constant 15 : i32
      %add3A_506 = arith.addi %mul3A_504, %add3A_505 : i32
      %slice3A_507 = vector.extract_strided_slice %get3A_235 {offsets = [15], sizes = [1], strides = [1]} : vector<16xi32> to vector<1xi32>
      %squeeze3A_508 = vector.extract %slice3A_507[0] : i32 from vector<1xi32>
      %dma_start3A_509 = arith.constant 0 : i32
      %dma_start3A_510 = tpu.memref_slice %arg6[%add3A_506, %dma_start3A_509] : memref<512x64xf32, #tpu.memory_space<vmem>> -> memref<1x64xf32, #tpu.memory_space<vmem>>
      %dma_start3A_511 = tpu.memref_squeeze %dma_start3A_510 : memref<1x64xf32, #tpu.memory_space<vmem>> -> memref<64xf32, #tpu.memory_space<vmem>>
      %dma_start3A_512 = arith.constant 0 : i32
      %dma_start3A_513 = tpu.memref_slice %arg2[%squeeze3A_508, %dma_start3A_512] : memref<100000x64xf32, #tpu.memory_space<hbm>> -> memref<1x64xf32, #tpu.memory_space<hbm>>
      %dma_start3A_514 = tpu.memref_squeeze %dma_start3A_513 : memref<1x64xf32, #tpu.memory_space<hbm>> -> memref<64xf32, #tpu.memory_space<hbm>>
      %dma_start3A_515 = arith.constant 0 : i32
      %dma_start3A_516 = tpu.memref_slice %arg6[%add3A_506, %dma_start3A_515] : memref<512x64xf32, #tpu.memory_space<vmem>> -> memref<1x64xf32, #tpu.memory_space<vmem>>
      %dma_start3A_517 = tpu.memref_squeeze %dma_start3A_516 : memref<1x64xf32, #tpu.memory_space<vmem>> -> memref<64xf32, #tpu.memory_space<vmem>>
      %dma_start3A_518 = arith.constant 0 : i32
      %dma_start3A_519 = tpu.memref_slice %arg2[%squeeze3A_508, %dma_start3A_518] : memref<100000x64xf32, #tpu.memory_space<hbm>> -> memref<1x64xf32, #tpu.memory_space<hbm>>
      %dma_start3A_520 = tpu.memref_squeeze %dma_start3A_519 : memref<1x64xf32, #tpu.memory_space<hbm>> -> memref<64xf32, #tpu.memory_space<hbm>>
      tpu.enqueue_dma source(%dma_start3A_520 : memref<64xf32, #tpu.memory_space<hbm>>) target(%dma_start3A_517 : memref<64xf32, #tpu.memory_space<vmem>>) target_semaphore(%arg7 : memref<!tpu.dma_semaphore, #tpu.memory_space<semaphore_mem>>)
      %gt3A = arith.constant 0 : i32
      %gt3A_521 = arith.cmpi sgt, %scan3A_231, %gt3A : i32
      %convert_element_type3A = arith.extui %gt3A_521 : i1 to i32
      %cond3A = arith.constant 0 : i32
      %cond3A_522 = arith.cmpi ne, %convert_element_type3A, %cond3A : i32
      scf.if %cond3A_522 {
        %dma_wait3A_523 = arith.constant 0 : i32
        %dma_wait3A_524 = arith.constant 0 : i32
        %dma_wait3A_525 = arith.constant 0 : i32
        %dma_wait3A_526 = tpu.memref_slice %arg6[%dma_wait3A_524, %dma_wait3A_525] : memref<512x64xf32, #tpu.memory_space<vmem>> -> memref<1x64xf32, #tpu.memory_space<vmem>>
        %dma_wait3A_527 = tpu.memref_squeeze %dma_wait3A_526 : memref<1x64xf32, #tpu.memory_space<vmem>> -> memref<64xf32, #tpu.memory_space<vmem>>
        %dma_wait3A_528 = arith.constant 0 : i32
        %dma_wait3A_529 = tpu.memref_slice %arg2[%dma_wait3A_523, %dma_wait3A_528] : memref<100000x64xf32, #tpu.memory_space<hbm>> -> memref<1x64xf32, #tpu.memory_space<hbm>>
        %dma_wait3A_530 = tpu.memref_squeeze %dma_wait3A_529 : memref<1x64xf32, #tpu.memory_space<hbm>> -> memref<64xf32, #tpu.memory_space<hbm>>
        %dma_wait3A_531 = arith.constant 0 : i32
        %dma_wait3A_532 = tpu.memref_slice %arg6[%dma_wait3A_524, %dma_wait3A_531] : memref<512x64xf32, #tpu.memory_space<vmem>> -> memref<1x64xf32, #tpu.memory_space<vmem>>
        %dma_wait3A_533 = tpu.memref_squeeze %dma_wait3A_532 : memref<1x64xf32, #tpu.memory_space<vmem>> -> memref<64xf32, #tpu.memory_space<vmem>>
        %dma_wait3A_534 = arith.constant 0 : i32
        %dma_wait3A_535 = tpu.memref_slice %arg2[%dma_wait3A_523, %dma_wait3A_534] : memref<100000x64xf32, #tpu.memory_space<hbm>> -> memref<1x64xf32, #tpu.memory_space<hbm>>
        %dma_wait3A_536 = tpu.memref_squeeze %dma_wait3A_535 : memref<1x64xf32, #tpu.memory_space<hbm>> -> memref<64xf32, #tpu.memory_space<hbm>>
        tpu.wait_dma2 semaphore(%arg7 : memref<!tpu.dma_semaphore, #tpu.memory_space<semaphore_mem>>) src(%dma_wait3A_536 : memref<64xf32, #tpu.memory_space<hbm>>) dst(%dma_wait3A_533 : memref<64xf32, #tpu.memory_space<vmem>>)
        %dma_wait3A_537 = arith.constant 0 : i32
        %dma_wait3A_538 = arith.constant 0 : i32
        %dma_wait3A_539 = arith.constant 0 : i32
        %dma_wait3A_540 = tpu.memref_slice %arg6[%dma_wait3A_538, %dma_wait3A_539] : memref<512x64xf32, #tpu.memory_space<vmem>> -> memref<1x64xf32, #tpu.memory_space<vmem>>
        %dma_wait3A_541 = tpu.memref_squeeze %dma_wait3A_540 : memref<1x64xf32, #tpu.memory_space<vmem>> -> memref<64xf32, #tpu.memory_space<vmem>>
        %dma_wait3A_542 = arith.constant 0 : i32
        %dma_wait3A_543 = tpu.memref_slice %arg2[%dma_wait3A_537, %dma_wait3A_542] : memref<100000x64xf32, #tpu.memory_space<hbm>> -> memref<1x64xf32, #tpu.memory_space<hbm>>
        %dma_wait3A_544 = tpu.memref_squeeze %dma_wait3A_543 : memref<1x64xf32, #tpu.memory_space<hbm>> -> memref<64xf32, #tpu.memory_space<hbm>>
        %dma_wait3A_545 = arith.constant 0 : i32
        %dma_wait3A_546 = tpu.memref_slice %arg6[%dma_wait3A_538, %dma_wait3A_545] : memref<512x64xf32, #tpu.memory_space<vmem>> -> memref<1x64xf32, #tpu.memory_space<vmem>>
        %dma_wait3A_547 = tpu.memref_squeeze %dma_wait3A_546 : memref<1x64xf32, #tpu.memory_space<vmem>> -> memref<64xf32, #tpu.memory_space<vmem>>
        %dma_wait3A_548 = arith.constant 0 : i32
        %dma_wait3A_549 = tpu.memref_slice %arg2[%dma_wait3A_537, %dma_wait3A_548] : memref<100000x64xf32, #tpu.memory_space<hbm>> -> memref<1x64xf32, #tpu.memory_space<hbm>>
        %dma_wait3A_550 = tpu.memref_squeeze %dma_wait3A_549 : memref<1x64xf32, #tpu.memory_space<hbm>> -> memref<64xf32, #tpu.memory_space<hbm>>
        tpu.wait_dma2 semaphore(%arg7 : memref<!tpu.dma_semaphore, #tpu.memory_space<semaphore_mem>>) src(%dma_wait3A_550 : memref<64xf32, #tpu.memory_space<hbm>>) dst(%dma_wait3A_547 : memref<64xf32, #tpu.memory_space<vmem>>)
        %dma_wait3A_551 = arith.constant 0 : i32
        %dma_wait3A_552 = arith.constant 0 : i32
        %dma_wait3A_553 = arith.constant 0 : i32
        %dma_wait3A_554 = tpu.memref_slice %arg6[%dma_wait3A_552, %dma_wait3A_553] : memref<512x64xf32, #tpu.memory_space<vmem>> -> memref<1x64xf32, #tpu.memory_space<vmem>>
        %dma_wait3A_555 = tpu.memref_squeeze %dma_wait3A_554 : memref<1x64xf32, #tpu.memory_space<vmem>> -> memref<64xf32, #tpu.memory_space<vmem>>
        %dma_wait3A_556 = arith.constant 0 : i32
        %dma_wait3A_557 = tpu.memref_slice %arg2[%dma_wait3A_551, %dma_wait3A_556] : memref<100000x64xf32, #tpu.memory_space<hbm>> -> memref<1x64xf32, #tpu.memory_space<hbm>>
        %dma_wait3A_558 = tpu.memref_squeeze %dma_wait3A_557 : memref<1x64xf32, #tpu.memory_space<hbm>> -> memref<64xf32, #tpu.memory_space<hbm>>
        %dma_wait3A_559 = arith.constant 0 : i32
        %dma_wait3A_560 = tpu.memref_slice %arg6[%dma_wait3A_552, %dma_wait3A_559] : memref<512x64xf32, #tpu.memory_space<vmem>> -> memref<1x64xf32, #tpu.memory_space<vmem>>
        %dma_wait3A_561 = tpu.memref_squeeze %dma_wait3A_560 : memref<1x64xf32, #tpu.memory_space<vmem>> -> memref<64xf32, #tpu.memory_space<vmem>>
        %dma_wait3A_562 = arith.constant 0 : i32
        %dma_wait3A_563 = tpu.memref_slice %arg2[%dma_wait3A_551, %dma_wait3A_562] : memref<100000x64xf32, #tpu.memory_space<hbm>> -> memref<1x64xf32, #tpu.memory_space<hbm>>
        %dma_wait3A_564 = tpu.memref_squeeze %dma_wait3A_563 : memref<1x64xf32, #tpu.memory_space<hbm>> -> memref<64xf32, #tpu.memory_space<hbm>>
        tpu.wait_dma2 semaphore(%arg7 : memref<!tpu.dma_semaphore, #tpu.memory_space<semaphore_mem>>) src(%dma_wait3A_564 : memref<64xf32, #tpu.memory_space<hbm>>) dst(%dma_wait3A_561 : memref<64xf32, #tpu.memory_space<vmem>>)
        %dma_wait3A_565 = arith.constant 0 : i32
        %dma_wait3A_566 = arith.constant 0 : i32
        %dma_wait3A_567 = arith.constant 0 : i32
        %dma_wait3A_568 = tpu.memref_slice %arg6[%dma_wait3A_566, %dma_wait3A_567] : memref<512x64xf32, #tpu.memory_space<vmem>> -> memref<1x64xf32, #tpu.memory_space<vmem>>
        %dma_wait3A_569 = tpu.memref_squeeze %dma_wait3A_568 : memref<1x64xf32, #tpu.memory_space<vmem>> -> memref<64xf32, #tpu.memory_space<vmem>>
        %dma_wait3A_570 = arith.constant 0 : i32
        %dma_wait3A_571 = tpu.memref_slice %arg2[%dma_wait3A_565, %dma_wait3A_570] : memref<100000x64xf32, #tpu.memory_space<hbm>> -> memref<1x64xf32, #tpu.memory_space<hbm>>
        %dma_wait3A_572 = tpu.memref_squeeze %dma_wait3A_571 : memref<1x64xf32, #tpu.memory_space<hbm>> -> memref<64xf32, #tpu.memory_space<hbm>>
        %dma_wait3A_573 = arith.constant 0 : i32
        %dma_wait3A_574 = tpu.memref_slice %arg6[%dma_wait3A_566, %dma_wait3A_573] : memref<512x64xf32, #tpu.memory_space<vmem>> -> memref<1x64xf32, #tpu.memory_space<vmem>>
        %dma_wait3A_575 = tpu.memref_squeeze %dma_wait3A_574 : memref<1x64xf32, #tpu.memory_space<vmem>> -> memref<64xf32, #tpu.memory_space<vmem>>
        %dma_wait3A_576 = arith.constant 0 : i32
        %dma_wait3A_577 = tpu.memref_slice %arg2[%dma_wait3A_565, %dma_wait3A_576] : memref<100000x64xf32, #tpu.memory_space<hbm>> -> memref<1x64xf32, #tpu.memory_space<hbm>>
        %dma_wait3A_578 = tpu.memref_squeeze %dma_wait3A_577 : memref<1x64xf32, #tpu.memory_space<hbm>> -> memref<64xf32, #tpu.memory_space<hbm>>
        tpu.wait_dma2 semaphore(%arg7 : memref<!tpu.dma_semaphore, #tpu.memory_space<semaphore_mem>>) src(%dma_wait3A_578 : memref<64xf32, #tpu.memory_space<hbm>>) dst(%dma_wait3A_575 : memref<64xf32, #tpu.memory_space<vmem>>)
        %dma_wait3A_579 = arith.constant 0 : i32
        %dma_wait3A_580 = arith.constant 0 : i32
        %dma_wait3A_581 = arith.constant 0 : i32
        %dma_wait3A_582 = tpu.memref_slice %arg6[%dma_wait3A_580, %dma_wait3A_581] : memref<512x64xf32, #tpu.memory_space<vmem>> -> memref<1x64xf32, #tpu.memory_space<vmem>>
        %dma_wait3A_583 = tpu.memref_squeeze %dma_wait3A_582 : memref<1x64xf32, #tpu.memory_space<vmem>> -> memref<64xf32, #tpu.memory_space<vmem>>
        %dma_wait3A_584 = arith.constant 0 : i32
        %dma_wait3A_585 = tpu.memref_slice %arg2[%dma_wait3A_579, %dma_wait3A_584] : memref<100000x64xf32, #tpu.memory_space<hbm>> -> memref<1x64xf32, #tpu.memory_space<hbm>>
        %dma_wait3A_586 = tpu.memref_squeeze %dma_wait3A_585 : memref<1x64xf32, #tpu.memory_space<hbm>> -> memref<64xf32, #tpu.memory_space<hbm>>
        %dma_wait3A_587 = arith.constant 0 : i32
        %dma_wait3A_588 = tpu.memref_slice %arg6[%dma_wait3A_580, %dma_wait3A_587] : memref<512x64xf32, #tpu.memory_space<vmem>> -> memref<1x64xf32, #tpu.memory_space<vmem>>
        %dma_wait3A_589 = tpu.memref_squeeze %dma_wait3A_588 : memref<1x64xf32, #tpu.memory_space<vmem>> -> memref<64xf32, #tpu.memory_space<vmem>>
        %dma_wait3A_590 = arith.constant 0 : i32
        %dma_wait3A_591 = tpu.memref_slice %arg2[%dma_wait3A_579, %dma_wait3A_590] : memref<100000x64xf32, #tpu.memory_space<hbm>> -> memref<1x64xf32, #tpu.memory_space<hbm>>
        %dma_wait3A_592 = tpu.memref_squeeze %dma_wait3A_591 : memref<1x64xf32, #tpu.memory_space<hbm>> -> memref<64xf32, #tpu.memory_space<hbm>>
        tpu.wait_dma2 semaphore(%arg7 : memref<!tpu.dma_semaphore, #tpu.memory_space<semaphore_mem>>) src(%dma_wait3A_592 : memref<64xf32, #tpu.memory_space<hbm>>) dst(%dma_wait3A_589 : memref<64xf32, #tpu.memory_space<vmem>>)
        %dma_wait3A_593 = arith.constant 0 : i32
        %dma_wait3A_594 = arith.constant 0 : i32
        %dma_wait3A_595 = arith.constant 0 : i32
        %dma_wait3A_596 = tpu.memref_slice %arg6[%dma_wait3A_594, %dma_wait3A_595] : memref<512x64xf32, #tpu.memory_space<vmem>> -> memref<1x64xf32, #tpu.memory_space<vmem>>
        %dma_wait3A_597 = tpu.memref_squeeze %dma_wait3A_596 : memref<1x64xf32, #tpu.memory_space<vmem>> -> memref<64xf32, #tpu.memory_space<vmem>>
        %dma_wait3A_598 = arith.constant 0 : i32
        %dma_wait3A_599 = tpu.memref_slice %arg2[%dma_wait3A_593, %dma_wait3A_598] : memref<100000x64xf32, #tpu.memory_space<hbm>> -> memref<1x64xf32, #tpu.memory_space<hbm>>
        %dma_wait3A_600 = tpu.memref_squeeze %dma_wait3A_599 : memref<1x64xf32, #tpu.memory_space<hbm>> -> memref<64xf32, #tpu.memory_space<hbm>>
        %dma_wait3A_601 = arith.constant 0 : i32
        %dma_wait3A_602 = tpu.memref_slice %arg6[%dma_wait3A_594, %dma_wait3A_601] : memref<512x64xf32, #tpu.memory_space<vmem>> -> memref<1x64xf32, #tpu.memory_space<vmem>>
        %dma_wait3A_603 = tpu.memref_squeeze %dma_wait3A_602 : memref<1x64xf32, #tpu.memory_space<vmem>> -> memref<64xf32, #tpu.memory_space<vmem>>
        %dma_wait3A_604 = arith.constant 0 : i32
        %dma_wait3A_605 = tpu.memref_slice %arg2[%dma_wait3A_593, %dma_wait3A_604] : memref<100000x64xf32, #tpu.memory_space<hbm>> -> memref<1x64xf32, #tpu.memory_space<hbm>>
        %dma_wait3A_606 = tpu.memref_squeeze %dma_wait3A_605 : memref<1x64xf32, #tpu.memory_space<hbm>> -> memref<64xf32, #tpu.memory_space<hbm>>
        tpu.wait_dma2 semaphore(%arg7 : memref<!tpu.dma_semaphore, #tpu.memory_space<semaphore_mem>>) src(%dma_wait3A_606 : memref<64xf32, #tpu.memory_space<hbm>>) dst(%dma_wait3A_603 : memref<64xf32, #tpu.memory_space<vmem>>)
        %dma_wait3A_607 = arith.constant 0 : i32
        %dma_wait3A_608 = arith.constant 0 : i32
        %dma_wait3A_609 = arith.constant 0 : i32
        %dma_wait3A_610 = tpu.memref_slice %arg6[%dma_wait3A_608, %dma_wait3A_609] : memref<512x64xf32, #tpu.memory_space<vmem>> -> memref<1x64xf32, #tpu.memory_space<vmem>>
        %dma_wait3A_611 = tpu.memref_squeeze %dma_wait3A_610 : memref<1x64xf32, #tpu.memory_space<vmem>> -> memref<64xf32, #tpu.memory_space<vmem>>
        %dma_wait3A_612 = arith.constant 0 : i32
        %dma_wait3A_613 = tpu.memref_slice %arg2[%dma_wait3A_607, %dma_wait3A_612] : memref<100000x64xf32, #tpu.memory_space<hbm>> -> memref<1x64xf32, #tpu.memory_space<hbm>>
        %dma_wait3A_614 = tpu.memref_squeeze %dma_wait3A_613 : memref<1x64xf32, #tpu.memory_space<hbm>> -> memref<64xf32, #tpu.memory_space<hbm>>
        %dma_wait3A_615 = arith.constant 0 : i32
        %dma_wait3A_616 = tpu.memref_slice %arg6[%dma_wait3A_608, %dma_wait3A_615] : memref<512x64xf32, #tpu.memory_space<vmem>> -> memref<1x64xf32, #tpu.memory_space<vmem>>
        %dma_wait3A_617 = tpu.memref_squeeze %dma_wait3A_616 : memref<1x64xf32, #tpu.memory_space<vmem>> -> memref<64xf32, #tpu.memory_space<vmem>>
        %dma_wait3A_618 = arith.constant 0 : i32
        %dma_wait3A_619 = tpu.memref_slice %arg2[%dma_wait3A_607, %dma_wait3A_618] : memref<100000x64xf32, #tpu.memory_space<hbm>> -> memref<1x64xf32, #tpu.memory_space<hbm>>
        %dma_wait3A_620 = tpu.memref_squeeze %dma_wait3A_619 : memref<1x64xf32, #tpu.memory_space<hbm>> -> memref<64xf32, #tpu.memory_space<hbm>>
        tpu.wait_dma2 semaphore(%arg7 : memref<!tpu.dma_semaphore, #tpu.memory_space<semaphore_mem>>) src(%dma_wait3A_620 : memref<64xf32, #tpu.memory_space<hbm>>) dst(%dma_wait3A_617 : memref<64xf32, #tpu.memory_space<vmem>>)
        %dma_wait3A_621 = arith.constant 0 : i32
        %dma_wait3A_622 = arith.constant 0 : i32
        %dma_wait3A_623 = arith.constant 0 : i32
        %dma_wait3A_624 = tpu.memref_slice %arg6[%dma_wait3A_622, %dma_wait3A_623] : memref<512x64xf32, #tpu.memory_space<vmem>> -> memref<1x64xf32, #tpu.memory_space<vmem>>
        %dma_wait3A_625 = tpu.memref_squeeze %dma_wait3A_624 : memref<1x64xf32, #tpu.memory_space<vmem>> -> memref<64xf32, #tpu.memory_space<vmem>>
        %dma_wait3A_626 = arith.constant 0 : i32
        %dma_wait3A_627 = tpu.memref_slice %arg2[%dma_wait3A_621, %dma_wait3A_626] : memref<100000x64xf32, #tpu.memory_space<hbm>> -> memref<1x64xf32, #tpu.memory_space<hbm>>
        %dma_wait3A_628 = tpu.memref_squeeze %dma_wait3A_627 : memref<1x64xf32, #tpu.memory_space<hbm>> -> memref<64xf32, #tpu.memory_space<hbm>>
        %dma_wait3A_629 = arith.constant 0 : i32
        %dma_wait3A_630 = tpu.memref_slice %arg6[%dma_wait3A_622, %dma_wait3A_629] : memref<512x64xf32, #tpu.memory_space<vmem>> -> memref<1x64xf32, #tpu.memory_space<vmem>>
        %dma_wait3A_631 = tpu.memref_squeeze %dma_wait3A_630 : memref<1x64xf32, #tpu.memory_space<vmem>> -> memref<64xf32, #tpu.memory_space<vmem>>
        %dma_wait3A_632 = arith.constant 0 : i32
        %dma_wait3A_633 = tpu.memref_slice %arg2[%dma_wait3A_621, %dma_wait3A_632] : memref<100000x64xf32, #tpu.memory_space<hbm>> -> memref<1x64xf32, #tpu.memory_space<hbm>>
        %dma_wait3A_634 = tpu.memref_squeeze %dma_wait3A_633 : memref<1x64xf32, #tpu.memory_space<hbm>> -> memref<64xf32, #tpu.memory_space<hbm>>
        tpu.wait_dma2 semaphore(%arg7 : memref<!tpu.dma_semaphore, #tpu.memory_space<semaphore_mem>>) src(%dma_wait3A_634 : memref<64xf32, #tpu.memory_space<hbm>>) dst(%dma_wait3A_631 : memref<64xf32, #tpu.memory_space<vmem>>)
        %dma_wait3A_635 = arith.constant 0 : i32
        %dma_wait3A_636 = arith.constant 0 : i32
        %dma_wait3A_637 = arith.constant 0 : i32
        %dma_wait3A_638 = tpu.memref_slice %arg6[%dma_wait3A_636, %dma_wait3A_637] : memref<512x64xf32, #tpu.memory_space<vmem>> -> memref<1x64xf32, #tpu.memory_space<vmem>>
        %dma_wait3A_639 = tpu.memref_squeeze %dma_wait3A_638 : memref<1x64xf32, #tpu.memory_space<vmem>> -> memref<64xf32, #tpu.memory_space<vmem>>
        %dma_wait3A_640 = arith.constant 0 : i32
        %dma_wait3A_641 = tpu.memref_slice %arg2[%dma_wait3A_635, %dma_wait3A_640] : memref<100000x64xf32, #tpu.memory_space<hbm>> -> memref<1x64xf32, #tpu.memory_space<hbm>>
        %dma_wait3A_642 = tpu.memref_squeeze %dma_wait3A_641 : memref<1x64xf32, #tpu.memory_space<hbm>> -> memref<64xf32, #tpu.memory_space<hbm>>
        %dma_wait3A_643 = arith.constant 0 : i32
        %dma_wait3A_644 = tpu.memref_slice %arg6[%dma_wait3A_636, %dma_wait3A_643] : memref<512x64xf32, #tpu.memory_space<vmem>> -> memref<1x64xf32, #tpu.memory_space<vmem>>
        %dma_wait3A_645 = tpu.memref_squeeze %dma_wait3A_644 : memref<1x64xf32, #tpu.memory_space<vmem>> -> memref<64xf32, #tpu.memory_space<vmem>>
        %dma_wait3A_646 = arith.constant 0 : i32
        %dma_wait3A_647 = tpu.memref_slice %arg2[%dma_wait3A_635, %dma_wait3A_646] : memref<100000x64xf32, #tpu.memory_space<hbm>> -> memref<1x64xf32, #tpu.memory_space<hbm>>
        %dma_wait3A_648 = tpu.memref_squeeze %dma_wait3A_647 : memref<1x64xf32, #tpu.memory_space<hbm>> -> memref<64xf32, #tpu.memory_space<hbm>>
        tpu.wait_dma2 semaphore(%arg7 : memref<!tpu.dma_semaphore, #tpu.memory_space<semaphore_mem>>) src(%dma_wait3A_648 : memref<64xf32, #tpu.memory_space<hbm>>) dst(%dma_wait3A_645 : memref<64xf32, #tpu.memory_space<vmem>>)
        %dma_wait3A_649 = arith.constant 0 : i32
        %dma_wait3A_650 = arith.constant 0 : i32
        %dma_wait3A_651 = arith.constant 0 : i32
        %dma_wait3A_652 = tpu.memref_slice %arg6[%dma_wait3A_650, %dma_wait3A_651] : memref<512x64xf32, #tpu.memory_space<vmem>> -> memref<1x64xf32, #tpu.memory_space<vmem>>
        %dma_wait3A_653 = tpu.memref_squeeze %dma_wait3A_652 : memref<1x64xf32, #tpu.memory_space<vmem>> -> memref<64xf32, #tpu.memory_space<vmem>>
        %dma_wait3A_654 = arith.constant 0 : i32
        %dma_wait3A_655 = tpu.memref_slice %arg2[%dma_wait3A_649, %dma_wait3A_654] : memref<100000x64xf32, #tpu.memory_space<hbm>> -> memref<1x64xf32, #tpu.memory_space<hbm>>
        %dma_wait3A_656 = tpu.memref_squeeze %dma_wait3A_655 : memref<1x64xf32, #tpu.memory_space<hbm>> -> memref<64xf32, #tpu.memory_space<hbm>>
        %dma_wait3A_657 = arith.constant 0 : i32
        %dma_wait3A_658 = tpu.memref_slice %arg6[%dma_wait3A_650, %dma_wait3A_657] : memref<512x64xf32, #tpu.memory_space<vmem>> -> memref<1x64xf32, #tpu.memory_space<vmem>>
        %dma_wait3A_659 = tpu.memref_squeeze %dma_wait3A_658 : memref<1x64xf32, #tpu.memory_space<vmem>> -> memref<64xf32, #tpu.memory_space<vmem>>
        %dma_wait3A_660 = arith.constant 0 : i32
        %dma_wait3A_661 = tpu.memref_slice %arg2[%dma_wait3A_649, %dma_wait3A_660] : memref<100000x64xf32, #tpu.memory_space<hbm>> -> memref<1x64xf32, #tpu.memory_space<hbm>>
        %dma_wait3A_662 = tpu.memref_squeeze %dma_wait3A_661 : memref<1x64xf32, #tpu.memory_space<hbm>> -> memref<64xf32, #tpu.memory_space<hbm>>
        tpu.wait_dma2 semaphore(%arg7 : memref<!tpu.dma_semaphore, #tpu.memory_space<semaphore_mem>>) src(%dma_wait3A_662 : memref<64xf32, #tpu.memory_space<hbm>>) dst(%dma_wait3A_659 : memref<64xf32, #tpu.memory_space<vmem>>)
        %dma_wait3A_663 = arith.constant 0 : i32
        %dma_wait3A_664 = arith.constant 0 : i32
        %dma_wait3A_665 = arith.constant 0 : i32
        %dma_wait3A_666 = tpu.memref_slice %arg6[%dma_wait3A_664, %dma_wait3A_665] : memref<512x64xf32, #tpu.memory_space<vmem>> -> memref<1x64xf32, #tpu.memory_space<vmem>>
        %dma_wait3A_667 = tpu.memref_squeeze %dma_wait3A_666 : memref<1x64xf32, #tpu.memory_space<vmem>> -> memref<64xf32, #tpu.memory_space<vmem>>
        %dma_wait3A_668 = arith.constant 0 : i32
        %dma_wait3A_669 = tpu.memref_slice %arg2[%dma_wait3A_663, %dma_wait3A_668] : memref<100000x64xf32, #tpu.memory_space<hbm>> -> memref<1x64xf32, #tpu.memory_space<hbm>>
        %dma_wait3A_670 = tpu.memref_squeeze %dma_wait3A_669 : memref<1x64xf32, #tpu.memory_space<hbm>> -> memref<64xf32, #tpu.memory_space<hbm>>
        %dma_wait3A_671 = arith.constant 0 : i32
        %dma_wait3A_672 = tpu.memref_slice %arg6[%dma_wait3A_664, %dma_wait3A_671] : memref<512x64xf32, #tpu.memory_space<vmem>> -> memref<1x64xf32, #tpu.memory_space<vmem>>
        %dma_wait3A_673 = tpu.memref_squeeze %dma_wait3A_672 : memref<1x64xf32, #tpu.memory_space<vmem>> -> memref<64xf32, #tpu.memory_space<vmem>>
        %dma_wait3A_674 = arith.constant 0 : i32
        %dma_wait3A_675 = tpu.memref_slice %arg2[%dma_wait3A_663, %dma_wait3A_674] : memref<100000x64xf32, #tpu.memory_space<hbm>> -> memref<1x64xf32, #tpu.memory_space<hbm>>
        %dma_wait3A_676 = tpu.memref_squeeze %dma_wait3A_675 : memref<1x64xf32, #tpu.memory_space<hbm>> -> memref<64xf32, #tpu.memory_space<hbm>>
        tpu.wait_dma2 semaphore(%arg7 : memref<!tpu.dma_semaphore, #tpu.memory_space<semaphore_mem>>) src(%dma_wait3A_676 : memref<64xf32, #tpu.memory_space<hbm>>) dst(%dma_wait3A_673 : memref<64xf32, #tpu.memory_space<vmem>>)
        %dma_wait3A_677 = arith.constant 0 : i32
        %dma_wait3A_678 = arith.constant 0 : i32
        %dma_wait3A_679 = arith.constant 0 : i32
        %dma_wait3A_680 = tpu.memref_slice %arg6[%dma_wait3A_678, %dma_wait3A_679] : memref<512x64xf32, #tpu.memory_space<vmem>> -> memref<1x64xf32, #tpu.memory_space<vmem>>
        %dma_wait3A_681 = tpu.memref_squeeze %dma_wait3A_680 : memref<1x64xf32, #tpu.memory_space<vmem>> -> memref<64xf32, #tpu.memory_space<vmem>>
        %dma_wait3A_682 = arith.constant 0 : i32
        %dma_wait3A_683 = tpu.memref_slice %arg2[%dma_wait3A_677, %dma_wait3A_682] : memref<100000x64xf32, #tpu.memory_space<hbm>> -> memref<1x64xf32, #tpu.memory_space<hbm>>
        %dma_wait3A_684 = tpu.memref_squeeze %dma_wait3A_683 : memref<1x64xf32, #tpu.memory_space<hbm>> -> memref<64xf32, #tpu.memory_space<hbm>>
        %dma_wait3A_685 = arith.constant 0 : i32
        %dma_wait3A_686 = tpu.memref_slice %arg6[%dma_wait3A_678, %dma_wait3A_685] : memref<512x64xf32, #tpu.memory_space<vmem>> -> memref<1x64xf32, #tpu.memory_space<vmem>>
        %dma_wait3A_687 = tpu.memref_squeeze %dma_wait3A_686 : memref<1x64xf32, #tpu.memory_space<vmem>> -> memref<64xf32, #tpu.memory_space<vmem>>
        %dma_wait3A_688 = arith.constant 0 : i32
        %dma_wait3A_689 = tpu.memref_slice %arg2[%dma_wait3A_677, %dma_wait3A_688] : memref<100000x64xf32, #tpu.memory_space<hbm>> -> memref<1x64xf32, #tpu.memory_space<hbm>>
        %dma_wait3A_690 = tpu.memref_squeeze %dma_wait3A_689 : memref<1x64xf32, #tpu.memory_space<hbm>> -> memref<64xf32, #tpu.memory_space<hbm>>
        tpu.wait_dma2 semaphore(%arg7 : memref<!tpu.dma_semaphore, #tpu.memory_space<semaphore_mem>>) src(%dma_wait3A_690 : memref<64xf32, #tpu.memory_space<hbm>>) dst(%dma_wait3A_687 : memref<64xf32, #tpu.memory_space<vmem>>)
        %dma_wait3A_691 = arith.constant 0 : i32
        %dma_wait3A_692 = arith.constant 0 : i32
        %dma_wait3A_693 = arith.constant 0 : i32
        %dma_wait3A_694 = tpu.memref_slice %arg6[%dma_wait3A_692, %dma_wait3A_693] : memref<512x64xf32, #tpu.memory_space<vmem>> -> memref<1x64xf32, #tpu.memory_space<vmem>>
        %dma_wait3A_695 = tpu.memref_squeeze %dma_wait3A_694 : memref<1x64xf32, #tpu.memory_space<vmem>> -> memref<64xf32, #tpu.memory_space<vmem>>
        %dma_wait3A_696 = arith.constant 0 : i32
        %dma_wait3A_697 = tpu.memref_slice %arg2[%dma_wait3A_691, %dma_wait3A_696] : memref<100000x64xf32, #tpu.memory_space<hbm>> -> memref<1x64xf32, #tpu.memory_space<hbm>>
        %dma_wait3A_698 = tpu.memref_squeeze %dma_wait3A_697 : memref<1x64xf32, #tpu.memory_space<hbm>> -> memref<64xf32, #tpu.memory_space<hbm>>
        %dma_wait3A_699 = arith.constant 0 : i32
        %dma_wait3A_700 = tpu.memref_slice %arg6[%dma_wait3A_692, %dma_wait3A_699] : memref<512x64xf32, #tpu.memory_space<vmem>> -> memref<1x64xf32, #tpu.memory_space<vmem>>
        %dma_wait3A_701 = tpu.memref_squeeze %dma_wait3A_700 : memref<1x64xf32, #tpu.memory_space<vmem>> -> memref<64xf32, #tpu.memory_space<vmem>>
        %dma_wait3A_702 = arith.constant 0 : i32
        %dma_wait3A_703 = tpu.memref_slice %arg2[%dma_wait3A_691, %dma_wait3A_702] : memref<100000x64xf32, #tpu.memory_space<hbm>> -> memref<1x64xf32, #tpu.memory_space<hbm>>
        %dma_wait3A_704 = tpu.memref_squeeze %dma_wait3A_703 : memref<1x64xf32, #tpu.memory_space<hbm>> -> memref<64xf32, #tpu.memory_space<hbm>>
        tpu.wait_dma2 semaphore(%arg7 : memref<!tpu.dma_semaphore, #tpu.memory_space<semaphore_mem>>) src(%dma_wait3A_704 : memref<64xf32, #tpu.memory_space<hbm>>) dst(%dma_wait3A_701 : memref<64xf32, #tpu.memory_space<vmem>>)
        %dma_wait3A_705 = arith.constant 0 : i32
        %dma_wait3A_706 = arith.constant 0 : i32
        %dma_wait3A_707 = arith.constant 0 : i32
        %dma_wait3A_708 = tpu.memref_slice %arg6[%dma_wait3A_706, %dma_wait3A_707] : memref<512x64xf32, #tpu.memory_space<vmem>> -> memref<1x64xf32, #tpu.memory_space<vmem>>
        %dma_wait3A_709 = tpu.memref_squeeze %dma_wait3A_708 : memref<1x64xf32, #tpu.memory_space<vmem>> -> memref<64xf32, #tpu.memory_space<vmem>>
        %dma_wait3A_710 = arith.constant 0 : i32
        %dma_wait3A_711 = tpu.memref_slice %arg2[%dma_wait3A_705, %dma_wait3A_710] : memref<100000x64xf32, #tpu.memory_space<hbm>> -> memref<1x64xf32, #tpu.memory_space<hbm>>
        %dma_wait3A_712 = tpu.memref_squeeze %dma_wait3A_711 : memref<1x64xf32, #tpu.memory_space<hbm>> -> memref<64xf32, #tpu.memory_space<hbm>>
        %dma_wait3A_713 = arith.constant 0 : i32
        %dma_wait3A_714 = tpu.memref_slice %arg6[%dma_wait3A_706, %dma_wait3A_713] : memref<512x64xf32, #tpu.memory_space<vmem>> -> memref<1x64xf32, #tpu.memory_space<vmem>>
        %dma_wait3A_715 = tpu.memref_squeeze %dma_wait3A_714 : memref<1x64xf32, #tpu.memory_space<vmem>> -> memref<64xf32, #tpu.memory_space<vmem>>
        %dma_wait3A_716 = arith.constant 0 : i32
        %dma_wait3A_717 = tpu.memref_slice %arg2[%dma_wait3A_705, %dma_wait3A_716] : memref<100000x64xf32, #tpu.memory_space<hbm>> -> memref<1x64xf32, #tpu.memory_space<hbm>>
        %dma_wait3A_718 = tpu.memref_squeeze %dma_wait3A_717 : memref<1x64xf32, #tpu.memory_space<hbm>> -> memref<64xf32, #tpu.memory_space<hbm>>
        tpu.wait_dma2 semaphore(%arg7 : memref<!tpu.dma_semaphore, #tpu.memory_space<semaphore_mem>>) src(%dma_wait3A_718 : memref<64xf32, #tpu.memory_space<hbm>>) dst(%dma_wait3A_715 : memref<64xf32, #tpu.memory_space<vmem>>)
        %dma_wait3A_719 = arith.constant 0 : i32
        %dma_wait3A_720 = arith.constant 0 : i32
        %dma_wait3A_721 = arith.constant 0 : i32
        %dma_wait3A_722 = tpu.memref_slice %arg6[%dma_wait3A_720, %dma_wait3A_721] : memref<512x64xf32, #tpu.memory_space<vmem>> -> memref<1x64xf32, #tpu.memory_space<vmem>>
        %dma_wait3A_723 = tpu.memref_squeeze %dma_wait3A_722 : memref<1x64xf32, #tpu.memory_space<vmem>> -> memref<64xf32, #tpu.memory_space<vmem>>
        %dma_wait3A_724 = arith.constant 0 : i32
        %dma_wait3A_725 = tpu.memref_slice %arg2[%dma_wait3A_719, %dma_wait3A_724] : memref<100000x64xf32, #tpu.memory_space<hbm>> -> memref<1x64xf32, #tpu.memory_space<hbm>>
        %dma_wait3A_726 = tpu.memref_squeeze %dma_wait3A_725 : memref<1x64xf32, #tpu.memory_space<hbm>> -> memref<64xf32, #tpu.memory_space<hbm>>
        %dma_wait3A_727 = arith.constant 0 : i32
        %dma_wait3A_728 = tpu.memref_slice %arg6[%dma_wait3A_720, %dma_wait3A_727] : memref<512x64xf32, #tpu.memory_space<vmem>> -> memref<1x64xf32, #tpu.memory_space<vmem>>
        %dma_wait3A_729 = tpu.memref_squeeze %dma_wait3A_728 : memref<1x64xf32, #tpu.memory_space<vmem>> -> memref<64xf32, #tpu.memory_space<vmem>>
        %dma_wait3A_730 = arith.constant 0 : i32
        %dma_wait3A_731 = tpu.memref_slice %arg2[%dma_wait3A_719, %dma_wait3A_730] : memref<100000x64xf32, #tpu.memory_space<hbm>> -> memref<1x64xf32, #tpu.memory_space<hbm>>
        %dma_wait3A_732 = tpu.memref_squeeze %dma_wait3A_731 : memref<1x64xf32, #tpu.memory_space<hbm>> -> memref<64xf32, #tpu.memory_space<hbm>>
        tpu.wait_dma2 semaphore(%arg7 : memref<!tpu.dma_semaphore, #tpu.memory_space<semaphore_mem>>) src(%dma_wait3A_732 : memref<64xf32, #tpu.memory_space<hbm>>) dst(%dma_wait3A_729 : memref<64xf32, #tpu.memory_space<vmem>>)
        %dma_wait3A_733 = arith.constant 0 : i32
        %dma_wait3A_734 = arith.constant 0 : i32
        %dma_wait3A_735 = arith.constant 0 : i32
        %dma_wait3A_736 = tpu.memref_slice %arg6[%dma_wait3A_734, %dma_wait3A_735] : memref<512x64xf32, #tpu.memory_space<vmem>> -> memref<1x64xf32, #tpu.memory_space<vmem>>
        %dma_wait3A_737 = tpu.memref_squeeze %dma_wait3A_736 : memref<1x64xf32, #tpu.memory_space<vmem>> -> memref<64xf32, #tpu.memory_space<vmem>>
        %dma_wait3A_738 = arith.constant 0 : i32
        %dma_wait3A_739 = tpu.memref_slice %arg2[%dma_wait3A_733, %dma_wait3A_738] : memref<100000x64xf32, #tpu.memory_space<hbm>> -> memref<1x64xf32, #tpu.memory_space<hbm>>
        %dma_wait3A_740 = tpu.memref_squeeze %dma_wait3A_739 : memref<1x64xf32, #tpu.memory_space<hbm>> -> memref<64xf32, #tpu.memory_space<hbm>>
        %dma_wait3A_741 = arith.constant 0 : i32
        %dma_wait3A_742 = tpu.memref_slice %arg6[%dma_wait3A_734, %dma_wait3A_741] : memref<512x64xf32, #tpu.memory_space<vmem>> -> memref<1x64xf32, #tpu.memory_space<vmem>>
        %dma_wait3A_743 = tpu.memref_squeeze %dma_wait3A_742 : memref<1x64xf32, #tpu.memory_space<vmem>> -> memref<64xf32, #tpu.memory_space<vmem>>
        %dma_wait3A_744 = arith.constant 0 : i32
        %dma_wait3A_745 = tpu.memref_slice %arg2[%dma_wait3A_733, %dma_wait3A_744] : memref<100000x64xf32, #tpu.memory_space<hbm>> -> memref<1x64xf32, #tpu.memory_space<hbm>>
        %dma_wait3A_746 = tpu.memref_squeeze %dma_wait3A_745 : memref<1x64xf32, #tpu.memory_space<hbm>> -> memref<64xf32, #tpu.memory_space<hbm>>
        tpu.wait_dma2 semaphore(%arg7 : memref<!tpu.dma_semaphore, #tpu.memory_space<semaphore_mem>>) src(%dma_wait3A_746 : memref<64xf32, #tpu.memory_space<hbm>>) dst(%dma_wait3A_743 : memref<64xf32, #tpu.memory_space<vmem>>)
      } else {
      }
    }
    %scan3A_7 = arith.constant 32 : i32
    %dma_wait3A = arith.constant 0 : i32
    %dma_wait3A_8 = arith.constant 0 : i32
    %dma_wait3A_9 = arith.constant 0 : i32
    %dma_wait3A_10 = tpu.memref_slice %arg6[%dma_wait3A_8, %dma_wait3A_9] : memref<512x64xf32, #tpu.memory_space<vmem>> -> memref<1x64xf32, #tpu.memory_space<vmem>>
    %dma_wait3A_11 = tpu.memref_squeeze %dma_wait3A_10 : memref<1x64xf32, #tpu.memory_space<vmem>> -> memref<64xf32, #tpu.memory_space<vmem>>
    %dma_wait3A_12 = arith.constant 0 : i32
    %dma_wait3A_13 = tpu.memref_slice %arg2[%dma_wait3A, %dma_wait3A_12] : memref<100000x64xf32, #tpu.memory_space<hbm>> -> memref<1x64xf32, #tpu.memory_space<hbm>>
    %dma_wait3A_14 = tpu.memref_squeeze %dma_wait3A_13 : memref<1x64xf32, #tpu.memory_space<hbm>> -> memref<64xf32, #tpu.memory_space<hbm>>
    %dma_wait3A_15 = arith.constant 0 : i32
    %dma_wait3A_16 = tpu.memref_slice %arg6[%dma_wait3A_8, %dma_wait3A_15] : memref<512x64xf32, #tpu.memory_space<vmem>> -> memref<1x64xf32, #tpu.memory_space<vmem>>
    %dma_wait3A_17 = tpu.memref_squeeze %dma_wait3A_16 : memref<1x64xf32, #tpu.memory_space<vmem>> -> memref<64xf32, #tpu.memory_space<vmem>>
    %dma_wait3A_18 = arith.constant 0 : i32
    %dma_wait3A_19 = tpu.memref_slice %arg2[%dma_wait3A, %dma_wait3A_18] : memref<100000x64xf32, #tpu.memory_space<hbm>> -> memref<1x64xf32, #tpu.memory_space<hbm>>
    %dma_wait3A_20 = tpu.memref_squeeze %dma_wait3A_19 : memref<1x64xf32, #tpu.memory_space<hbm>> -> memref<64xf32, #tpu.memory_space<hbm>>
    tpu.wait_dma2 semaphore(%arg7 : memref<!tpu.dma_semaphore, #tpu.memory_space<semaphore_mem>>) src(%dma_wait3A_20 : memref<64xf32, #tpu.memory_space<hbm>>) dst(%dma_wait3A_17 : memref<64xf32, #tpu.memory_space<vmem>>)
    %dma_wait3A_21 = arith.constant 0 : i32
    %dma_wait3A_22 = arith.constant 0 : i32
    %dma_wait3A_23 = arith.constant 0 : i32
    %dma_wait3A_24 = tpu.memref_slice %arg6[%dma_wait3A_22, %dma_wait3A_23] : memref<512x64xf32, #tpu.memory_space<vmem>> -> memref<1x64xf32, #tpu.memory_space<vmem>>
    %dma_wait3A_25 = tpu.memref_squeeze %dma_wait3A_24 : memref<1x64xf32, #tpu.memory_space<vmem>> -> memref<64xf32, #tpu.memory_space<vmem>>
    %dma_wait3A_26 = arith.constant 0 : i32
    %dma_wait3A_27 = tpu.memref_slice %arg2[%dma_wait3A_21, %dma_wait3A_26] : memref<100000x64xf32, #tpu.memory_space<hbm>> -> memref<1x64xf32, #tpu.memory_space<hbm>>
    %dma_wait3A_28 = tpu.memref_squeeze %dma_wait3A_27 : memref<1x64xf32, #tpu.memory_space<hbm>> -> memref<64xf32, #tpu.memory_space<hbm>>
    %dma_wait3A_29 = arith.constant 0 : i32
    %dma_wait3A_30 = tpu.memref_slice %arg6[%dma_wait3A_22, %dma_wait3A_29] : memref<512x64xf32, #tpu.memory_space<vmem>> -> memref<1x64xf32, #tpu.memory_space<vmem>>
    %dma_wait3A_31 = tpu.memref_squeeze %dma_wait3A_30 : memref<1x64xf32, #tpu.memory_space<vmem>> -> memref<64xf32, #tpu.memory_space<vmem>>
    %dma_wait3A_32 = arith.constant 0 : i32
    %dma_wait3A_33 = tpu.memref_slice %arg2[%dma_wait3A_21, %dma_wait3A_32] : memref<100000x64xf32, #tpu.memory_space<hbm>> -> memref<1x64xf32, #tpu.memory_space<hbm>>
    %dma_wait3A_34 = tpu.memref_squeeze %dma_wait3A_33 : memref<1x64xf32, #tpu.memory_space<hbm>> -> memref<64xf32, #tpu.memory_space<hbm>>
    tpu.wait_dma2 semaphore(%arg7 : memref<!tpu.dma_semaphore, #tpu.memory_space<semaphore_mem>>) src(%dma_wait3A_34 : memref<64xf32, #tpu.memory_space<hbm>>) dst(%dma_wait3A_31 : memref<64xf32, #tpu.memory_space<vmem>>)
    %dma_wait3A_35 = arith.constant 0 : i32
    %dma_wait3A_36 = arith.constant 0 : i32
    %dma_wait3A_37 = arith.constant 0 : i32
    %dma_wait3A_38 = tpu.memref_slice %arg6[%dma_wait3A_36, %dma_wait3A_37] : memref<512x64xf32, #tpu.memory_space<vmem>> -> memref<1x64xf32, #tpu.memory_space<vmem>>
    %dma_wait3A_39 = tpu.memref_squeeze %dma_wait3A_38 : memref<1x64xf32, #tpu.memory_space<vmem>> -> memref<64xf32, #tpu.memory_space<vmem>>
    %dma_wait3A_40 = arith.constant 0 : i32
    %dma_wait3A_41 = tpu.memref_slice %arg2[%dma_wait3A_35, %dma_wait3A_40] : memref<100000x64xf32, #tpu.memory_space<hbm>> -> memref<1x64xf32, #tpu.memory_space<hbm>>
    %dma_wait3A_42 = tpu.memref_squeeze %dma_wait3A_41 : memref<1x64xf32, #tpu.memory_space<hbm>> -> memref<64xf32, #tpu.memory_space<hbm>>
    %dma_wait3A_43 = arith.constant 0 : i32
    %dma_wait3A_44 = tpu.memref_slice %arg6[%dma_wait3A_36, %dma_wait3A_43] : memref<512x64xf32, #tpu.memory_space<vmem>> -> memref<1x64xf32, #tpu.memory_space<vmem>>
    %dma_wait3A_45 = tpu.memref_squeeze %dma_wait3A_44 : memref<1x64xf32, #tpu.memory_space<vmem>> -> memref<64xf32, #tpu.memory_space<vmem>>
    %dma_wait3A_46 = arith.constant 0 : i32
    %dma_wait3A_47 = tpu.memref_slice %arg2[%dma_wait3A_35, %dma_wait3A_46] : memref<100000x64xf32, #tpu.memory_space<hbm>> -> memref<1x64xf32, #tpu.memory_space<hbm>>
    %dma_wait3A_48 = tpu.memref_squeeze %dma_wait3A_47 : memref<1x64xf32, #tpu.memory_space<hbm>> -> memref<64xf32, #tpu.memory_space<hbm>>
    tpu.wait_dma2 semaphore(%arg7 : memref<!tpu.dma_semaphore, #tpu.memory_space<semaphore_mem>>) src(%dma_wait3A_48 : memref<64xf32, #tpu.memory_space<hbm>>) dst(%dma_wait3A_45 : memref<64xf32, #tpu.memory_space<vmem>>)
    %dma_wait3A_49 = arith.constant 0 : i32
    %dma_wait3A_50 = arith.constant 0 : i32
    %dma_wait3A_51 = arith.constant 0 : i32
    %dma_wait3A_52 = tpu.memref_slice %arg6[%dma_wait3A_50, %dma_wait3A_51] : memref<512x64xf32, #tpu.memory_space<vmem>> -> memref<1x64xf32, #tpu.memory_space<vmem>>
    %dma_wait3A_53 = tpu.memref_squeeze %dma_wait3A_52 : memref<1x64xf32, #tpu.memory_space<vmem>> -> memref<64xf32, #tpu.memory_space<vmem>>
    %dma_wait3A_54 = arith.constant 0 : i32
    %dma_wait3A_55 = tpu.memref_slice %arg2[%dma_wait3A_49, %dma_wait3A_54] : memref<100000x64xf32, #tpu.memory_space<hbm>> -> memref<1x64xf32, #tpu.memory_space<hbm>>
    %dma_wait3A_56 = tpu.memref_squeeze %dma_wait3A_55 : memref<1x64xf32, #tpu.memory_space<hbm>> -> memref<64xf32, #tpu.memory_space<hbm>>
    %dma_wait3A_57 = arith.constant 0 : i32
    %dma_wait3A_58 = tpu.memref_slice %arg6[%dma_wait3A_50, %dma_wait3A_57] : memref<512x64xf32, #tpu.memory_space<vmem>> -> memref<1x64xf32, #tpu.memory_space<vmem>>
    %dma_wait3A_59 = tpu.memref_squeeze %dma_wait3A_58 : memref<1x64xf32, #tpu.memory_space<vmem>> -> memref<64xf32, #tpu.memory_space<vmem>>
    %dma_wait3A_60 = arith.constant 0 : i32
    %dma_wait3A_61 = tpu.memref_slice %arg2[%dma_wait3A_49, %dma_wait3A_60] : memref<100000x64xf32, #tpu.memory_space<hbm>> -> memref<1x64xf32, #tpu.memory_space<hbm>>
    %dma_wait3A_62 = tpu.memref_squeeze %dma_wait3A_61 : memref<1x64xf32, #tpu.memory_space<hbm>> -> memref<64xf32, #tpu.memory_space<hbm>>
    tpu.wait_dma2 semaphore(%arg7 : memref<!tpu.dma_semaphore, #tpu.memory_space<semaphore_mem>>) src(%dma_wait3A_62 : memref<64xf32, #tpu.memory_space<hbm>>) dst(%dma_wait3A_59 : memref<64xf32, #tpu.memory_space<vmem>>)
    %dma_wait3A_63 = arith.constant 0 : i32
    %dma_wait3A_64 = arith.constant 0 : i32
    %dma_wait3A_65 = arith.constant 0 : i32
    %dma_wait3A_66 = tpu.memref_slice %arg6[%dma_wait3A_64, %dma_wait3A_65] : memref<512x64xf32, #tpu.memory_space<vmem>> -> memref<1x64xf32, #tpu.memory_space<vmem>>
    %dma_wait3A_67 = tpu.memref_squeeze %dma_wait3A_66 : memref<1x64xf32, #tpu.memory_space<vmem>> -> memref<64xf32, #tpu.memory_space<vmem>>
    %dma_wait3A_68 = arith.constant 0 : i32
    %dma_wait3A_69 = tpu.memref_slice %arg2[%dma_wait3A_63, %dma_wait3A_68] : memref<100000x64xf32, #tpu.memory_space<hbm>> -> memref<1x64xf32, #tpu.memory_space<hbm>>
    %dma_wait3A_70 = tpu.memref_squeeze %dma_wait3A_69 : memref<1x64xf32, #tpu.memory_space<hbm>> -> memref<64xf32, #tpu.memory_space<hbm>>
    %dma_wait3A_71 = arith.constant 0 : i32
    %dma_wait3A_72 = tpu.memref_slice %arg6[%dma_wait3A_64, %dma_wait3A_71] : memref<512x64xf32, #tpu.memory_space<vmem>> -> memref<1x64xf32, #tpu.memory_space<vmem>>
    %dma_wait3A_73 = tpu.memref_squeeze %dma_wait3A_72 : memref<1x64xf32, #tpu.memory_space<vmem>> -> memref<64xf32, #tpu.memory_space<vmem>>
    %dma_wait3A_74 = arith.constant 0 : i32
    %dma_wait3A_75 = tpu.memref_slice %arg2[%dma_wait3A_63, %dma_wait3A_74] : memref<100000x64xf32, #tpu.memory_space<hbm>> -> memref<1x64xf32, #tpu.memory_space<hbm>>
    %dma_wait3A_76 = tpu.memref_squeeze %dma_wait3A_75 : memref<1x64xf32, #tpu.memory_space<hbm>> -> memref<64xf32, #tpu.memory_space<hbm>>
    tpu.wait_dma2 semaphore(%arg7 : memref<!tpu.dma_semaphore, #tpu.memory_space<semaphore_mem>>) src(%dma_wait3A_76 : memref<64xf32, #tpu.memory_space<hbm>>) dst(%dma_wait3A_73 : memref<64xf32, #tpu.memory_space<vmem>>)
    %dma_wait3A_77 = arith.constant 0 : i32
    %dma_wait3A_78 = arith.constant 0 : i32
    %dma_wait3A_79 = arith.constant 0 : i32
    %dma_wait3A_80 = tpu.memref_slice %arg6[%dma_wait3A_78, %dma_wait3A_79] : memref<512x64xf32, #tpu.memory_space<vmem>> -> memref<1x64xf32, #tpu.memory_space<vmem>>
    %dma_wait3A_81 = tpu.memref_squeeze %dma_wait3A_80 : memref<1x64xf32, #tpu.memory_space<vmem>> -> memref<64xf32, #tpu.memory_space<vmem>>
    %dma_wait3A_82 = arith.constant 0 : i32
    %dma_wait3A_83 = tpu.memref_slice %arg2[%dma_wait3A_77, %dma_wait3A_82] : memref<100000x64xf32, #tpu.memory_space<hbm>> -> memref<1x64xf32, #tpu.memory_space<hbm>>
    %dma_wait3A_84 = tpu.memref_squeeze %dma_wait3A_83 : memref<1x64xf32, #tpu.memory_space<hbm>> -> memref<64xf32, #tpu.memory_space<hbm>>
    %dma_wait3A_85 = arith.constant 0 : i32
    %dma_wait3A_86 = tpu.memref_slice %arg6[%dma_wait3A_78, %dma_wait3A_85] : memref<512x64xf32, #tpu.memory_space<vmem>> -> memref<1x64xf32, #tpu.memory_space<vmem>>
    %dma_wait3A_87 = tpu.memref_squeeze %dma_wait3A_86 : memref<1x64xf32, #tpu.memory_space<vmem>> -> memref<64xf32, #tpu.memory_space<vmem>>
    %dma_wait3A_88 = arith.constant 0 : i32
    %dma_wait3A_89 = tpu.memref_slice %arg2[%dma_wait3A_77, %dma_wait3A_88] : memref<100000x64xf32, #tpu.memory_space<hbm>> -> memref<1x64xf32, #tpu.memory_space<hbm>>
    %dma_wait3A_90 = tpu.memref_squeeze %dma_wait3A_89 : memref<1x64xf32, #tpu.memory_space<hbm>> -> memref<64xf32, #tpu.memory_space<hbm>>
    tpu.wait_dma2 semaphore(%arg7 : memref<!tpu.dma_semaphore, #tpu.memory_space<semaphore_mem>>) src(%dma_wait3A_90 : memref<64xf32, #tpu.memory_space<hbm>>) dst(%dma_wait3A_87 : memref<64xf32, #tpu.memory_space<vmem>>)
    %dma_wait3A_91 = arith.constant 0 : i32
    %dma_wait3A_92 = arith.constant 0 : i32
    %dma_wait3A_93 = arith.constant 0 : i32
    %dma_wait3A_94 = tpu.memref_slice %arg6[%dma_wait3A_92, %dma_wait3A_93] : memref<512x64xf32, #tpu.memory_space<vmem>> -> memref<1x64xf32, #tpu.memory_space<vmem>>
    %dma_wait3A_95 = tpu.memref_squeeze %dma_wait3A_94 : memref<1x64xf32, #tpu.memory_space<vmem>> -> memref<64xf32, #tpu.memory_space<vmem>>
    %dma_wait3A_96 = arith.constant 0 : i32
    %dma_wait3A_97 = tpu.memref_slice %arg2[%dma_wait3A_91, %dma_wait3A_96] : memref<100000x64xf32, #tpu.memory_space<hbm>> -> memref<1x64xf32, #tpu.memory_space<hbm>>
    %dma_wait3A_98 = tpu.memref_squeeze %dma_wait3A_97 : memref<1x64xf32, #tpu.memory_space<hbm>> -> memref<64xf32, #tpu.memory_space<hbm>>
    %dma_wait3A_99 = arith.constant 0 : i32
    %dma_wait3A_100 = tpu.memref_slice %arg6[%dma_wait3A_92, %dma_wait3A_99] : memref<512x64xf32, #tpu.memory_space<vmem>> -> memref<1x64xf32, #tpu.memory_space<vmem>>
    %dma_wait3A_101 = tpu.memref_squeeze %dma_wait3A_100 : memref<1x64xf32, #tpu.memory_space<vmem>> -> memref<64xf32, #tpu.memory_space<vmem>>
    %dma_wait3A_102 = arith.constant 0 : i32
    %dma_wait3A_103 = tpu.memref_slice %arg2[%dma_wait3A_91, %dma_wait3A_102] : memref<100000x64xf32, #tpu.memory_space<hbm>> -> memref<1x64xf32, #tpu.memory_space<hbm>>
    %dma_wait3A_104 = tpu.memref_squeeze %dma_wait3A_103 : memref<1x64xf32, #tpu.memory_space<hbm>> -> memref<64xf32, #tpu.memory_space<hbm>>
    tpu.wait_dma2 semaphore(%arg7 : memref<!tpu.dma_semaphore, #tpu.memory_space<semaphore_mem>>) src(%dma_wait3A_104 : memref<64xf32, #tpu.memory_space<hbm>>) dst(%dma_wait3A_101 : memref<64xf32, #tpu.memory_space<vmem>>)
    %dma_wait3A_105 = arith.constant 0 : i32
    %dma_wait3A_106 = arith.constant 0 : i32
    %dma_wait3A_107 = arith.constant 0 : i32
    %dma_wait3A_108 = tpu.memref_slice %arg6[%dma_wait3A_106, %dma_wait3A_107] : memref<512x64xf32, #tpu.memory_space<vmem>> -> memref<1x64xf32, #tpu.memory_space<vmem>>
    %dma_wait3A_109 = tpu.memref_squeeze %dma_wait3A_108 : memref<1x64xf32, #tpu.memory_space<vmem>> -> memref<64xf32, #tpu.memory_space<vmem>>
    %dma_wait3A_110 = arith.constant 0 : i32
    %dma_wait3A_111 = tpu.memref_slice %arg2[%dma_wait3A_105, %dma_wait3A_110] : memref<100000x64xf32, #tpu.memory_space<hbm>> -> memref<1x64xf32, #tpu.memory_space<hbm>>
    %dma_wait3A_112 = tpu.memref_squeeze %dma_wait3A_111 : memref<1x64xf32, #tpu.memory_space<hbm>> -> memref<64xf32, #tpu.memory_space<hbm>>
    %dma_wait3A_113 = arith.constant 0 : i32
    %dma_wait3A_114 = tpu.memref_slice %arg6[%dma_wait3A_106, %dma_wait3A_113] : memref<512x64xf32, #tpu.memory_space<vmem>> -> memref<1x64xf32, #tpu.memory_space<vmem>>
    %dma_wait3A_115 = tpu.memref_squeeze %dma_wait3A_114 : memref<1x64xf32, #tpu.memory_space<vmem>> -> memref<64xf32, #tpu.memory_space<vmem>>
    %dma_wait3A_116 = arith.constant 0 : i32
    %dma_wait3A_117 = tpu.memref_slice %arg2[%dma_wait3A_105, %dma_wait3A_116] : memref<100000x64xf32, #tpu.memory_space<hbm>> -> memref<1x64xf32, #tpu.memory_space<hbm>>
    %dma_wait3A_118 = tpu.memref_squeeze %dma_wait3A_117 : memref<1x64xf32, #tpu.memory_space<hbm>> -> memref<64xf32, #tpu.memory_space<hbm>>
    tpu.wait_dma2 semaphore(%arg7 : memref<!tpu.dma_semaphore, #tpu.memory_space<semaphore_mem>>) src(%dma_wait3A_118 : memref<64xf32, #tpu.memory_space<hbm>>) dst(%dma_wait3A_115 : memref<64xf32, #tpu.memory_space<vmem>>)
    %dma_wait3A_119 = arith.constant 0 : i32
    %dma_wait3A_120 = arith.constant 0 : i32
    %dma_wait3A_121 = arith.constant 0 : i32
    %dma_wait3A_122 = tpu.memref_slice %arg6[%dma_wait3A_120, %dma_wait3A_121] : memref<512x64xf32, #tpu.memory_space<vmem>> -> memref<1x64xf32, #tpu.memory_space<vmem>>
    %dma_wait3A_123 = tpu.memref_squeeze %dma_wait3A_122 : memref<1x64xf32, #tpu.memory_space<vmem>> -> memref<64xf32, #tpu.memory_space<vmem>>
    %dma_wait3A_124 = arith.constant 0 : i32
    %dma_wait3A_125 = tpu.memref_slice %arg2[%dma_wait3A_119, %dma_wait3A_124] : memref<100000x64xf32, #tpu.memory_space<hbm>> -> memref<1x64xf32, #tpu.memory_space<hbm>>
    %dma_wait3A_126 = tpu.memref_squeeze %dma_wait3A_125 : memref<1x64xf32, #tpu.memory_space<hbm>> -> memref<64xf32, #tpu.memory_space<hbm>>
    %dma_wait3A_127 = arith.constant 0 : i32
    %dma_wait3A_128 = tpu.memref_slice %arg6[%dma_wait3A_120, %dma_wait3A_127] : memref<512x64xf32, #tpu.memory_space<vmem>> -> memref<1x64xf32, #tpu.memory_space<vmem>>
    %dma_wait3A_129 = tpu.memref_squeeze %dma_wait3A_128 : memref<1x64xf32, #tpu.memory_space<vmem>> -> memref<64xf32, #tpu.memory_space<vmem>>
    %dma_wait3A_130 = arith.constant 0 : i32
    %dma_wait3A_131 = tpu.memref_slice %arg2[%dma_wait3A_119, %dma_wait3A_130] : memref<100000x64xf32, #tpu.memory_space<hbm>> -> memref<1x64xf32, #tpu.memory_space<hbm>>
    %dma_wait3A_132 = tpu.memref_squeeze %dma_wait3A_131 : memref<1x64xf32, #tpu.memory_space<hbm>> -> memref<64xf32, #tpu.memory_space<hbm>>
    tpu.wait_dma2 semaphore(%arg7 : memref<!tpu.dma_semaphore, #tpu.memory_space<semaphore_mem>>) src(%dma_wait3A_132 : memref<64xf32, #tpu.memory_space<hbm>>) dst(%dma_wait3A_129 : memref<64xf32, #tpu.memory_space<vmem>>)
    %dma_wait3A_133 = arith.constant 0 : i32
    %dma_wait3A_134 = arith.constant 0 : i32
    %dma_wait3A_135 = arith.constant 0 : i32
    %dma_wait3A_136 = tpu.memref_slice %arg6[%dma_wait3A_134, %dma_wait3A_135] : memref<512x64xf32, #tpu.memory_space<vmem>> -> memref<1x64xf32, #tpu.memory_space<vmem>>
    %dma_wait3A_137 = tpu.memref_squeeze %dma_wait3A_136 : memref<1x64xf32, #tpu.memory_space<vmem>> -> memref<64xf32, #tpu.memory_space<vmem>>
    %dma_wait3A_138 = arith.constant 0 : i32
    %dma_wait3A_139 = tpu.memref_slice %arg2[%dma_wait3A_133, %dma_wait3A_138] : memref<100000x64xf32, #tpu.memory_space<hbm>> -> memref<1x64xf32, #tpu.memory_space<hbm>>
    %dma_wait3A_140 = tpu.memref_squeeze %dma_wait3A_139 : memref<1x64xf32, #tpu.memory_space<hbm>> -> memref<64xf32, #tpu.memory_space<hbm>>
    %dma_wait3A_141 = arith.constant 0 : i32
    %dma_wait3A_142 = tpu.memref_slice %arg6[%dma_wait3A_134, %dma_wait3A_141] : memref<512x64xf32, #tpu.memory_space<vmem>> -> memref<1x64xf32, #tpu.memory_space<vmem>>
    %dma_wait3A_143 = tpu.memref_squeeze %dma_wait3A_142 : memref<1x64xf32, #tpu.memory_space<vmem>> -> memref<64xf32, #tpu.memory_space<vmem>>
    %dma_wait3A_144 = arith.constant 0 : i32
    %dma_wait3A_145 = tpu.memref_slice %arg2[%dma_wait3A_133, %dma_wait3A_144] : memref<100000x64xf32, #tpu.memory_space<hbm>> -> memref<1x64xf32, #tpu.memory_space<hbm>>
    %dma_wait3A_146 = tpu.memref_squeeze %dma_wait3A_145 : memref<1x64xf32, #tpu.memory_space<hbm>> -> memref<64xf32, #tpu.memory_space<hbm>>
    tpu.wait_dma2 semaphore(%arg7 : memref<!tpu.dma_semaphore, #tpu.memory_space<semaphore_mem>>) src(%dma_wait3A_146 : memref<64xf32, #tpu.memory_space<hbm>>) dst(%dma_wait3A_143 : memref<64xf32, #tpu.memory_space<vmem>>)
    %dma_wait3A_147 = arith.constant 0 : i32
    %dma_wait3A_148 = arith.constant 0 : i32
    %dma_wait3A_149 = arith.constant 0 : i32
    %dma_wait3A_150 = tpu.memref_slice %arg6[%dma_wait3A_148, %dma_wait3A_149] : memref<512x64xf32, #tpu.memory_space<vmem>> -> memref<1x64xf32, #tpu.memory_space<vmem>>
    %dma_wait3A_151 = tpu.memref_squeeze %dma_wait3A_150 : memref<1x64xf32, #tpu.memory_space<vmem>> -> memref<64xf32, #tpu.memory_space<vmem>>
    %dma_wait3A_152 = arith.constant 0 : i32
    %dma_wait3A_153 = tpu.memref_slice %arg2[%dma_wait3A_147, %dma_wait3A_152] : memref<100000x64xf32, #tpu.memory_space<hbm>> -> memref<1x64xf32, #tpu.memory_space<hbm>>
    %dma_wait3A_154 = tpu.memref_squeeze %dma_wait3A_153 : memref<1x64xf32, #tpu.memory_space<hbm>> -> memref<64xf32, #tpu.memory_space<hbm>>
    %dma_wait3A_155 = arith.constant 0 : i32
    %dma_wait3A_156 = tpu.memref_slice %arg6[%dma_wait3A_148, %dma_wait3A_155] : memref<512x64xf32, #tpu.memory_space<vmem>> -> memref<1x64xf32, #tpu.memory_space<vmem>>
    %dma_wait3A_157 = tpu.memref_squeeze %dma_wait3A_156 : memref<1x64xf32, #tpu.memory_space<vmem>> -> memref<64xf32, #tpu.memory_space<vmem>>
    %dma_wait3A_158 = arith.constant 0 : i32
    %dma_wait3A_159 = tpu.memref_slice %arg2[%dma_wait3A_147, %dma_wait3A_158] : memref<100000x64xf32, #tpu.memory_space<hbm>> -> memref<1x64xf32, #tpu.memory_space<hbm>>
    %dma_wait3A_160 = tpu.memref_squeeze %dma_wait3A_159 : memref<1x64xf32, #tpu.memory_space<hbm>> -> memref<64xf32, #tpu.memory_space<hbm>>
    tpu.wait_dma2 semaphore(%arg7 : memref<!tpu.dma_semaphore, #tpu.memory_space<semaphore_mem>>) src(%dma_wait3A_160 : memref<64xf32, #tpu.memory_space<hbm>>) dst(%dma_wait3A_157 : memref<64xf32, #tpu.memory_space<vmem>>)
    %dma_wait3A_161 = arith.constant 0 : i32
    %dma_wait3A_162 = arith.constant 0 : i32
    %dma_wait3A_163 = arith.constant 0 : i32
    %dma_wait3A_164 = tpu.memref_slice %arg6[%dma_wait3A_162, %dma_wait3A_163] : memref<512x64xf32, #tpu.memory_space<vmem>> -> memref<1x64xf32, #tpu.memory_space<vmem>>
    %dma_wait3A_165 = tpu.memref_squeeze %dma_wait3A_164 : memref<1x64xf32, #tpu.memory_space<vmem>> -> memref<64xf32, #tpu.memory_space<vmem>>
    %dma_wait3A_166 = arith.constant 0 : i32
    %dma_wait3A_167 = tpu.memref_slice %arg2[%dma_wait3A_161, %dma_wait3A_166] : memref<100000x64xf32, #tpu.memory_space<hbm>> -> memref<1x64xf32, #tpu.memory_space<hbm>>
    %dma_wait3A_168 = tpu.memref_squeeze %dma_wait3A_167 : memref<1x64xf32, #tpu.memory_space<hbm>> -> memref<64xf32, #tpu.memory_space<hbm>>
    %dma_wait3A_169 = arith.constant 0 : i32
    %dma_wait3A_170 = tpu.memref_slice %arg6[%dma_wait3A_162, %dma_wait3A_169] : memref<512x64xf32, #tpu.memory_space<vmem>> -> memref<1x64xf32, #tpu.memory_space<vmem>>
    %dma_wait3A_171 = tpu.memref_squeeze %dma_wait3A_170 : memref<1x64xf32, #tpu.memory_space<vmem>> -> memref<64xf32, #tpu.memory_space<vmem>>
    %dma_wait3A_172 = arith.constant 0 : i32
    %dma_wait3A_173 = tpu.memref_slice %arg2[%dma_wait3A_161, %dma_wait3A_172] : memref<100000x64xf32, #tpu.memory_space<hbm>> -> memref<1x64xf32, #tpu.memory_space<hbm>>
    %dma_wait3A_174 = tpu.memref_squeeze %dma_wait3A_173 : memref<1x64xf32, #tpu.memory_space<hbm>> -> memref<64xf32, #tpu.memory_space<hbm>>
    tpu.wait_dma2 semaphore(%arg7 : memref<!tpu.dma_semaphore, #tpu.memory_space<semaphore_mem>>) src(%dma_wait3A_174 : memref<64xf32, #tpu.memory_space<hbm>>) dst(%dma_wait3A_171 : memref<64xf32, #tpu.memory_space<vmem>>)
    %dma_wait3A_175 = arith.constant 0 : i32
    %dma_wait3A_176 = arith.constant 0 : i32
    %dma_wait3A_177 = arith.constant 0 : i32
    %dma_wait3A_178 = tpu.memref_slice %arg6[%dma_wait3A_176, %dma_wait3A_177] : memref<512x64xf32, #tpu.memory_space<vmem>> -> memref<1x64xf32, #tpu.memory_space<vmem>>
    %dma_wait3A_179 = tpu.memref_squeeze %dma_wait3A_178 : memref<1x64xf32, #tpu.memory_space<vmem>> -> memref<64xf32, #tpu.memory_space<vmem>>
    %dma_wait3A_180 = arith.constant 0 : i32
    %dma_wait3A_181 = tpu.memref_slice %arg2[%dma_wait3A_175, %dma_wait3A_180] : memref<100000x64xf32, #tpu.memory_space<hbm>> -> memref<1x64xf32, #tpu.memory_space<hbm>>
    %dma_wait3A_182 = tpu.memref_squeeze %dma_wait3A_181 : memref<1x64xf32, #tpu.memory_space<hbm>> -> memref<64xf32, #tpu.memory_space<hbm>>
    %dma_wait3A_183 = arith.constant 0 : i32
    %dma_wait3A_184 = tpu.memref_slice %arg6[%dma_wait3A_176, %dma_wait3A_183] : memref<512x64xf32, #tpu.memory_space<vmem>> -> memref<1x64xf32, #tpu.memory_space<vmem>>
    %dma_wait3A_185 = tpu.memref_squeeze %dma_wait3A_184 : memref<1x64xf32, #tpu.memory_space<vmem>> -> memref<64xf32, #tpu.memory_space<vmem>>
    %dma_wait3A_186 = arith.constant 0 : i32
    %dma_wait3A_187 = tpu.memref_slice %arg2[%dma_wait3A_175, %dma_wait3A_186] : memref<100000x64xf32, #tpu.memory_space<hbm>> -> memref<1x64xf32, #tpu.memory_space<hbm>>
    %dma_wait3A_188 = tpu.memref_squeeze %dma_wait3A_187 : memref<1x64xf32, #tpu.memory_space<hbm>> -> memref<64xf32, #tpu.memory_space<hbm>>
    tpu.wait_dma2 semaphore(%arg7 : memref<!tpu.dma_semaphore, #tpu.memory_space<semaphore_mem>>) src(%dma_wait3A_188 : memref<64xf32, #tpu.memory_space<hbm>>) dst(%dma_wait3A_185 : memref<64xf32, #tpu.memory_space<vmem>>)
    %dma_wait3A_189 = arith.constant 0 : i32
    %dma_wait3A_190 = arith.constant 0 : i32
    %dma_wait3A_191 = arith.constant 0 : i32
    %dma_wait3A_192 = tpu.memref_slice %arg6[%dma_wait3A_190, %dma_wait3A_191] : memref<512x64xf32, #tpu.memory_space<vmem>> -> memref<1x64xf32, #tpu.memory_space<vmem>>
    %dma_wait3A_193 = tpu.memref_squeeze %dma_wait3A_192 : memref<1x64xf32, #tpu.memory_space<vmem>> -> memref<64xf32, #tpu.memory_space<vmem>>
    %dma_wait3A_194 = arith.constant 0 : i32
    %dma_wait3A_195 = tpu.memref_slice %arg2[%dma_wait3A_189, %dma_wait3A_194] : memref<100000x64xf32, #tpu.memory_space<hbm>> -> memref<1x64xf32, #tpu.memory_space<hbm>>
    %dma_wait3A_196 = tpu.memref_squeeze %dma_wait3A_195 : memref<1x64xf32, #tpu.memory_space<hbm>> -> memref<64xf32, #tpu.memory_space<hbm>>
    %dma_wait3A_197 = arith.constant 0 : i32
    %dma_wait3A_198 = tpu.memref_slice %arg6[%dma_wait3A_190, %dma_wait3A_197] : memref<512x64xf32, #tpu.memory_space<vmem>> -> memref<1x64xf32, #tpu.memory_space<vmem>>
    %dma_wait3A_199 = tpu.memref_squeeze %dma_wait3A_198 : memref<1x64xf32, #tpu.memory_space<vmem>> -> memref<64xf32, #tpu.memory_space<vmem>>
    %dma_wait3A_200 = arith.constant 0 : i32
    %dma_wait3A_201 = tpu.memref_slice %arg2[%dma_wait3A_189, %dma_wait3A_200] : memref<100000x64xf32, #tpu.memory_space<hbm>> -> memref<1x64xf32, #tpu.memory_space<hbm>>
    %dma_wait3A_202 = tpu.memref_squeeze %dma_wait3A_201 : memref<1x64xf32, #tpu.memory_space<hbm>> -> memref<64xf32, #tpu.memory_space<hbm>>
    tpu.wait_dma2 semaphore(%arg7 : memref<!tpu.dma_semaphore, #tpu.memory_space<semaphore_mem>>) src(%dma_wait3A_202 : memref<64xf32, #tpu.memory_space<hbm>>) dst(%dma_wait3A_199 : memref<64xf32, #tpu.memory_space<vmem>>)
    %dma_wait3A_203 = arith.constant 0 : i32
    %dma_wait3A_204 = arith.constant 0 : i32
    %dma_wait3A_205 = arith.constant 0 : i32
    %dma_wait3A_206 = tpu.memref_slice %arg6[%dma_wait3A_204, %dma_wait3A_205] : memref<512x64xf32, #tpu.memory_space<vmem>> -> memref<1x64xf32, #tpu.memory_space<vmem>>
    %dma_wait3A_207 = tpu.memref_squeeze %dma_wait3A_206 : memref<1x64xf32, #tpu.memory_space<vmem>> -> memref<64xf32, #tpu.memory_space<vmem>>
    %dma_wait3A_208 = arith.constant 0 : i32
    %dma_wait3A_209 = tpu.memref_slice %arg2[%dma_wait3A_203, %dma_wait3A_208] : memref<100000x64xf32, #tpu.memory_space<hbm>> -> memref<1x64xf32, #tpu.memory_space<hbm>>
    %dma_wait3A_210 = tpu.memref_squeeze %dma_wait3A_209 : memref<1x64xf32, #tpu.memory_space<hbm>> -> memref<64xf32, #tpu.memory_space<hbm>>
    %dma_wait3A_211 = arith.constant 0 : i32
    %dma_wait3A_212 = tpu.memref_slice %arg6[%dma_wait3A_204, %dma_wait3A_211] : memref<512x64xf32, #tpu.memory_space<vmem>> -> memref<1x64xf32, #tpu.memory_space<vmem>>
    %dma_wait3A_213 = tpu.memref_squeeze %dma_wait3A_212 : memref<1x64xf32, #tpu.memory_space<vmem>> -> memref<64xf32, #tpu.memory_space<vmem>>
    %dma_wait3A_214 = arith.constant 0 : i32
    %dma_wait3A_215 = tpu.memref_slice %arg2[%dma_wait3A_203, %dma_wait3A_214] : memref<100000x64xf32, #tpu.memory_space<hbm>> -> memref<1x64xf32, #tpu.memory_space<hbm>>
    %dma_wait3A_216 = tpu.memref_squeeze %dma_wait3A_215 : memref<1x64xf32, #tpu.memory_space<hbm>> -> memref<64xf32, #tpu.memory_space<hbm>>
    tpu.wait_dma2 semaphore(%arg7 : memref<!tpu.dma_semaphore, #tpu.memory_space<semaphore_mem>>) src(%dma_wait3A_216 : memref<64xf32, #tpu.memory_space<hbm>>) dst(%dma_wait3A_213 : memref<64xf32, #tpu.memory_space<vmem>>)
    %dma_wait3A_217 = arith.constant 0 : i32
    %dma_wait3A_218 = arith.constant 0 : i32
    %dma_wait3A_219 = arith.constant 0 : i32
    %dma_wait3A_220 = tpu.memref_slice %arg6[%dma_wait3A_218, %dma_wait3A_219] : memref<512x64xf32, #tpu.memory_space<vmem>> -> memref<1x64xf32, #tpu.memory_space<vmem>>
    %dma_wait3A_221 = tpu.memref_squeeze %dma_wait3A_220 : memref<1x64xf32, #tpu.memory_space<vmem>> -> memref<64xf32, #tpu.memory_space<vmem>>
    %dma_wait3A_222 = arith.constant 0 : i32
    %dma_wait3A_223 = tpu.memref_slice %arg2[%dma_wait3A_217, %dma_wait3A_222] : memref<100000x64xf32, #tpu.memory_space<hbm>> -> memref<1x64xf32, #tpu.memory_space<hbm>>
    %dma_wait3A_224 = tpu.memref_squeeze %dma_wait3A_223 : memref<1x64xf32, #tpu.memory_space<hbm>> -> memref<64xf32, #tpu.memory_space<hbm>>
    %dma_wait3A_225 = arith.constant 0 : i32
    %dma_wait3A_226 = tpu.memref_slice %arg6[%dma_wait3A_218, %dma_wait3A_225] : memref<512x64xf32, #tpu.memory_space<vmem>> -> memref<1x64xf32, #tpu.memory_space<vmem>>
    %dma_wait3A_227 = tpu.memref_squeeze %dma_wait3A_226 : memref<1x64xf32, #tpu.memory_space<vmem>> -> memref<64xf32, #tpu.memory_space<vmem>>
    %dma_wait3A_228 = arith.constant 0 : i32
    %dma_wait3A_229 = tpu.memref_slice %arg2[%dma_wait3A_217, %dma_wait3A_228] : memref<100000x64xf32, #tpu.memory_space<hbm>> -> memref<1x64xf32, #tpu.memory_space<hbm>>
    %dma_wait3A_230 = tpu.memref_squeeze %dma_wait3A_229 : memref<1x64xf32, #tpu.memory_space<hbm>> -> memref<64xf32, #tpu.memory_space<hbm>>
    tpu.wait_dma2 semaphore(%arg7 : memref<!tpu.dma_semaphore, #tpu.memory_space<semaphore_mem>>) src(%dma_wait3A_230 : memref<64xf32, #tpu.memory_space<hbm>>) dst(%dma_wait3A_227 : memref<64xf32, #tpu.memory_space<vmem>>)
    "tpu.region"() ({
      %run_scoped3A = tpu.sem_alloc : memref<!tpu.dma_semaphore, #tpu.memory_space<semaphore_mem>>
      %dma_start3A = arith.constant 0 : i32
      %dma_start3A_231 = tpu.memref_slice %arg4[%mul3A_2, %dma_start3A] : memref<16384x64xf32, #tpu.memory_space<hbm>> -> memref<512x64xf32, #tpu.memory_space<hbm>>
      %dma_start3A_232 = arith.constant 0 : i32
      %dma_start3A_233 = tpu.memref_slice %arg4[%mul3A_2, %dma_start3A_232] : memref<16384x64xf32, #tpu.memory_space<hbm>> -> memref<512x64xf32, #tpu.memory_space<hbm>>
      tpu.enqueue_dma source(%arg6 : memref<512x64xf32, #tpu.memory_space<vmem>>) target(%dma_start3A_233 : memref<512x64xf32, #tpu.memory_space<hbm>>) target_semaphore(%run_scoped3A : memref<!tpu.dma_semaphore, #tpu.memory_space<semaphore_mem>>)
      %dma_wait3A_234 = arith.constant 0 : i32
      %dma_wait3A_235 = tpu.memref_slice %arg4[%mul3A_2, %dma_wait3A_234] : memref<16384x64xf32, #tpu.memory_space<hbm>> -> memref<512x64xf32, #tpu.memory_space<hbm>>
      %dma_wait3A_236 = arith.constant 0 : i32
      %dma_wait3A_237 = tpu.memref_slice %arg4[%mul3A_2, %dma_wait3A_236] : memref<16384x64xf32, #tpu.memory_space<hbm>> -> memref<512x64xf32, #tpu.memory_space<hbm>>
      tpu.wait_dma2 semaphore(%run_scoped3A : memref<!tpu.dma_semaphore, #tpu.memory_space<semaphore_mem>>) src(%arg6 : memref<512x64xf32, #tpu.memory_space<vmem>>) dst(%dma_wait3A_237 : memref<512x64xf32, #tpu.memory_space<hbm>>)
      tpu.yield
    }) : () -> ()
    return
  }
}

#map = affine_map<(d0, d1) -> (0, 0)>
module attributes {stable_mosaic.version = 14 : i64} {
  func.func @sc_gather(%arg0: i32, %arg1: i32, %arg2: memref<100000x64xf32, #tpu.memory_space<hbm>>, %arg3: memref<32x512xi32, #tpu.memory_space<hbm>>, %arg4: memref<16384x64xf32, #tpu.memory_space<hbm>>, %arg5: memref<512xi32, #tpu.memory_space<vmem>>, %arg6: memref<512x64xf32, #tpu.memory_space<vmem>>, %arg7: memref<!tpu.dma_semaphore, #tpu.memory_space<semaphore_mem>>) attributes {dimension_semantics = [#tpu.dimension_semantics<core_parallel>, #tpu.dimension_semantics<subcore_parallel>], iteration_bounds = array<i64: 2, 16>, scalar_prefetch = 0 : i64, scratch_operands = 3 : i64, tpu.core_type = #tpu.core_type<sc_vector_subcore>, window_params = [{transform_indices = #map}, {transform_indices = #map}, {transform_indices = #map}]} {
    %mul3A = arith.constant 2 : i32
    %mul3A_0 = arith.muli %arg1, %mul3A : i32
    %add3A = arith.addi %mul3A_0, %arg0 : i32
    %mul3A_1 = arith.constant 512 : i32
    %mul3A_2 = arith.muli %add3A, %mul3A_1 : i32
    "tpu.region"() ({
      %run_scoped3A = tpu.sem_alloc : memref<!tpu.dma_semaphore, #tpu.memory_space<semaphore_mem>>
      %dma_start3A = arith.constant 0 : i32
      %dma_start3A_231 = tpu.memref_slice %arg3[%add3A, %dma_start3A] : memref<32x512xi32, #tpu.memory_space<hbm>> -> memref<1x512xi32, #tpu.memory_space<hbm>>
      %dma_start3A_232 = tpu.memref_squeeze %dma_start3A_231 : memref<1x512xi32, #tpu.memory_space<hbm>> -> memref<512xi32, #tpu.memory_space<hbm>>
      %dma_start3A_233 = arith.constant 0 : i32
      %dma_start3A_234 = tpu.memref_slice %arg3[%add3A, %dma_start3A_233] : memref<32x512xi32, #tpu.memory_space<hbm>> -> memref<1x512xi32, #tpu.memory_space<hbm>>
      %dma_start3A_235 = tpu.memref_squeeze %dma_start3A_234 : memref<1x512xi32, #tpu.memory_space<hbm>> -> memref<512xi32, #tpu.memory_space<hbm>>
      tpu.enqueue_dma source(%dma_start3A_235 : memref<512xi32, #tpu.memory_space<hbm>>) target(%arg5 : memref<512xi32, #tpu.memory_space<vmem>>) target_semaphore(%run_scoped3A : memref<!tpu.dma_semaphore, #tpu.memory_space<semaphore_mem>>)
      %dma_wait3A_236 = arith.constant 0 : i32
      %dma_wait3A_237 = tpu.memref_slice %arg3[%add3A, %dma_wait3A_236] : memref<32x512xi32, #tpu.memory_space<hbm>> -> memref<1x512xi32, #tpu.memory_space<hbm>>
      %dma_wait3A_238 = tpu.memref_squeeze %dma_wait3A_237 : memref<1x512xi32, #tpu.memory_space<hbm>> -> memref<512xi32, #tpu.memory_space<hbm>>
      %dma_wait3A_239 = arith.constant 0 : i32
      %dma_wait3A_240 = tpu.memref_slice %arg3[%add3A, %dma_wait3A_239] : memref<32x512xi32, #tpu.memory_space<hbm>> -> memref<1x512xi32, #tpu.memory_space<hbm>>
      %dma_wait3A_241 = tpu.memref_squeeze %dma_wait3A_240 : memref<1x512xi32, #tpu.memory_space<hbm>> -> memref<512xi32, #tpu.memory_space<hbm>>
      tpu.wait_dma2 semaphore(%run_scoped3A : memref<!tpu.dma_semaphore, #tpu.memory_space<semaphore_mem>>) src(%dma_wait3A_241 : memref<512xi32, #tpu.memory_space<hbm>>) dst(%arg5 : memref<512xi32, #tpu.memory_space<vmem>>)
      tpu.yield
    }) : () -> ()
    %scan3A = arith.constant 0 : i32
    %scan3A_3 = arith.constant 0 : i32
    %scan3A_4 = arith.constant 32 : i32
    %scan3A_5 = arith.addi %scan3A_3, %scan3A_4 : i32
    %scan3A_6 = arith.constant 1 : i32
    scf.for %scan3A_231 = %scan3A_3 to %scan3A_5 step %scan3A_6  : i32 {
      %mul3A_232 = arith.constant 16 : i32
      %mul3A_233 = arith.muli %scan3A_231, %mul3A_232 : i32
      %get3A = arith.index_cast %mul3A_233 : i32 to index
      %get3A_234 = tpu.vector_load %arg5[%get3A] {strides = array<i32>} : memref<512xi32, #tpu.memory_space<vmem>>, vector<16xi32>,
      %get3A_235 = vector.shape_cast %get3A_234 : vector<16xi32> to vector<16xi32>
      %mul3A_236 = arith.constant 16 : i32
      %mul3A_237 = arith.muli %scan3A_231, %mul3A_236 : i32
      %add3A_238 = arith.constant 0 : i32
      %add3A_239 = arith.addi %mul3A_237, %add3A_238 : i32
      %slice3A = vector.extract_strided_slice %get3A_235 {offsets = [0], sizes = [1], strides = [1]} : vector<16xi32> to vector<1xi32>
      %squeeze3A = vector.extract %slice3A[0] : i32 from vector<1xi32>
      %dma_start3A = arith.constant 0 : i32
      %dma_start3A_240 = tpu.memref_slice %arg6[%add3A_239, %dma_start3A] : memref<512x64xf32, #tpu.memory_space<vmem>> -> memref<1x64xf32, #tpu.memory_space<vmem>>
      %dma_start3A_241 = tpu.memref_squeeze %dma_start3A_240 : memref<1x64xf32, #tpu.memory_space<vmem>> -> memref<64xf32, #tpu.memory_space<vmem>>
      %dma_start3A_242 = arith.constant 0 : i32
      %dma_start3A_243 = tpu.memref_slice %arg2[%squeeze3A, %dma_start3A_242] : memref<100000x64xf32, #tpu.memory_space<hbm>> -> memref<1x64xf32, #tpu.memory_space<hbm>>
      %dma_start3A_244 = tpu.memref_squeeze %dma_start3A_243 : memref<1x64xf32, #tpu.memory_space<hbm>> -> memref<64xf32, #tpu.memory_space<hbm>>
      %dma_start3A_245 = arith.constant 0 : i32
      %dma_start3A_246 = tpu.memref_slice %arg6[%add3A_239, %dma_start3A_245] : memref<512x64xf32, #tpu.memory_space<vmem>> -> memref<1x64xf32, #tpu.memory_space<vmem>>
      %dma_start3A_247 = tpu.memref_squeeze %dma_start3A_246 : memref<1x64xf32, #tpu.memory_space<vmem>> -> memref<64xf32, #tpu.memory_space<vmem>>
      %dma_start3A_248 = arith.constant 0 : i32
      %dma_start3A_249 = tpu.memref_slice %arg2[%squeeze3A, %dma_start3A_248] : memref<100000x64xf32, #tpu.memory_space<hbm>> -> memref<1x64xf32, #tpu.memory_space<hbm>>
      %dma_start3A_250 = tpu.memref_squeeze %dma_start3A_249 : memref<1x64xf32, #tpu.memory_space<hbm>> -> memref<64xf32, #tpu.memory_space<hbm>>
      tpu.enqueue_dma source(%dma_start3A_250 : memref<64xf32, #tpu.memory_space<hbm>>) target(%dma_start3A_247 : memref<64xf32, #tpu.memory_space<vmem>>) target_semaphore(%arg7 : memref<!tpu.dma_semaphore, #tpu.memory_space<semaphore_mem>>)
      %mul3A_251 = arith.constant 16 : i32
      %mul3A_252 = arith.muli %scan3A_231, %mul3A_251 : i32
      %add3A_253 = arith.constant 1 : i32
      %add3A_254 = arith.addi %mul3A_252, %add3A_253 : i32
      %slice3A_255 = vector.extract_strided_slice %get3A_235 {offsets = [1], sizes = [1], strides = [1]} : vector<16xi32> to vector<1xi32>
      %squeeze3A_256 = vector.extract %slice3A_255[0] : i32 from vector<1xi32>
      %dma_start3A_257 = arith.constant 0 : i32
      %dma_start3A_258 = tpu.memref_slice %arg6[%add3A_254, %dma_start3A_257] : memref<512x64xf32, #tpu.memory_space<vmem>> -> memref<1x64xf32, #tpu.memory_space<vmem>>
      %dma_start3A_259 = tpu.memref_squeeze %dma_start3A_258 : memref<1x64xf32, #tpu.memory_space<vmem>> -> memref<64xf32, #tpu.memory_space<vmem>>
      %dma_start3A_260 = arith.constant 0 : i32
      %dma_start3A_261 = tpu.memref_slice %arg2[%squeeze3A_256, %dma_start3A_260] : memref<100000x64xf32, #tpu.memory_space<hbm>> -> memref<1x64xf32, #tpu.memory_space<hbm>>
      %dma_start3A_262 = tpu.memref_squeeze %dma_start3A_261 : memref<1x64xf32, #tpu.memory_space<hbm>> -> memref<64xf32, #tpu.memory_space<hbm>>
      %dma_start3A_263 = arith.constant 0 : i32
      %dma_start3A_264 = tpu.memref_slice %arg6[%add3A_254, %dma_start3A_263] : memref<512x64xf32, #tpu.memory_space<vmem>> -> memref<1x64xf32, #tpu.memory_space<vmem>>
      %dma_start3A_265 = tpu.memref_squeeze %dma_start3A_264 : memref<1x64xf32, #tpu.memory_space<vmem>> -> memref<64xf32, #tpu.memory_space<vmem>>
      %dma_start3A_266 = arith.constant 0 : i32
      %dma_start3A_267 = tpu.memref_slice %arg2[%squeeze3A_256, %dma_start3A_266] : memref<100000x64xf32, #tpu.memory_space<hbm>> -> memref<1x64xf32, #tpu.memory_space<hbm>>
      %dma_start3A_268 = tpu.memref_squeeze %dma_start3A_267 : memref<1x64xf32, #tpu.memory_space<hbm>> -> memref<64xf32, #tpu.memory_space<hbm>>
      tpu.enqueue_dma source(%dma_start3A_268 : memref<64xf32, #tpu.memory_space<hbm>>) target(%dma_start3A_265 : memref<64xf32, #tpu.memory_space<vmem>>) target_semaphore(%arg7 : memref<!tpu.dma_semaphore, #tpu.memory_space<semaphore_mem>>)
      %mul3A_269 = arith.constant 16 : i32
      %mul3A_270 = arith.muli %scan3A_231, %mul3A_269 : i32
      %add3A_271 = arith.constant 2 : i32
      %add3A_272 = arith.addi %mul3A_270, %add3A_271 : i32
      %slice3A_273 = vector.extract_strided_slice %get3A_235 {offsets = [2], sizes = [1], strides = [1]} : vector<16xi32> to vector<1xi32>
      %squeeze3A_274 = vector.extract %slice3A_273[0] : i32 from vector<1xi32>
      %dma_start3A_275 = arith.constant 0 : i32
      %dma_start3A_276 = tpu.memref_slice %arg6[%add3A_272, %dma_start3A_275] : memref<512x64xf32, #tpu.memory_space<vmem>> -> memref<1x64xf32, #tpu.memory_space<vmem>>
      %dma_start3A_277 = tpu.memref_squeeze %dma_start3A_276 : memref<1x64xf32, #tpu.memory_space<vmem>> -> memref<64xf32, #tpu.memory_space<vmem>>
      %dma_start3A_278 = arith.constant 0 : i32
      %dma_start3A_279 = tpu.memref_slice %arg2[%squeeze3A_274, %dma_start3A_278] : memref<100000x64xf32, #tpu.memory_space<hbm>> -> memref<1x64xf32, #tpu.memory_space<hbm>>
      %dma_start3A_280 = tpu.memref_squeeze %dma_start3A_279 : memref<1x64xf32, #tpu.memory_space<hbm>> -> memref<64xf32, #tpu.memory_space<hbm>>
      %dma_start3A_281 = arith.constant 0 : i32
      %dma_start3A_282 = tpu.memref_slice %arg6[%add3A_272, %dma_start3A_281] : memref<512x64xf32, #tpu.memory_space<vmem>> -> memref<1x64xf32, #tpu.memory_space<vmem>>
      %dma_start3A_283 = tpu.memref_squeeze %dma_start3A_282 : memref<1x64xf32, #tpu.memory_space<vmem>> -> memref<64xf32, #tpu.memory_space<vmem>>
      %dma_start3A_284 = arith.constant 0 : i32
      %dma_start3A_285 = tpu.memref_slice %arg2[%squeeze3A_274, %dma_start3A_284] : memref<100000x64xf32, #tpu.memory_space<hbm>> -> memref<1x64xf32, #tpu.memory_space<hbm>>
      %dma_start3A_286 = tpu.memref_squeeze %dma_start3A_285 : memref<1x64xf32, #tpu.memory_space<hbm>> -> memref<64xf32, #tpu.memory_space<hbm>>
      tpu.enqueue_dma source(%dma_start3A_286 : memref<64xf32, #tpu.memory_space<hbm>>) target(%dma_start3A_283 : memref<64xf32, #tpu.memory_space<vmem>>) target_semaphore(%arg7 : memref<!tpu.dma_semaphore, #tpu.memory_space<semaphore_mem>>)
      %mul3A_287 = arith.constant 16 : i32
      %mul3A_288 = arith.muli %scan3A_231, %mul3A_287 : i32
      %add3A_289 = arith.constant 3 : i32
      %add3A_290 = arith.addi %mul3A_288, %add3A_289 : i32
      %slice3A_291 = vector.extract_strided_slice %get3A_235 {offsets = [3], sizes = [1], strides = [1]} : vector<16xi32> to vector<1xi32>
      %squeeze3A_292 = vector.extract %slice3A_291[0] : i32 from vector<1xi32>
      %dma_start3A_293 = arith.constant 0 : i32
      %dma_start3A_294 = tpu.memref_slice %arg6[%add3A_290, %dma_start3A_293] : memref<512x64xf32, #tpu.memory_space<vmem>> -> memref<1x64xf32, #tpu.memory_space<vmem>>
      %dma_start3A_295 = tpu.memref_squeeze %dma_start3A_294 : memref<1x64xf32, #tpu.memory_space<vmem>> -> memref<64xf32, #tpu.memory_space<vmem>>
      %dma_start3A_296 = arith.constant 0 : i32
      %dma_start3A_297 = tpu.memref_slice %arg2[%squeeze3A_292, %dma_start3A_296] : memref<100000x64xf32, #tpu.memory_space<hbm>> -> memref<1x64xf32, #tpu.memory_space<hbm>>
      %dma_start3A_298 = tpu.memref_squeeze %dma_start3A_297 : memref<1x64xf32, #tpu.memory_space<hbm>> -> memref<64xf32, #tpu.memory_space<hbm>>
      %dma_start3A_299 = arith.constant 0 : i32
      %dma_start3A_300 = tpu.memref_slice %arg6[%add3A_290, %dma_start3A_299] : memref<512x64xf32, #tpu.memory_space<vmem>> -> memref<1x64xf32, #tpu.memory_space<vmem>>
      %dma_start3A_301 = tpu.memref_squeeze %dma_start3A_300 : memref<1x64xf32, #tpu.memory_space<vmem>> -> memref<64xf32, #tpu.memory_space<vmem>>
      %dma_start3A_302 = arith.constant 0 : i32
      %dma_start3A_303 = tpu.memref_slice %arg2[%squeeze3A_292, %dma_start3A_302] : memref<100000x64xf32, #tpu.memory_space<hbm>> -> memref<1x64xf32, #tpu.memory_space<hbm>>
      %dma_start3A_304 = tpu.memref_squeeze %dma_start3A_303 : memref<1x64xf32, #tpu.memory_space<hbm>> -> memref<64xf32, #tpu.memory_space<hbm>>
      tpu.enqueue_dma source(%dma_start3A_304 : memref<64xf32, #tpu.memory_space<hbm>>) target(%dma_start3A_301 : memref<64xf32, #tpu.memory_space<vmem>>) target_semaphore(%arg7 : memref<!tpu.dma_semaphore, #tpu.memory_space<semaphore_mem>>)
      %mul3A_305 = arith.constant 16 : i32
      %mul3A_306 = arith.muli %scan3A_231, %mul3A_305 : i32
      %add3A_307 = arith.constant 4 : i32
      %add3A_308 = arith.addi %mul3A_306, %add3A_307 : i32
      %slice3A_309 = vector.extract_strided_slice %get3A_235 {offsets = [4], sizes = [1], strides = [1]} : vector<16xi32> to vector<1xi32>
      %squeeze3A_310 = vector.extract %slice3A_309[0] : i32 from vector<1xi32>
      %dma_start3A_311 = arith.constant 0 : i32
      %dma_start3A_312 = tpu.memref_slice %arg6[%add3A_308, %dma_start3A_311] : memref<512x64xf32, #tpu.memory_space<vmem>> -> memref<1x64xf32, #tpu.memory_space<vmem>>
      %dma_start3A_313 = tpu.memref_squeeze %dma_start3A_312 : memref<1x64xf32, #tpu.memory_space<vmem>> -> memref<64xf32, #tpu.memory_space<vmem>>
      %dma_start3A_314 = arith.constant 0 : i32
      %dma_start3A_315 = tpu.memref_slice %arg2[%squeeze3A_310, %dma_start3A_314] : memref<100000x64xf32, #tpu.memory_space<hbm>> -> memref<1x64xf32, #tpu.memory_space<hbm>>
      %dma_start3A_316 = tpu.memref_squeeze %dma_start3A_315 : memref<1x64xf32, #tpu.memory_space<hbm>> -> memref<64xf32, #tpu.memory_space<hbm>>
      %dma_start3A_317 = arith.constant 0 : i32
      %dma_start3A_318 = tpu.memref_slice %arg6[%add3A_308, %dma_start3A_317] : memref<512x64xf32, #tpu.memory_space<vmem>> -> memref<1x64xf32, #tpu.memory_space<vmem>>
      %dma_start3A_319 = tpu.memref_squeeze %dma_start3A_318 : memref<1x64xf32, #tpu.memory_space<vmem>> -> memref<64xf32, #tpu.memory_space<vmem>>
      %dma_start3A_320 = arith.constant 0 : i32
      %dma_start3A_321 = tpu.memref_slice %arg2[%squeeze3A_310, %dma_start3A_320] : memref<100000x64xf32, #tpu.memory_space<hbm>> -> memref<1x64xf32, #tpu.memory_space<hbm>>
      %dma_start3A_322 = tpu.memref_squeeze %dma_start3A_321 : memref<1x64xf32, #tpu.memory_space<hbm>> -> memref<64xf32, #tpu.memory_space<hbm>>
      tpu.enqueue_dma source(%dma_start3A_322 : memref<64xf32, #tpu.memory_space<hbm>>) target(%dma_start3A_319 : memref<64xf32, #tpu.memory_space<vmem>>) target_semaphore(%arg7 : memref<!tpu.dma_semaphore, #tpu.memory_space<semaphore_mem>>)
      %mul3A_323 = arith.constant 16 : i32
      %mul3A_324 = arith.muli %scan3A_231, %mul3A_323 : i32
      %add3A_325 = arith.constant 5 : i32
      %add3A_326 = arith.addi %mul3A_324, %add3A_325 : i32
      %slice3A_327 = vector.extract_strided_slice %get3A_235 {offsets = [5], sizes = [1], strides = [1]} : vector<16xi32> to vector<1xi32>
      %squeeze3A_328 = vector.extract %slice3A_327[0] : i32 from vector<1xi32>
      %dma_start3A_329 = arith.constant 0 : i32
      %dma_start3A_330 = tpu.memref_slice %arg6[%add3A_326, %dma_start3A_329] : memref<512x64xf32, #tpu.memory_space<vmem>> -> memref<1x64xf32, #tpu.memory_space<vmem>>
      %dma_start3A_331 = tpu.memref_squeeze %dma_start3A_330 : memref<1x64xf32, #tpu.memory_space<vmem>> -> memref<64xf32, #tpu.memory_space<vmem>>
      %dma_start3A_332 = arith.constant 0 : i32
      %dma_start3A_333 = tpu.memref_slice %arg2[%squeeze3A_328, %dma_start3A_332] : memref<100000x64xf32, #tpu.memory_space<hbm>> -> memref<1x64xf32, #tpu.memory_space<hbm>>
      %dma_start3A_334 = tpu.memref_squeeze %dma_start3A_333 : memref<1x64xf32, #tpu.memory_space<hbm>> -> memref<64xf32, #tpu.memory_space<hbm>>
      %dma_start3A_335 = arith.constant 0 : i32
      %dma_start3A_336 = tpu.memref_slice %arg6[%add3A_326, %dma_start3A_335] : memref<512x64xf32, #tpu.memory_space<vmem>> -> memref<1x64xf32, #tpu.memory_space<vmem>>
      %dma_start3A_337 = tpu.memref_squeeze %dma_start3A_336 : memref<1x64xf32, #tpu.memory_space<vmem>> -> memref<64xf32, #tpu.memory_space<vmem>>
      %dma_start3A_338 = arith.constant 0 : i32
      %dma_start3A_339 = tpu.memref_slice %arg2[%squeeze3A_328, %dma_start3A_338] : memref<100000x64xf32, #tpu.memory_space<hbm>> -> memref<1x64xf32, #tpu.memory_space<hbm>>
      %dma_start3A_340 = tpu.memref_squeeze %dma_start3A_339 : memref<1x64xf32, #tpu.memory_space<hbm>> -> memref<64xf32, #tpu.memory_space<hbm>>
      tpu.enqueue_dma source(%dma_start3A_340 : memref<64xf32, #tpu.memory_space<hbm>>) target(%dma_start3A_337 : memref<64xf32, #tpu.memory_space<vmem>>) target_semaphore(%arg7 : memref<!tpu.dma_semaphore, #tpu.memory_space<semaphore_mem>>)
      %mul3A_341 = arith.constant 16 : i32
      %mul3A_342 = arith.muli %scan3A_231, %mul3A_341 : i32
      %add3A_343 = arith.constant 6 : i32
      %add3A_344 = arith.addi %mul3A_342, %add3A_343 : i32
      %slice3A_345 = vector.extract_strided_slice %get3A_235 {offsets = [6], sizes = [1], strides = [1]} : vector<16xi32> to vector<1xi32>
      %squeeze3A_346 = vector.extract %slice3A_345[0] : i32 from vector<1xi32>
      %dma_start3A_347 = arith.constant 0 : i32
      %dma_start3A_348 = tpu.memref_slice %arg6[%add3A_344, %dma_start3A_347] : memref<512x64xf32, #tpu.memory_space<vmem>> -> memref<1x64xf32, #tpu.memory_space<vmem>>
      %dma_start3A_349 = tpu.memref_squeeze %dma_start3A_348 : memref<1x64xf32, #tpu.memory_space<vmem>> -> memref<64xf32, #tpu.memory_space<vmem>>
      %dma_start3A_350 = arith.constant 0 : i32
      %dma_start3A_351 = tpu.memref_slice %arg2[%squeeze3A_346, %dma_start3A_350] : memref<100000x64xf32, #tpu.memory_space<hbm>> -> memref<1x64xf32, #tpu.memory_space<hbm>>
      %dma_start3A_352 = tpu.memref_squeeze %dma_start3A_351 : memref<1x64xf32, #tpu.memory_space<hbm>> -> memref<64xf32, #tpu.memory_space<hbm>>
      %dma_start3A_353 = arith.constant 0 : i32
      %dma_start3A_354 = tpu.memref_slice %arg6[%add3A_344, %dma_start3A_353] : memref<512x64xf32, #tpu.memory_space<vmem>> -> memref<1x64xf32, #tpu.memory_space<vmem>>
      %dma_start3A_355 = tpu.memref_squeeze %dma_start3A_354 : memref<1x64xf32, #tpu.memory_space<vmem>> -> memref<64xf32, #tpu.memory_space<vmem>>
      %dma_start3A_356 = arith.constant 0 : i32
      %dma_start3A_357 = tpu.memref_slice %arg2[%squeeze3A_346, %dma_start3A_356] : memref<100000x64xf32, #tpu.memory_space<hbm>> -> memref<1x64xf32, #tpu.memory_space<hbm>>
      %dma_start3A_358 = tpu.memref_squeeze %dma_start3A_357 : memref<1x64xf32, #tpu.memory_space<hbm>> -> memref<64xf32, #tpu.memory_space<hbm>>
      tpu.enqueue_dma source(%dma_start3A_358 : memref<64xf32, #tpu.memory_space<hbm>>) target(%dma_start3A_355 : memref<64xf32, #tpu.memory_space<vmem>>) target_semaphore(%arg7 : memref<!tpu.dma_semaphore, #tpu.memory_space<semaphore_mem>>)
      %mul3A_359 = arith.constant 16 : i32
      %mul3A_360 = arith.muli %scan3A_231, %mul3A_359 : i32
      %add3A_361 = arith.constant 7 : i32
      %add3A_362 = arith.addi %mul3A_360, %add3A_361 : i32
      %slice3A_363 = vector.extract_strided_slice %get3A_235 {offsets = [7], sizes = [1], strides = [1]} : vector<16xi32> to vector<1xi32>
      %squeeze3A_364 = vector.extract %slice3A_363[0] : i32 from vector<1xi32>
      %dma_start3A_365 = arith.constant 0 : i32
      %dma_start3A_366 = tpu.memref_slice %arg6[%add3A_362, %dma_start3A_365] : memref<512x64xf32, #tpu.memory_space<vmem>> -> memref<1x64xf32, #tpu.memory_space<vmem>>
      %dma_start3A_367 = tpu.memref_squeeze %dma_start3A_366 : memref<1x64xf32, #tpu.memory_space<vmem>> -> memref<64xf32, #tpu.memory_space<vmem>>
      %dma_start3A_368 = arith.constant 0 : i32
      %dma_start3A_369 = tpu.memref_slice %arg2[%squeeze3A_364, %dma_start3A_368] : memref<100000x64xf32, #tpu.memory_space<hbm>> -> memref<1x64xf32, #tpu.memory_space<hbm>>
      %dma_start3A_370 = tpu.memref_squeeze %dma_start3A_369 : memref<1x64xf32, #tpu.memory_space<hbm>> -> memref<64xf32, #tpu.memory_space<hbm>>
      %dma_start3A_371 = arith.constant 0 : i32
      %dma_start3A_372 = tpu.memref_slice %arg6[%add3A_362, %dma_start3A_371] : memref<512x64xf32, #tpu.memory_space<vmem>> -> memref<1x64xf32, #tpu.memory_space<vmem>>
      %dma_start3A_373 = tpu.memref_squeeze %dma_start3A_372 : memref<1x64xf32, #tpu.memory_space<vmem>> -> memref<64xf32, #tpu.memory_space<vmem>>
      %dma_start3A_374 = arith.constant 0 : i32
      %dma_start3A_375 = tpu.memref_slice %arg2[%squeeze3A_364, %dma_start3A_374] : memref<100000x64xf32, #tpu.memory_space<hbm>> -> memref<1x64xf32, #tpu.memory_space<hbm>>
      %dma_start3A_376 = tpu.memref_squeeze %dma_start3A_375 : memref<1x64xf32, #tpu.memory_space<hbm>> -> memref<64xf32, #tpu.memory_space<hbm>>
      tpu.enqueue_dma source(%dma_start3A_376 : memref<64xf32, #tpu.memory_space<hbm>>) target(%dma_start3A_373 : memref<64xf32, #tpu.memory_space<vmem>>) target_semaphore(%arg7 : memref<!tpu.dma_semaphore, #tpu.memory_space<semaphore_mem>>)
      %mul3A_377 = arith.constant 16 : i32
      %mul3A_378 = arith.muli %scan3A_231, %mul3A_377 : i32
      %add3A_379 = arith.constant 8 : i32
      %add3A_380 = arith.addi %mul3A_378, %add3A_379 : i32
      %slice3A_381 = vector.extract_strided_slice %get3A_235 {offsets = [8], sizes = [1], strides = [1]} : vector<16xi32> to vector<1xi32>
      %squeeze3A_382 = vector.extract %slice3A_381[0] : i32 from vector<1xi32>
      %dma_start3A_383 = arith.constant 0 : i32
      %dma_start3A_384 = tpu.memref_slice %arg6[%add3A_380, %dma_start3A_383] : memref<512x64xf32, #tpu.memory_space<vmem>> -> memref<1x64xf32, #tpu.memory_space<vmem>>
      %dma_start3A_385 = tpu.memref_squeeze %dma_start3A_384 : memref<1x64xf32, #tpu.memory_space<vmem>> -> memref<64xf32, #tpu.memory_space<vmem>>
      %dma_start3A_386 = arith.constant 0 : i32
      %dma_start3A_387 = tpu.memref_slice %arg2[%squeeze3A_382, %dma_start3A_386] : memref<100000x64xf32, #tpu.memory_space<hbm>> -> memref<1x64xf32, #tpu.memory_space<hbm>>
      %dma_start3A_388 = tpu.memref_squeeze %dma_start3A_387 : memref<1x64xf32, #tpu.memory_space<hbm>> -> memref<64xf32, #tpu.memory_space<hbm>>
      %dma_start3A_389 = arith.constant 0 : i32
      %dma_start3A_390 = tpu.memref_slice %arg6[%add3A_380, %dma_start3A_389] : memref<512x64xf32, #tpu.memory_space<vmem>> -> memref<1x64xf32, #tpu.memory_space<vmem>>
      %dma_start3A_391 = tpu.memref_squeeze %dma_start3A_390 : memref<1x64xf32, #tpu.memory_space<vmem>> -> memref<64xf32, #tpu.memory_space<vmem>>
      %dma_start3A_392 = arith.constant 0 : i32
      %dma_start3A_393 = tpu.memref_slice %arg2[%squeeze3A_382, %dma_start3A_392] : memref<100000x64xf32, #tpu.memory_space<hbm>> -> memref<1x64xf32, #tpu.memory_space<hbm>>
      %dma_start3A_394 = tpu.memref_squeeze %dma_start3A_393 : memref<1x64xf32, #tpu.memory_space<hbm>> -> memref<64xf32, #tpu.memory_space<hbm>>
      tpu.enqueue_dma source(%dma_start3A_394 : memref<64xf32, #tpu.memory_space<hbm>>) target(%dma_start3A_391 : memref<64xf32, #tpu.memory_space<vmem>>) target_semaphore(%arg7 : memref<!tpu.dma_semaphore, #tpu.memory_space<semaphore_mem>>)
      %mul3A_395 = arith.constant 16 : i32
      %mul3A_396 = arith.muli %scan3A_231, %mul3A_395 : i32
      %add3A_397 = arith.constant 9 : i32
      %add3A_398 = arith.addi %mul3A_396, %add3A_397 : i32
      %slice3A_399 = vector.extract_strided_slice %get3A_235 {offsets = [9], sizes = [1], strides = [1]} : vector<16xi32> to vector<1xi32>
      %squeeze3A_400 = vector.extract %slice3A_399[0] : i32 from vector<1xi32>
      %dma_start3A_401 = arith.constant 0 : i32
      %dma_start3A_402 = tpu.memref_slice %arg6[%add3A_398, %dma_start3A_401] : memref<512x64xf32, #tpu.memory_space<vmem>> -> memref<1x64xf32, #tpu.memory_space<vmem>>
      %dma_start3A_403 = tpu.memref_squeeze %dma_start3A_402 : memref<1x64xf32, #tpu.memory_space<vmem>> -> memref<64xf32, #tpu.memory_space<vmem>>
      %dma_start3A_404 = arith.constant 0 : i32
      %dma_start3A_405 = tpu.memref_slice %arg2[%squeeze3A_400, %dma_start3A_404] : memref<100000x64xf32, #tpu.memory_space<hbm>> -> memref<1x64xf32, #tpu.memory_space<hbm>>
      %dma_start3A_406 = tpu.memref_squeeze %dma_start3A_405 : memref<1x64xf32, #tpu.memory_space<hbm>> -> memref<64xf32, #tpu.memory_space<hbm>>
      %dma_start3A_407 = arith.constant 0 : i32
      %dma_start3A_408 = tpu.memref_slice %arg6[%add3A_398, %dma_start3A_407] : memref<512x64xf32, #tpu.memory_space<vmem>> -> memref<1x64xf32, #tpu.memory_space<vmem>>
      %dma_start3A_409 = tpu.memref_squeeze %dma_start3A_408 : memref<1x64xf32, #tpu.memory_space<vmem>> -> memref<64xf32, #tpu.memory_space<vmem>>
      %dma_start3A_410 = arith.constant 0 : i32
      %dma_start3A_411 = tpu.memref_slice %arg2[%squeeze3A_400, %dma_start3A_410] : memref<100000x64xf32, #tpu.memory_space<hbm>> -> memref<1x64xf32, #tpu.memory_space<hbm>>
      %dma_start3A_412 = tpu.memref_squeeze %dma_start3A_411 : memref<1x64xf32, #tpu.memory_space<hbm>> -> memref<64xf32, #tpu.memory_space<hbm>>
      tpu.enqueue_dma source(%dma_start3A_412 : memref<64xf32, #tpu.memory_space<hbm>>) target(%dma_start3A_409 : memref<64xf32, #tpu.memory_space<vmem>>) target_semaphore(%arg7 : memref<!tpu.dma_semaphore, #tpu.memory_space<semaphore_mem>>)
      %mul3A_413 = arith.constant 16 : i32
      %mul3A_414 = arith.muli %scan3A_231, %mul3A_413 : i32
      %add3A_415 = arith.constant 10 : i32
      %add3A_416 = arith.addi %mul3A_414, %add3A_415 : i32
      %slice3A_417 = vector.extract_strided_slice %get3A_235 {offsets = [10], sizes = [1], strides = [1]} : vector<16xi32> to vector<1xi32>
      %squeeze3A_418 = vector.extract %slice3A_417[0] : i32 from vector<1xi32>
      %dma_start3A_419 = arith.constant 0 : i32
      %dma_start3A_420 = tpu.memref_slice %arg6[%add3A_416, %dma_start3A_419] : memref<512x64xf32, #tpu.memory_space<vmem>> -> memref<1x64xf32, #tpu.memory_space<vmem>>
      %dma_start3A_421 = tpu.memref_squeeze %dma_start3A_420 : memref<1x64xf32, #tpu.memory_space<vmem>> -> memref<64xf32, #tpu.memory_space<vmem>>
      %dma_start3A_422 = arith.constant 0 : i32
      %dma_start3A_423 = tpu.memref_slice %arg2[%squeeze3A_418, %dma_start3A_422] : memref<100000x64xf32, #tpu.memory_space<hbm>> -> memref<1x64xf32, #tpu.memory_space<hbm>>
      %dma_start3A_424 = tpu.memref_squeeze %dma_start3A_423 : memref<1x64xf32, #tpu.memory_space<hbm>> -> memref<64xf32, #tpu.memory_space<hbm>>
      %dma_start3A_425 = arith.constant 0 : i32
      %dma_start3A_426 = tpu.memref_slice %arg6[%add3A_416, %dma_start3A_425] : memref<512x64xf32, #tpu.memory_space<vmem>> -> memref<1x64xf32, #tpu.memory_space<vmem>>
      %dma_start3A_427 = tpu.memref_squeeze %dma_start3A_426 : memref<1x64xf32, #tpu.memory_space<vmem>> -> memref<64xf32, #tpu.memory_space<vmem>>
      %dma_start3A_428 = arith.constant 0 : i32
      %dma_start3A_429 = tpu.memref_slice %arg2[%squeeze3A_418, %dma_start3A_428] : memref<100000x64xf32, #tpu.memory_space<hbm>> -> memref<1x64xf32, #tpu.memory_space<hbm>>
      %dma_start3A_430 = tpu.memref_squeeze %dma_start3A_429 : memref<1x64xf32, #tpu.memory_space<hbm>> -> memref<64xf32, #tpu.memory_space<hbm>>
      tpu.enqueue_dma source(%dma_start3A_430 : memref<64xf32, #tpu.memory_space<hbm>>) target(%dma_start3A_427 : memref<64xf32, #tpu.memory_space<vmem>>) target_semaphore(%arg7 : memref<!tpu.dma_semaphore, #tpu.memory_space<semaphore_mem>>)
      %mul3A_431 = arith.constant 16 : i32
      %mul3A_432 = arith.muli %scan3A_231, %mul3A_431 : i32
      %add3A_433 = arith.constant 11 : i32
      %add3A_434 = arith.addi %mul3A_432, %add3A_433 : i32
      %slice3A_435 = vector.extract_strided_slice %get3A_235 {offsets = [11], sizes = [1], strides = [1]} : vector<16xi32> to vector<1xi32>
      %squeeze3A_436 = vector.extract %slice3A_435[0] : i32 from vector<1xi32>
      %dma_start3A_437 = arith.constant 0 : i32
      %dma_start3A_438 = tpu.memref_slice %arg6[%add3A_434, %dma_start3A_437] : memref<512x64xf32, #tpu.memory_space<vmem>> -> memref<1x64xf32, #tpu.memory_space<vmem>>
      %dma_start3A_439 = tpu.memref_squeeze %dma_start3A_438 : memref<1x64xf32, #tpu.memory_space<vmem>> -> memref<64xf32, #tpu.memory_space<vmem>>
      %dma_start3A_440 = arith.constant 0 : i32
      %dma_start3A_441 = tpu.memref_slice %arg2[%squeeze3A_436, %dma_start3A_440] : memref<100000x64xf32, #tpu.memory_space<hbm>> -> memref<1x64xf32, #tpu.memory_space<hbm>>
      %dma_start3A_442 = tpu.memref_squeeze %dma_start3A_441 : memref<1x64xf32, #tpu.memory_space<hbm>> -> memref<64xf32, #tpu.memory_space<hbm>>
      %dma_start3A_443 = arith.constant 0 : i32
      %dma_start3A_444 = tpu.memref_slice %arg6[%add3A_434, %dma_start3A_443] : memref<512x64xf32, #tpu.memory_space<vmem>> -> memref<1x64xf32, #tpu.memory_space<vmem>>
      %dma_start3A_445 = tpu.memref_squeeze %dma_start3A_444 : memref<1x64xf32, #tpu.memory_space<vmem>> -> memref<64xf32, #tpu.memory_space<vmem>>
      %dma_start3A_446 = arith.constant 0 : i32
      %dma_start3A_447 = tpu.memref_slice %arg2[%squeeze3A_436, %dma_start3A_446] : memref<100000x64xf32, #tpu.memory_space<hbm>> -> memref<1x64xf32, #tpu.memory_space<hbm>>
      %dma_start3A_448 = tpu.memref_squeeze %dma_start3A_447 : memref<1x64xf32, #tpu.memory_space<hbm>> -> memref<64xf32, #tpu.memory_space<hbm>>
      tpu.enqueue_dma source(%dma_start3A_448 : memref<64xf32, #tpu.memory_space<hbm>>) target(%dma_start3A_445 : memref<64xf32, #tpu.memory_space<vmem>>) target_semaphore(%arg7 : memref<!tpu.dma_semaphore, #tpu.memory_space<semaphore_mem>>)
      %mul3A_449 = arith.constant 16 : i32
      %mul3A_450 = arith.muli %scan3A_231, %mul3A_449 : i32
      %add3A_451 = arith.constant 12 : i32
      %add3A_452 = arith.addi %mul3A_450, %add3A_451 : i32
      %slice3A_453 = vector.extract_strided_slice %get3A_235 {offsets = [12], sizes = [1], strides = [1]} : vector<16xi32> to vector<1xi32>
      %squeeze3A_454 = vector.extract %slice3A_453[0] : i32 from vector<1xi32>
      %dma_start3A_455 = arith.constant 0 : i32
      %dma_start3A_456 = tpu.memref_slice %arg6[%add3A_452, %dma_start3A_455] : memref<512x64xf32, #tpu.memory_space<vmem>> -> memref<1x64xf32, #tpu.memory_space<vmem>>
      %dma_start3A_457 = tpu.memref_squeeze %dma_start3A_456 : memref<1x64xf32, #tpu.memory_space<vmem>> -> memref<64xf32, #tpu.memory_space<vmem>>
      %dma_start3A_458 = arith.constant 0 : i32
      %dma_start3A_459 = tpu.memref_slice %arg2[%squeeze3A_454, %dma_start3A_458] : memref<100000x64xf32, #tpu.memory_space<hbm>> -> memref<1x64xf32, #tpu.memory_space<hbm>>
      %dma_start3A_460 = tpu.memref_squeeze %dma_start3A_459 : memref<1x64xf32, #tpu.memory_space<hbm>> -> memref<64xf32, #tpu.memory_space<hbm>>
      %dma_start3A_461 = arith.constant 0 : i32
      %dma_start3A_462 = tpu.memref_slice %arg6[%add3A_452, %dma_start3A_461] : memref<512x64xf32, #tpu.memory_space<vmem>> -> memref<1x64xf32, #tpu.memory_space<vmem>>
      %dma_start3A_463 = tpu.memref_squeeze %dma_start3A_462 : memref<1x64xf32, #tpu.memory_space<vmem>> -> memref<64xf32, #tpu.memory_space<vmem>>
      %dma_start3A_464 = arith.constant 0 : i32
      %dma_start3A_465 = tpu.memref_slice %arg2[%squeeze3A_454, %dma_start3A_464] : memref<100000x64xf32, #tpu.memory_space<hbm>> -> memref<1x64xf32, #tpu.memory_space<hbm>>
      %dma_start3A_466 = tpu.memref_squeeze %dma_start3A_465 : memref<1x64xf32, #tpu.memory_space<hbm>> -> memref<64xf32, #tpu.memory_space<hbm>>
      tpu.enqueue_dma source(%dma_start3A_466 : memref<64xf32, #tpu.memory_space<hbm>>) target(%dma_start3A_463 : memref<64xf32, #tpu.memory_space<vmem>>) target_semaphore(%arg7 : memref<!tpu.dma_semaphore, #tpu.memory_space<semaphore_mem>>)
      %mul3A_467 = arith.constant 16 : i32
      %mul3A_468 = arith.muli %scan3A_231, %mul3A_467 : i32
      %add3A_469 = arith.constant 13 : i32
      %add3A_470 = arith.addi %mul3A_468, %add3A_469 : i32
      %slice3A_471 = vector.extract_strided_slice %get3A_235 {offsets = [13], sizes = [1], strides = [1]} : vector<16xi32> to vector<1xi32>
      %squeeze3A_472 = vector.extract %slice3A_471[0] : i32 from vector<1xi32>
      %dma_start3A_473 = arith.constant 0 : i32
      %dma_start3A_474 = tpu.memref_slice %arg6[%add3A_470, %dma_start3A_473] : memref<512x64xf32, #tpu.memory_space<vmem>> -> memref<1x64xf32, #tpu.memory_space<vmem>>
      %dma_start3A_475 = tpu.memref_squeeze %dma_start3A_474 : memref<1x64xf32, #tpu.memory_space<vmem>> -> memref<64xf32, #tpu.memory_space<vmem>>
      %dma_start3A_476 = arith.constant 0 : i32
      %dma_start3A_477 = tpu.memref_slice %arg2[%squeeze3A_472, %dma_start3A_476] : memref<100000x64xf32, #tpu.memory_space<hbm>> -> memref<1x64xf32, #tpu.memory_space<hbm>>
      %dma_start3A_478 = tpu.memref_squeeze %dma_start3A_477 : memref<1x64xf32, #tpu.memory_space<hbm>> -> memref<64xf32, #tpu.memory_space<hbm>>
      %dma_start3A_479 = arith.constant 0 : i32
      %dma_start3A_480 = tpu.memref_slice %arg6[%add3A_470, %dma_start3A_479] : memref<512x64xf32, #tpu.memory_space<vmem>> -> memref<1x64xf32, #tpu.memory_space<vmem>>
      %dma_start3A_481 = tpu.memref_squeeze %dma_start3A_480 : memref<1x64xf32, #tpu.memory_space<vmem>> -> memref<64xf32, #tpu.memory_space<vmem>>
      %dma_start3A_482 = arith.constant 0 : i32
      %dma_start3A_483 = tpu.memref_slice %arg2[%squeeze3A_472, %dma_start3A_482] : memref<100000x64xf32, #tpu.memory_space<hbm>> -> memref<1x64xf32, #tpu.memory_space<hbm>>
      %dma_start3A_484 = tpu.memref_squeeze %dma_start3A_483 : memref<1x64xf32, #tpu.memory_space<hbm>> -> memref<64xf32, #tpu.memory_space<hbm>>
      tpu.enqueue_dma source(%dma_start3A_484 : memref<64xf32, #tpu.memory_space<hbm>>) target(%dma_start3A_481 : memref<64xf32, #tpu.memory_space<vmem>>) target_semaphore(%arg7 : memref<!tpu.dma_semaphore, #tpu.memory_space<semaphore_mem>>)
      %mul3A_485 = arith.constant 16 : i32
      %mul3A_486 = arith.muli %scan3A_231, %mul3A_485 : i32
      %add3A_487 = arith.constant 14 : i32
      %add3A_488 = arith.addi %mul3A_486, %add3A_487 : i32
      %slice3A_489 = vector.extract_strided_slice %get3A_235 {offsets = [14], sizes = [1], strides = [1]} : vector<16xi32> to vector<1xi32>
      %squeeze3A_490 = vector.extract %slice3A_489[0] : i32 from vector<1xi32>
      %dma_start3A_491 = arith.constant 0 : i32
      %dma_start3A_492 = tpu.memref_slice %arg6[%add3A_488, %dma_start3A_491] : memref<512x64xf32, #tpu.memory_space<vmem>> -> memref<1x64xf32, #tpu.memory_space<vmem>>
      %dma_start3A_493 = tpu.memref_squeeze %dma_start3A_492 : memref<1x64xf32, #tpu.memory_space<vmem>> -> memref<64xf32, #tpu.memory_space<vmem>>
      %dma_start3A_494 = arith.constant 0 : i32
      %dma_start3A_495 = tpu.memref_slice %arg2[%squeeze3A_490, %dma_start3A_494] : memref<100000x64xf32, #tpu.memory_space<hbm>> -> memref<1x64xf32, #tpu.memory_space<hbm>>
      %dma_start3A_496 = tpu.memref_squeeze %dma_start3A_495 : memref<1x64xf32, #tpu.memory_space<hbm>> -> memref<64xf32, #tpu.memory_space<hbm>>
      %dma_start3A_497 = arith.constant 0 : i32
      %dma_start3A_498 = tpu.memref_slice %arg6[%add3A_488, %dma_start3A_497] : memref<512x64xf32, #tpu.memory_space<vmem>> -> memref<1x64xf32, #tpu.memory_space<vmem>>
      %dma_start3A_499 = tpu.memref_squeeze %dma_start3A_498 : memref<1x64xf32, #tpu.memory_space<vmem>> -> memref<64xf32, #tpu.memory_space<vmem>>
      %dma_start3A_500 = arith.constant 0 : i32
      %dma_start3A_501 = tpu.memref_slice %arg2[%squeeze3A_490, %dma_start3A_500] : memref<100000x64xf32, #tpu.memory_space<hbm>> -> memref<1x64xf32, #tpu.memory_space<hbm>>
      %dma_start3A_502 = tpu.memref_squeeze %dma_start3A_501 : memref<1x64xf32, #tpu.memory_space<hbm>> -> memref<64xf32, #tpu.memory_space<hbm>>
      tpu.enqueue_dma source(%dma_start3A_502 : memref<64xf32, #tpu.memory_space<hbm>>) target(%dma_start3A_499 : memref<64xf32, #tpu.memory_space<vmem>>) target_semaphore(%arg7 : memref<!tpu.dma_semaphore, #tpu.memory_space<semaphore_mem>>)
      %mul3A_503 = arith.constant 16 : i32
      %mul3A_504 = arith.muli %scan3A_231, %mul3A_503 : i32
      %add3A_505 = arith.constant 15 : i32
      %add3A_506 = arith.addi %mul3A_504, %add3A_505 : i32
      %slice3A_507 = vector.extract_strided_slice %get3A_235 {offsets = [15], sizes = [1], strides = [1]} : vector<16xi32> to vector<1xi32>
      %squeeze3A_508 = vector.extract %slice3A_507[0] : i32 from vector<1xi32>
      %dma_start3A_509 = arith.constant 0 : i32
      %dma_start3A_510 = tpu.memref_slice %arg6[%add3A_506, %dma_start3A_509] : memref<512x64xf32, #tpu.memory_space<vmem>> -> memref<1x64xf32, #tpu.memory_space<vmem>>
      %dma_start3A_511 = tpu.memref_squeeze %dma_start3A_510 : memref<1x64xf32, #tpu.memory_space<vmem>> -> memref<64xf32, #tpu.memory_space<vmem>>
      %dma_start3A_512 = arith.constant 0 : i32
      %dma_start3A_513 = tpu.memref_slice %arg2[%squeeze3A_508, %dma_start3A_512] : memref<100000x64xf32, #tpu.memory_space<hbm>> -> memref<1x64xf32, #tpu.memory_space<hbm>>
      %dma_start3A_514 = tpu.memref_squeeze %dma_start3A_513 : memref<1x64xf32, #tpu.memory_space<hbm>> -> memref<64xf32, #tpu.memory_space<hbm>>
      %dma_start3A_515 = arith.constant 0 : i32
      %dma_start3A_516 = tpu.memref_slice %arg6[%add3A_506, %dma_start3A_515] : memref<512x64xf32, #tpu.memory_space<vmem>> -> memref<1x64xf32, #tpu.memory_space<vmem>>
      %dma_start3A_517 = tpu.memref_squeeze %dma_start3A_516 : memref<1x64xf32, #tpu.memory_space<vmem>> -> memref<64xf32, #tpu.memory_space<vmem>>
      %dma_start3A_518 = arith.constant 0 : i32
      %dma_start3A_519 = tpu.memref_slice %arg2[%squeeze3A_508, %dma_start3A_518] : memref<100000x64xf32, #tpu.memory_space<hbm>> -> memref<1x64xf32, #tpu.memory_space<hbm>>
      %dma_start3A_520 = tpu.memref_squeeze %dma_start3A_519 : memref<1x64xf32, #tpu.memory_space<hbm>> -> memref<64xf32, #tpu.memory_space<hbm>>
      tpu.enqueue_dma source(%dma_start3A_520 : memref<64xf32, #tpu.memory_space<hbm>>) target(%dma_start3A_517 : memref<64xf32, #tpu.memory_space<vmem>>) target_semaphore(%arg7 : memref<!tpu.dma_semaphore, #tpu.memory_space<semaphore_mem>>)
      %gt3A = arith.constant 0 : i32
      %gt3A_521 = arith.cmpi sgt, %scan3A_231, %gt3A : i32
      %convert_element_type3A = arith.extui %gt3A_521 : i1 to i32
      %cond3A = arith.constant 0 : i32
      %cond3A_522 = arith.cmpi ne, %convert_element_type3A, %cond3A : i32
      scf.if %cond3A_522 {
        %dma_wait3A_523 = arith.constant 0 : i32
        %dma_wait3A_524 = arith.constant 0 : i32
        %dma_wait3A_525 = arith.constant 0 : i32
        %dma_wait3A_526 = tpu.memref_slice %arg6[%dma_wait3A_524, %dma_wait3A_525] : memref<512x64xf32, #tpu.memory_space<vmem>> -> memref<1x64xf32, #tpu.memory_space<vmem>>
        %dma_wait3A_527 = tpu.memref_squeeze %dma_wait3A_526 : memref<1x64xf32, #tpu.memory_space<vmem>> -> memref<64xf32, #tpu.memory_space<vmem>>
        %dma_wait3A_528 = arith.constant 0 : i32
        %dma_wait3A_529 = tpu.memref_slice %arg2[%dma_wait3A_523, %dma_wait3A_528] : memref<100000x64xf32, #tpu.memory_space<hbm>> -> memref<1x64xf32, #tpu.memory_space<hbm>>
        %dma_wait3A_530 = tpu.memref_squeeze %dma_wait3A_529 : memref<1x64xf32, #tpu.memory_space<hbm>> -> memref<64xf32, #tpu.memory_space<hbm>>
        %dma_wait3A_531 = arith.constant 0 : i32
        %dma_wait3A_532 = tpu.memref_slice %arg6[%dma_wait3A_524, %dma_wait3A_531] : memref<512x64xf32, #tpu.memory_space<vmem>> -> memref<1x64xf32, #tpu.memory_space<vmem>>
        %dma_wait3A_533 = tpu.memref_squeeze %dma_wait3A_532 : memref<1x64xf32, #tpu.memory_space<vmem>> -> memref<64xf32, #tpu.memory_space<vmem>>
        %dma_wait3A_534 = arith.constant 0 : i32
        %dma_wait3A_535 = tpu.memref_slice %arg2[%dma_wait3A_523, %dma_wait3A_534] : memref<100000x64xf32, #tpu.memory_space<hbm>> -> memref<1x64xf32, #tpu.memory_space<hbm>>
        %dma_wait3A_536 = tpu.memref_squeeze %dma_wait3A_535 : memref<1x64xf32, #tpu.memory_space<hbm>> -> memref<64xf32, #tpu.memory_space<hbm>>
        tpu.wait_dma2 semaphore(%arg7 : memref<!tpu.dma_semaphore, #tpu.memory_space<semaphore_mem>>) src(%dma_wait3A_536 : memref<64xf32, #tpu.memory_space<hbm>>) dst(%dma_wait3A_533 : memref<64xf32, #tpu.memory_space<vmem>>)
        %dma_wait3A_537 = arith.constant 0 : i32
        %dma_wait3A_538 = arith.constant 0 : i32
        %dma_wait3A_539 = arith.constant 0 : i32
        %dma_wait3A_540 = tpu.memref_slice %arg6[%dma_wait3A_538, %dma_wait3A_539] : memref<512x64xf32, #tpu.memory_space<vmem>> -> memref<1x64xf32, #tpu.memory_space<vmem>>
        %dma_wait3A_541 = tpu.memref_squeeze %dma_wait3A_540 : memref<1x64xf32, #tpu.memory_space<vmem>> -> memref<64xf32, #tpu.memory_space<vmem>>
        %dma_wait3A_542 = arith.constant 0 : i32
        %dma_wait3A_543 = tpu.memref_slice %arg2[%dma_wait3A_537, %dma_wait3A_542] : memref<100000x64xf32, #tpu.memory_space<hbm>> -> memref<1x64xf32, #tpu.memory_space<hbm>>
        %dma_wait3A_544 = tpu.memref_squeeze %dma_wait3A_543 : memref<1x64xf32, #tpu.memory_space<hbm>> -> memref<64xf32, #tpu.memory_space<hbm>>
        %dma_wait3A_545 = arith.constant 0 : i32
        %dma_wait3A_546 = tpu.memref_slice %arg6[%dma_wait3A_538, %dma_wait3A_545] : memref<512x64xf32, #tpu.memory_space<vmem>> -> memref<1x64xf32, #tpu.memory_space<vmem>>
        %dma_wait3A_547 = tpu.memref_squeeze %dma_wait3A_546 : memref<1x64xf32, #tpu.memory_space<vmem>> -> memref<64xf32, #tpu.memory_space<vmem>>
        %dma_wait3A_548 = arith.constant 0 : i32
        %dma_wait3A_549 = tpu.memref_slice %arg2[%dma_wait3A_537, %dma_wait3A_548] : memref<100000x64xf32, #tpu.memory_space<hbm>> -> memref<1x64xf32, #tpu.memory_space<hbm>>
        %dma_wait3A_550 = tpu.memref_squeeze %dma_wait3A_549 : memref<1x64xf32, #tpu.memory_space<hbm>> -> memref<64xf32, #tpu.memory_space<hbm>>
        tpu.wait_dma2 semaphore(%arg7 : memref<!tpu.dma_semaphore, #tpu.memory_space<semaphore_mem>>) src(%dma_wait3A_550 : memref<64xf32, #tpu.memory_space<hbm>>) dst(%dma_wait3A_547 : memref<64xf32, #tpu.memory_space<vmem>>)
        %dma_wait3A_551 = arith.constant 0 : i32
        %dma_wait3A_552 = arith.constant 0 : i32
        %dma_wait3A_553 = arith.constant 0 : i32
        %dma_wait3A_554 = tpu.memref_slice %arg6[%dma_wait3A_552, %dma_wait3A_553] : memref<512x64xf32, #tpu.memory_space<vmem>> -> memref<1x64xf32, #tpu.memory_space<vmem>>
        %dma_wait3A_555 = tpu.memref_squeeze %dma_wait3A_554 : memref<1x64xf32, #tpu.memory_space<vmem>> -> memref<64xf32, #tpu.memory_space<vmem>>
        %dma_wait3A_556 = arith.constant 0 : i32
        %dma_wait3A_557 = tpu.memref_slice %arg2[%dma_wait3A_551, %dma_wait3A_556] : memref<100000x64xf32, #tpu.memory_space<hbm>> -> memref<1x64xf32, #tpu.memory_space<hbm>>
        %dma_wait3A_558 = tpu.memref_squeeze %dma_wait3A_557 : memref<1x64xf32, #tpu.memory_space<hbm>> -> memref<64xf32, #tpu.memory_space<hbm>>
        %dma_wait3A_559 = arith.constant 0 : i32
        %dma_wait3A_560 = tpu.memref_slice %arg6[%dma_wait3A_552, %dma_wait3A_559] : memref<512x64xf32, #tpu.memory_space<vmem>> -> memref<1x64xf32, #tpu.memory_space<vmem>>
        %dma_wait3A_561 = tpu.memref_squeeze %dma_wait3A_560 : memref<1x64xf32, #tpu.memory_space<vmem>> -> memref<64xf32, #tpu.memory_space<vmem>>
        %dma_wait3A_562 = arith.constant 0 : i32
        %dma_wait3A_563 = tpu.memref_slice %arg2[%dma_wait3A_551, %dma_wait3A_562] : memref<100000x64xf32, #tpu.memory_space<hbm>> -> memref<1x64xf32, #tpu.memory_space<hbm>>
        %dma_wait3A_564 = tpu.memref_squeeze %dma_wait3A_563 : memref<1x64xf32, #tpu.memory_space<hbm>> -> memref<64xf32, #tpu.memory_space<hbm>>
        tpu.wait_dma2 semaphore(%arg7 : memref<!tpu.dma_semaphore, #tpu.memory_space<semaphore_mem>>) src(%dma_wait3A_564 : memref<64xf32, #tpu.memory_space<hbm>>) dst(%dma_wait3A_561 : memref<64xf32, #tpu.memory_space<vmem>>)
        %dma_wait3A_565 = arith.constant 0 : i32
        %dma_wait3A_566 = arith.constant 0 : i32
        %dma_wait3A_567 = arith.constant 0 : i32
        %dma_wait3A_568 = tpu.memref_slice %arg6[%dma_wait3A_566, %dma_wait3A_567] : memref<512x64xf32, #tpu.memory_space<vmem>> -> memref<1x64xf32, #tpu.memory_space<vmem>>
        %dma_wait3A_569 = tpu.memref_squeeze %dma_wait3A_568 : memref<1x64xf32, #tpu.memory_space<vmem>> -> memref<64xf32, #tpu.memory_space<vmem>>
        %dma_wait3A_570 = arith.constant 0 : i32
        %dma_wait3A_571 = tpu.memref_slice %arg2[%dma_wait3A_565, %dma_wait3A_570] : memref<100000x64xf32, #tpu.memory_space<hbm>> -> memref<1x64xf32, #tpu.memory_space<hbm>>
        %dma_wait3A_572 = tpu.memref_squeeze %dma_wait3A_571 : memref<1x64xf32, #tpu.memory_space<hbm>> -> memref<64xf32, #tpu.memory_space<hbm>>
        %dma_wait3A_573 = arith.constant 0 : i32
        %dma_wait3A_574 = tpu.memref_slice %arg6[%dma_wait3A_566, %dma_wait3A_573] : memref<512x64xf32, #tpu.memory_space<vmem>> -> memref<1x64xf32, #tpu.memory_space<vmem>>
        %dma_wait3A_575 = tpu.memref_squeeze %dma_wait3A_574 : memref<1x64xf32, #tpu.memory_space<vmem>> -> memref<64xf32, #tpu.memory_space<vmem>>
        %dma_wait3A_576 = arith.constant 0 : i32
        %dma_wait3A_577 = tpu.memref_slice %arg2[%dma_wait3A_565, %dma_wait3A_576] : memref<100000x64xf32, #tpu.memory_space<hbm>> -> memref<1x64xf32, #tpu.memory_space<hbm>>
        %dma_wait3A_578 = tpu.memref_squeeze %dma_wait3A_577 : memref<1x64xf32, #tpu.memory_space<hbm>> -> memref<64xf32, #tpu.memory_space<hbm>>
        tpu.wait_dma2 semaphore(%arg7 : memref<!tpu.dma_semaphore, #tpu.memory_space<semaphore_mem>>) src(%dma_wait3A_578 : memref<64xf32, #tpu.memory_space<hbm>>) dst(%dma_wait3A_575 : memref<64xf32, #tpu.memory_space<vmem>>)
        %dma_wait3A_579 = arith.constant 0 : i32
        %dma_wait3A_580 = arith.constant 0 : i32
        %dma_wait3A_581 = arith.constant 0 : i32
        %dma_wait3A_582 = tpu.memref_slice %arg6[%dma_wait3A_580, %dma_wait3A_581] : memref<512x64xf32, #tpu.memory_space<vmem>> -> memref<1x64xf32, #tpu.memory_space<vmem>>
        %dma_wait3A_583 = tpu.memref_squeeze %dma_wait3A_582 : memref<1x64xf32, #tpu.memory_space<vmem>> -> memref<64xf32, #tpu.memory_space<vmem>>
        %dma_wait3A_584 = arith.constant 0 : i32
        %dma_wait3A_585 = tpu.memref_slice %arg2[%dma_wait3A_579, %dma_wait3A_584] : memref<100000x64xf32, #tpu.memory_space<hbm>> -> memref<1x64xf32, #tpu.memory_space<hbm>>
        %dma_wait3A_586 = tpu.memref_squeeze %dma_wait3A_585 : memref<1x64xf32, #tpu.memory_space<hbm>> -> memref<64xf32, #tpu.memory_space<hbm>>
        %dma_wait3A_587 = arith.constant 0 : i32
        %dma_wait3A_588 = tpu.memref_slice %arg6[%dma_wait3A_580, %dma_wait3A_587] : memref<512x64xf32, #tpu.memory_space<vmem>> -> memref<1x64xf32, #tpu.memory_space<vmem>>
        %dma_wait3A_589 = tpu.memref_squeeze %dma_wait3A_588 : memref<1x64xf32, #tpu.memory_space<vmem>> -> memref<64xf32, #tpu.memory_space<vmem>>
        %dma_wait3A_590 = arith.constant 0 : i32
        %dma_wait3A_591 = tpu.memref_slice %arg2[%dma_wait3A_579, %dma_wait3A_590] : memref<100000x64xf32, #tpu.memory_space<hbm>> -> memref<1x64xf32, #tpu.memory_space<hbm>>
        %dma_wait3A_592 = tpu.memref_squeeze %dma_wait3A_591 : memref<1x64xf32, #tpu.memory_space<hbm>> -> memref<64xf32, #tpu.memory_space<hbm>>
        tpu.wait_dma2 semaphore(%arg7 : memref<!tpu.dma_semaphore, #tpu.memory_space<semaphore_mem>>) src(%dma_wait3A_592 : memref<64xf32, #tpu.memory_space<hbm>>) dst(%dma_wait3A_589 : memref<64xf32, #tpu.memory_space<vmem>>)
        %dma_wait3A_593 = arith.constant 0 : i32
        %dma_wait3A_594 = arith.constant 0 : i32
        %dma_wait3A_595 = arith.constant 0 : i32
        %dma_wait3A_596 = tpu.memref_slice %arg6[%dma_wait3A_594, %dma_wait3A_595] : memref<512x64xf32, #tpu.memory_space<vmem>> -> memref<1x64xf32, #tpu.memory_space<vmem>>
        %dma_wait3A_597 = tpu.memref_squeeze %dma_wait3A_596 : memref<1x64xf32, #tpu.memory_space<vmem>> -> memref<64xf32, #tpu.memory_space<vmem>>
        %dma_wait3A_598 = arith.constant 0 : i32
        %dma_wait3A_599 = tpu.memref_slice %arg2[%dma_wait3A_593, %dma_wait3A_598] : memref<100000x64xf32, #tpu.memory_space<hbm>> -> memref<1x64xf32, #tpu.memory_space<hbm>>
        %dma_wait3A_600 = tpu.memref_squeeze %dma_wait3A_599 : memref<1x64xf32, #tpu.memory_space<hbm>> -> memref<64xf32, #tpu.memory_space<hbm>>
        %dma_wait3A_601 = arith.constant 0 : i32
        %dma_wait3A_602 = tpu.memref_slice %arg6[%dma_wait3A_594, %dma_wait3A_601] : memref<512x64xf32, #tpu.memory_space<vmem>> -> memref<1x64xf32, #tpu.memory_space<vmem>>
        %dma_wait3A_603 = tpu.memref_squeeze %dma_wait3A_602 : memref<1x64xf32, #tpu.memory_space<vmem>> -> memref<64xf32, #tpu.memory_space<vmem>>
        %dma_wait3A_604 = arith.constant 0 : i32
        %dma_wait3A_605 = tpu.memref_slice %arg2[%dma_wait3A_593, %dma_wait3A_604] : memref<100000x64xf32, #tpu.memory_space<hbm>> -> memref<1x64xf32, #tpu.memory_space<hbm>>
        %dma_wait3A_606 = tpu.memref_squeeze %dma_wait3A_605 : memref<1x64xf32, #tpu.memory_space<hbm>> -> memref<64xf32, #tpu.memory_space<hbm>>
        tpu.wait_dma2 semaphore(%arg7 : memref<!tpu.dma_semaphore, #tpu.memory_space<semaphore_mem>>) src(%dma_wait3A_606 : memref<64xf32, #tpu.memory_space<hbm>>) dst(%dma_wait3A_603 : memref<64xf32, #tpu.memory_space<vmem>>)
        %dma_wait3A_607 = arith.constant 0 : i32
        %dma_wait3A_608 = arith.constant 0 : i32
        %dma_wait3A_609 = arith.constant 0 : i32
        %dma_wait3A_610 = tpu.memref_slice %arg6[%dma_wait3A_608, %dma_wait3A_609] : memref<512x64xf32, #tpu.memory_space<vmem>> -> memref<1x64xf32, #tpu.memory_space<vmem>>
        %dma_wait3A_611 = tpu.memref_squeeze %dma_wait3A_610 : memref<1x64xf32, #tpu.memory_space<vmem>> -> memref<64xf32, #tpu.memory_space<vmem>>
        %dma_wait3A_612 = arith.constant 0 : i32
        %dma_wait3A_613 = tpu.memref_slice %arg2[%dma_wait3A_607, %dma_wait3A_612] : memref<100000x64xf32, #tpu.memory_space<hbm>> -> memref<1x64xf32, #tpu.memory_space<hbm>>
        %dma_wait3A_614 = tpu.memref_squeeze %dma_wait3A_613 : memref<1x64xf32, #tpu.memory_space<hbm>> -> memref<64xf32, #tpu.memory_space<hbm>>
        %dma_wait3A_615 = arith.constant 0 : i32
        %dma_wait3A_616 = tpu.memref_slice %arg6[%dma_wait3A_608, %dma_wait3A_615] : memref<512x64xf32, #tpu.memory_space<vmem>> -> memref<1x64xf32, #tpu.memory_space<vmem>>
        %dma_wait3A_617 = tpu.memref_squeeze %dma_wait3A_616 : memref<1x64xf32, #tpu.memory_space<vmem>> -> memref<64xf32, #tpu.memory_space<vmem>>
        %dma_wait3A_618 = arith.constant 0 : i32
        %dma_wait3A_619 = tpu.memref_slice %arg2[%dma_wait3A_607, %dma_wait3A_618] : memref<100000x64xf32, #tpu.memory_space<hbm>> -> memref<1x64xf32, #tpu.memory_space<hbm>>
        %dma_wait3A_620 = tpu.memref_squeeze %dma_wait3A_619 : memref<1x64xf32, #tpu.memory_space<hbm>> -> memref<64xf32, #tpu.memory_space<hbm>>
        tpu.wait_dma2 semaphore(%arg7 : memref<!tpu.dma_semaphore, #tpu.memory_space<semaphore_mem>>) src(%dma_wait3A_620 : memref<64xf32, #tpu.memory_space<hbm>>) dst(%dma_wait3A_617 : memref<64xf32, #tpu.memory_space<vmem>>)
        %dma_wait3A_621 = arith.constant 0 : i32
        %dma_wait3A_622 = arith.constant 0 : i32
        %dma_wait3A_623 = arith.constant 0 : i32
        %dma_wait3A_624 = tpu.memref_slice %arg6[%dma_wait3A_622, %dma_wait3A_623] : memref<512x64xf32, #tpu.memory_space<vmem>> -> memref<1x64xf32, #tpu.memory_space<vmem>>
        %dma_wait3A_625 = tpu.memref_squeeze %dma_wait3A_624 : memref<1x64xf32, #tpu.memory_space<vmem>> -> memref<64xf32, #tpu.memory_space<vmem>>
        %dma_wait3A_626 = arith.constant 0 : i32
        %dma_wait3A_627 = tpu.memref_slice %arg2[%dma_wait3A_621, %dma_wait3A_626] : memref<100000x64xf32, #tpu.memory_space<hbm>> -> memref<1x64xf32, #tpu.memory_space<hbm>>
        %dma_wait3A_628 = tpu.memref_squeeze %dma_wait3A_627 : memref<1x64xf32, #tpu.memory_space<hbm>> -> memref<64xf32, #tpu.memory_space<hbm>>
        %dma_wait3A_629 = arith.constant 0 : i32
        %dma_wait3A_630 = tpu.memref_slice %arg6[%dma_wait3A_622, %dma_wait3A_629] : memref<512x64xf32, #tpu.memory_space<vmem>> -> memref<1x64xf32, #tpu.memory_space<vmem>>
        %dma_wait3A_631 = tpu.memref_squeeze %dma_wait3A_630 : memref<1x64xf32, #tpu.memory_space<vmem>> -> memref<64xf32, #tpu.memory_space<vmem>>
        %dma_wait3A_632 = arith.constant 0 : i32
        %dma_wait3A_633 = tpu.memref_slice %arg2[%dma_wait3A_621, %dma_wait3A_632] : memref<100000x64xf32, #tpu.memory_space<hbm>> -> memref<1x64xf32, #tpu.memory_space<hbm>>
        %dma_wait3A_634 = tpu.memref_squeeze %dma_wait3A_633 : memref<1x64xf32, #tpu.memory_space<hbm>> -> memref<64xf32, #tpu.memory_space<hbm>>
        tpu.wait_dma2 semaphore(%arg7 : memref<!tpu.dma_semaphore, #tpu.memory_space<semaphore_mem>>) src(%dma_wait3A_634 : memref<64xf32, #tpu.memory_space<hbm>>) dst(%dma_wait3A_631 : memref<64xf32, #tpu.memory_space<vmem>>)
        %dma_wait3A_635 = arith.constant 0 : i32
        %dma_wait3A_636 = arith.constant 0 : i32
        %dma_wait3A_637 = arith.constant 0 : i32
        %dma_wait3A_638 = tpu.memref_slice %arg6[%dma_wait3A_636, %dma_wait3A_637] : memref<512x64xf32, #tpu.memory_space<vmem>> -> memref<1x64xf32, #tpu.memory_space<vmem>>
        %dma_wait3A_639 = tpu.memref_squeeze %dma_wait3A_638 : memref<1x64xf32, #tpu.memory_space<vmem>> -> memref<64xf32, #tpu.memory_space<vmem>>
        %dma_wait3A_640 = arith.constant 0 : i32
        %dma_wait3A_641 = tpu.memref_slice %arg2[%dma_wait3A_635, %dma_wait3A_640] : memref<100000x64xf32, #tpu.memory_space<hbm>> -> memref<1x64xf32, #tpu.memory_space<hbm>>
        %dma_wait3A_642 = tpu.memref_squeeze %dma_wait3A_641 : memref<1x64xf32, #tpu.memory_space<hbm>> -> memref<64xf32, #tpu.memory_space<hbm>>
        %dma_wait3A_643 = arith.constant 0 : i32
        %dma_wait3A_644 = tpu.memref_slice %arg6[%dma_wait3A_636, %dma_wait3A_643] : memref<512x64xf32, #tpu.memory_space<vmem>> -> memref<1x64xf32, #tpu.memory_space<vmem>>
        %dma_wait3A_645 = tpu.memref_squeeze %dma_wait3A_644 : memref<1x64xf32, #tpu.memory_space<vmem>> -> memref<64xf32, #tpu.memory_space<vmem>>
        %dma_wait3A_646 = arith.constant 0 : i32
        %dma_wait3A_647 = tpu.memref_slice %arg2[%dma_wait3A_635, %dma_wait3A_646] : memref<100000x64xf32, #tpu.memory_space<hbm>> -> memref<1x64xf32, #tpu.memory_space<hbm>>
        %dma_wait3A_648 = tpu.memref_squeeze %dma_wait3A_647 : memref<1x64xf32, #tpu.memory_space<hbm>> -> memref<64xf32, #tpu.memory_space<hbm>>
        tpu.wait_dma2 semaphore(%arg7 : memref<!tpu.dma_semaphore, #tpu.memory_space<semaphore_mem>>) src(%dma_wait3A_648 : memref<64xf32, #tpu.memory_space<hbm>>) dst(%dma_wait3A_645 : memref<64xf32, #tpu.memory_space<vmem>>)
        %dma_wait3A_649 = arith.constant 0 : i32
        %dma_wait3A_650 = arith.constant 0 : i32
        %dma_wait3A_651 = arith.constant 0 : i32
        %dma_wait3A_652 = tpu.memref_slice %arg6[%dma_wait3A_650, %dma_wait3A_651] : memref<512x64xf32, #tpu.memory_space<vmem>> -> memref<1x64xf32, #tpu.memory_space<vmem>>
        %dma_wait3A_653 = tpu.memref_squeeze %dma_wait3A_652 : memref<1x64xf32, #tpu.memory_space<vmem>> -> memref<64xf32, #tpu.memory_space<vmem>>
        %dma_wait3A_654 = arith.constant 0 : i32
        %dma_wait3A_655 = tpu.memref_slice %arg2[%dma_wait3A_649, %dma_wait3A_654] : memref<100000x64xf32, #tpu.memory_space<hbm>> -> memref<1x64xf32, #tpu.memory_space<hbm>>
        %dma_wait3A_656 = tpu.memref_squeeze %dma_wait3A_655 : memref<1x64xf32, #tpu.memory_space<hbm>> -> memref<64xf32, #tpu.memory_space<hbm>>
        %dma_wait3A_657 = arith.constant 0 : i32
        %dma_wait3A_658 = tpu.memref_slice %arg6[%dma_wait3A_650, %dma_wait3A_657] : memref<512x64xf32, #tpu.memory_space<vmem>> -> memref<1x64xf32, #tpu.memory_space<vmem>>
        %dma_wait3A_659 = tpu.memref_squeeze %dma_wait3A_658 : memref<1x64xf32, #tpu.memory_space<vmem>> -> memref<64xf32, #tpu.memory_space<vmem>>
        %dma_wait3A_660 = arith.constant 0 : i32
        %dma_wait3A_661 = tpu.memref_slice %arg2[%dma_wait3A_649, %dma_wait3A_660] : memref<100000x64xf32, #tpu.memory_space<hbm>> -> memref<1x64xf32, #tpu.memory_space<hbm>>
        %dma_wait3A_662 = tpu.memref_squeeze %dma_wait3A_661 : memref<1x64xf32, #tpu.memory_space<hbm>> -> memref<64xf32, #tpu.memory_space<hbm>>
        tpu.wait_dma2 semaphore(%arg7 : memref<!tpu.dma_semaphore, #tpu.memory_space<semaphore_mem>>) src(%dma_wait3A_662 : memref<64xf32, #tpu.memory_space<hbm>>) dst(%dma_wait3A_659 : memref<64xf32, #tpu.memory_space<vmem>>)
        %dma_wait3A_663 = arith.constant 0 : i32
        %dma_wait3A_664 = arith.constant 0 : i32
        %dma_wait3A_665 = arith.constant 0 : i32
        %dma_wait3A_666 = tpu.memref_slice %arg6[%dma_wait3A_664, %dma_wait3A_665] : memref<512x64xf32, #tpu.memory_space<vmem>> -> memref<1x64xf32, #tpu.memory_space<vmem>>
        %dma_wait3A_667 = tpu.memref_squeeze %dma_wait3A_666 : memref<1x64xf32, #tpu.memory_space<vmem>> -> memref<64xf32, #tpu.memory_space<vmem>>
        %dma_wait3A_668 = arith.constant 0 : i32
        %dma_wait3A_669 = tpu.memref_slice %arg2[%dma_wait3A_663, %dma_wait3A_668] : memref<100000x64xf32, #tpu.memory_space<hbm>> -> memref<1x64xf32, #tpu.memory_space<hbm>>
        %dma_wait3A_670 = tpu.memref_squeeze %dma_wait3A_669 : memref<1x64xf32, #tpu.memory_space<hbm>> -> memref<64xf32, #tpu.memory_space<hbm>>
        %dma_wait3A_671 = arith.constant 0 : i32
        %dma_wait3A_672 = tpu.memref_slice %arg6[%dma_wait3A_664, %dma_wait3A_671] : memref<512x64xf32, #tpu.memory_space<vmem>> -> memref<1x64xf32, #tpu.memory_space<vmem>>
        %dma_wait3A_673 = tpu.memref_squeeze %dma_wait3A_672 : memref<1x64xf32, #tpu.memory_space<vmem>> -> memref<64xf32, #tpu.memory_space<vmem>>
        %dma_wait3A_674 = arith.constant 0 : i32
        %dma_wait3A_675 = tpu.memref_slice %arg2[%dma_wait3A_663, %dma_wait3A_674] : memref<100000x64xf32, #tpu.memory_space<hbm>> -> memref<1x64xf32, #tpu.memory_space<hbm>>
        %dma_wait3A_676 = tpu.memref_squeeze %dma_wait3A_675 : memref<1x64xf32, #tpu.memory_space<hbm>> -> memref<64xf32, #tpu.memory_space<hbm>>
        tpu.wait_dma2 semaphore(%arg7 : memref<!tpu.dma_semaphore, #tpu.memory_space<semaphore_mem>>) src(%dma_wait3A_676 : memref<64xf32, #tpu.memory_space<hbm>>) dst(%dma_wait3A_673 : memref<64xf32, #tpu.memory_space<vmem>>)
        %dma_wait3A_677 = arith.constant 0 : i32
        %dma_wait3A_678 = arith.constant 0 : i32
        %dma_wait3A_679 = arith.constant 0 : i32
        %dma_wait3A_680 = tpu.memref_slice %arg6[%dma_wait3A_678, %dma_wait3A_679] : memref<512x64xf32, #tpu.memory_space<vmem>> -> memref<1x64xf32, #tpu.memory_space<vmem>>
        %dma_wait3A_681 = tpu.memref_squeeze %dma_wait3A_680 : memref<1x64xf32, #tpu.memory_space<vmem>> -> memref<64xf32, #tpu.memory_space<vmem>>
        %dma_wait3A_682 = arith.constant 0 : i32
        %dma_wait3A_683 = tpu.memref_slice %arg2[%dma_wait3A_677, %dma_wait3A_682] : memref<100000x64xf32, #tpu.memory_space<hbm>> -> memref<1x64xf32, #tpu.memory_space<hbm>>
        %dma_wait3A_684 = tpu.memref_squeeze %dma_wait3A_683 : memref<1x64xf32, #tpu.memory_space<hbm>> -> memref<64xf32, #tpu.memory_space<hbm>>
        %dma_wait3A_685 = arith.constant 0 : i32
        %dma_wait3A_686 = tpu.memref_slice %arg6[%dma_wait3A_678, %dma_wait3A_685] : memref<512x64xf32, #tpu.memory_space<vmem>> -> memref<1x64xf32, #tpu.memory_space<vmem>>
        %dma_wait3A_687 = tpu.memref_squeeze %dma_wait3A_686 : memref<1x64xf32, #tpu.memory_space<vmem>> -> memref<64xf32, #tpu.memory_space<vmem>>
        %dma_wait3A_688 = arith.constant 0 : i32
        %dma_wait3A_689 = tpu.memref_slice %arg2[%dma_wait3A_677, %dma_wait3A_688] : memref<100000x64xf32, #tpu.memory_space<hbm>> -> memref<1x64xf32, #tpu.memory_space<hbm>>
        %dma_wait3A_690 = tpu.memref_squeeze %dma_wait3A_689 : memref<1x64xf32, #tpu.memory_space<hbm>> -> memref<64xf32, #tpu.memory_space<hbm>>
        tpu.wait_dma2 semaphore(%arg7 : memref<!tpu.dma_semaphore, #tpu.memory_space<semaphore_mem>>) src(%dma_wait3A_690 : memref<64xf32, #tpu.memory_space<hbm>>) dst(%dma_wait3A_687 : memref<64xf32, #tpu.memory_space<vmem>>)
        %dma_wait3A_691 = arith.constant 0 : i32
        %dma_wait3A_692 = arith.constant 0 : i32
        %dma_wait3A_693 = arith.constant 0 : i32
        %dma_wait3A_694 = tpu.memref_slice %arg6[%dma_wait3A_692, %dma_wait3A_693] : memref<512x64xf32, #tpu.memory_space<vmem>> -> memref<1x64xf32, #tpu.memory_space<vmem>>
        %dma_wait3A_695 = tpu.memref_squeeze %dma_wait3A_694 : memref<1x64xf32, #tpu.memory_space<vmem>> -> memref<64xf32, #tpu.memory_space<vmem>>
        %dma_wait3A_696 = arith.constant 0 : i32
        %dma_wait3A_697 = tpu.memref_slice %arg2[%dma_wait3A_691, %dma_wait3A_696] : memref<100000x64xf32, #tpu.memory_space<hbm>> -> memref<1x64xf32, #tpu.memory_space<hbm>>
        %dma_wait3A_698 = tpu.memref_squeeze %dma_wait3A_697 : memref<1x64xf32, #tpu.memory_space<hbm>> -> memref<64xf32, #tpu.memory_space<hbm>>
        %dma_wait3A_699 = arith.constant 0 : i32
        %dma_wait3A_700 = tpu.memref_slice %arg6[%dma_wait3A_692, %dma_wait3A_699] : memref<512x64xf32, #tpu.memory_space<vmem>> -> memref<1x64xf32, #tpu.memory_space<vmem>>
        %dma_wait3A_701 = tpu.memref_squeeze %dma_wait3A_700 : memref<1x64xf32, #tpu.memory_space<vmem>> -> memref<64xf32, #tpu.memory_space<vmem>>
        %dma_wait3A_702 = arith.constant 0 : i32
        %dma_wait3A_703 = tpu.memref_slice %arg2[%dma_wait3A_691, %dma_wait3A_702] : memref<100000x64xf32, #tpu.memory_space<hbm>> -> memref<1x64xf32, #tpu.memory_space<hbm>>
        %dma_wait3A_704 = tpu.memref_squeeze %dma_wait3A_703 : memref<1x64xf32, #tpu.memory_space<hbm>> -> memref<64xf32, #tpu.memory_space<hbm>>
        tpu.wait_dma2 semaphore(%arg7 : memref<!tpu.dma_semaphore, #tpu.memory_space<semaphore_mem>>) src(%dma_wait3A_704 : memref<64xf32, #tpu.memory_space<hbm>>) dst(%dma_wait3A_701 : memref<64xf32, #tpu.memory_space<vmem>>)
        %dma_wait3A_705 = arith.constant 0 : i32
        %dma_wait3A_706 = arith.constant 0 : i32
        %dma_wait3A_707 = arith.constant 0 : i32
        %dma_wait3A_708 = tpu.memref_slice %arg6[%dma_wait3A_706, %dma_wait3A_707] : memref<512x64xf32, #tpu.memory_space<vmem>> -> memref<1x64xf32, #tpu.memory_space<vmem>>
        %dma_wait3A_709 = tpu.memref_squeeze %dma_wait3A_708 : memref<1x64xf32, #tpu.memory_space<vmem>> -> memref<64xf32, #tpu.memory_space<vmem>>
        %dma_wait3A_710 = arith.constant 0 : i32
        %dma_wait3A_711 = tpu.memref_slice %arg2[%dma_wait3A_705, %dma_wait3A_710] : memref<100000x64xf32, #tpu.memory_space<hbm>> -> memref<1x64xf32, #tpu.memory_space<hbm>>
        %dma_wait3A_712 = tpu.memref_squeeze %dma_wait3A_711 : memref<1x64xf32, #tpu.memory_space<hbm>> -> memref<64xf32, #tpu.memory_space<hbm>>
        %dma_wait3A_713 = arith.constant 0 : i32
        %dma_wait3A_714 = tpu.memref_slice %arg6[%dma_wait3A_706, %dma_wait3A_713] : memref<512x64xf32, #tpu.memory_space<vmem>> -> memref<1x64xf32, #tpu.memory_space<vmem>>
        %dma_wait3A_715 = tpu.memref_squeeze %dma_wait3A_714 : memref<1x64xf32, #tpu.memory_space<vmem>> -> memref<64xf32, #tpu.memory_space<vmem>>
        %dma_wait3A_716 = arith.constant 0 : i32
        %dma_wait3A_717 = tpu.memref_slice %arg2[%dma_wait3A_705, %dma_wait3A_716] : memref<100000x64xf32, #tpu.memory_space<hbm>> -> memref<1x64xf32, #tpu.memory_space<hbm>>
        %dma_wait3A_718 = tpu.memref_squeeze %dma_wait3A_717 : memref<1x64xf32, #tpu.memory_space<hbm>> -> memref<64xf32, #tpu.memory_space<hbm>>
        tpu.wait_dma2 semaphore(%arg7 : memref<!tpu.dma_semaphore, #tpu.memory_space<semaphore_mem>>) src(%dma_wait3A_718 : memref<64xf32, #tpu.memory_space<hbm>>) dst(%dma_wait3A_715 : memref<64xf32, #tpu.memory_space<vmem>>)
        %dma_wait3A_719 = arith.constant 0 : i32
        %dma_wait3A_720 = arith.constant 0 : i32
        %dma_wait3A_721 = arith.constant 0 : i32
        %dma_wait3A_722 = tpu.memref_slice %arg6[%dma_wait3A_720, %dma_wait3A_721] : memref<512x64xf32, #tpu.memory_space<vmem>> -> memref<1x64xf32, #tpu.memory_space<vmem>>
        %dma_wait3A_723 = tpu.memref_squeeze %dma_wait3A_722 : memref<1x64xf32, #tpu.memory_space<vmem>> -> memref<64xf32, #tpu.memory_space<vmem>>
        %dma_wait3A_724 = arith.constant 0 : i32
        %dma_wait3A_725 = tpu.memref_slice %arg2[%dma_wait3A_719, %dma_wait3A_724] : memref<100000x64xf32, #tpu.memory_space<hbm>> -> memref<1x64xf32, #tpu.memory_space<hbm>>
        %dma_wait3A_726 = tpu.memref_squeeze %dma_wait3A_725 : memref<1x64xf32, #tpu.memory_space<hbm>> -> memref<64xf32, #tpu.memory_space<hbm>>
        %dma_wait3A_727 = arith.constant 0 : i32
        %dma_wait3A_728 = tpu.memref_slice %arg6[%dma_wait3A_720, %dma_wait3A_727] : memref<512x64xf32, #tpu.memory_space<vmem>> -> memref<1x64xf32, #tpu.memory_space<vmem>>
        %dma_wait3A_729 = tpu.memref_squeeze %dma_wait3A_728 : memref<1x64xf32, #tpu.memory_space<vmem>> -> memref<64xf32, #tpu.memory_space<vmem>>
        %dma_wait3A_730 = arith.constant 0 : i32
        %dma_wait3A_731 = tpu.memref_slice %arg2[%dma_wait3A_719, %dma_wait3A_730] : memref<100000x64xf32, #tpu.memory_space<hbm>> -> memref<1x64xf32, #tpu.memory_space<hbm>>
        %dma_wait3A_732 = tpu.memref_squeeze %dma_wait3A_731 : memref<1x64xf32, #tpu.memory_space<hbm>> -> memref<64xf32, #tpu.memory_space<hbm>>
        tpu.wait_dma2 semaphore(%arg7 : memref<!tpu.dma_semaphore, #tpu.memory_space<semaphore_mem>>) src(%dma_wait3A_732 : memref<64xf32, #tpu.memory_space<hbm>>) dst(%dma_wait3A_729 : memref<64xf32, #tpu.memory_space<vmem>>)
        %dma_wait3A_733 = arith.constant 0 : i32
        %dma_wait3A_734 = arith.constant 0 : i32
        %dma_wait3A_735 = arith.constant 0 : i32
        %dma_wait3A_736 = tpu.memref_slice %arg6[%dma_wait3A_734, %dma_wait3A_735] : memref<512x64xf32, #tpu.memory_space<vmem>> -> memref<1x64xf32, #tpu.memory_space<vmem>>
        %dma_wait3A_737 = tpu.memref_squeeze %dma_wait3A_736 : memref<1x64xf32, #tpu.memory_space<vmem>> -> memref<64xf32, #tpu.memory_space<vmem>>
        %dma_wait3A_738 = arith.constant 0 : i32
        %dma_wait3A_739 = tpu.memref_slice %arg2[%dma_wait3A_733, %dma_wait3A_738] : memref<100000x64xf32, #tpu.memory_space<hbm>> -> memref<1x64xf32, #tpu.memory_space<hbm>>
        %dma_wait3A_740 = tpu.memref_squeeze %dma_wait3A_739 : memref<1x64xf32, #tpu.memory_space<hbm>> -> memref<64xf32, #tpu.memory_space<hbm>>
        %dma_wait3A_741 = arith.constant 0 : i32
        %dma_wait3A_742 = tpu.memref_slice %arg6[%dma_wait3A_734, %dma_wait3A_741] : memref<512x64xf32, #tpu.memory_space<vmem>> -> memref<1x64xf32, #tpu.memory_space<vmem>>
        %dma_wait3A_743 = tpu.memref_squeeze %dma_wait3A_742 : memref<1x64xf32, #tpu.memory_space<vmem>> -> memref<64xf32, #tpu.memory_space<vmem>>
        %dma_wait3A_744 = arith.constant 0 : i32
        %dma_wait3A_745 = tpu.memref_slice %arg2[%dma_wait3A_733, %dma_wait3A_744] : memref<100000x64xf32, #tpu.memory_space<hbm>> -> memref<1x64xf32, #tpu.memory_space<hbm>>
        %dma_wait3A_746 = tpu.memref_squeeze %dma_wait3A_745 : memref<1x64xf32, #tpu.memory_space<hbm>> -> memref<64xf32, #tpu.memory_space<hbm>>
        tpu.wait_dma2 semaphore(%arg7 : memref<!tpu.dma_semaphore, #tpu.memory_space<semaphore_mem>>) src(%dma_wait3A_746 : memref<64xf32, #tpu.memory_space<hbm>>) dst(%dma_wait3A_743 : memref<64xf32, #tpu.memory_space<vmem>>)
      } else {
      }
    }
    %scan3A_7 = arith.constant 32 : i32
    %dma_wait3A = arith.constant 0 : i32
    %dma_wait3A_8 = arith.constant 0 : i32
    %dma_wait3A_9 = arith.constant 0 : i32
    %dma_wait3A_10 = tpu.memref_slice %arg6[%dma_wait3A_8, %dma_wait3A_9] : memref<512x64xf32, #tpu.memory_space<vmem>> -> memref<1x64xf32, #tpu.memory_space<vmem>>
    %dma_wait3A_11 = tpu.memref_squeeze %dma_wait3A_10 : memref<1x64xf32, #tpu.memory_space<vmem>> -> memref<64xf32, #tpu.memory_space<vmem>>
    %dma_wait3A_12 = arith.constant 0 : i32
    %dma_wait3A_13 = tpu.memref_slice %arg2[%dma_wait3A, %dma_wait3A_12] : memref<100000x64xf32, #tpu.memory_space<hbm>> -> memref<1x64xf32, #tpu.memory_space<hbm>>
    %dma_wait3A_14 = tpu.memref_squeeze %dma_wait3A_13 : memref<1x64xf32, #tpu.memory_space<hbm>> -> memref<64xf32, #tpu.memory_space<hbm>>
    %dma_wait3A_15 = arith.constant 0 : i32
    %dma_wait3A_16 = tpu.memref_slice %arg6[%dma_wait3A_8, %dma_wait3A_15] : memref<512x64xf32, #tpu.memory_space<vmem>> -> memref<1x64xf32, #tpu.memory_space<vmem>>
    %dma_wait3A_17 = tpu.memref_squeeze %dma_wait3A_16 : memref<1x64xf32, #tpu.memory_space<vmem>> -> memref<64xf32, #tpu.memory_space<vmem>>
    %dma_wait3A_18 = arith.constant 0 : i32
    %dma_wait3A_19 = tpu.memref_slice %arg2[%dma_wait3A, %dma_wait3A_18] : memref<100000x64xf32, #tpu.memory_space<hbm>> -> memref<1x64xf32, #tpu.memory_space<hbm>>
    %dma_wait3A_20 = tpu.memref_squeeze %dma_wait3A_19 : memref<1x64xf32, #tpu.memory_space<hbm>> -> memref<64xf32, #tpu.memory_space<hbm>>
    tpu.wait_dma2 semaphore(%arg7 : memref<!tpu.dma_semaphore, #tpu.memory_space<semaphore_mem>>) src(%dma_wait3A_20 : memref<64xf32, #tpu.memory_space<hbm>>) dst(%dma_wait3A_17 : memref<64xf32, #tpu.memory_space<vmem>>)
    %dma_wait3A_21 = arith.constant 0 : i32
    %dma_wait3A_22 = arith.constant 0 : i32
    %dma_wait3A_23 = arith.constant 0 : i32
    %dma_wait3A_24 = tpu.memref_slice %arg6[%dma_wait3A_22, %dma_wait3A_23] : memref<512x64xf32, #tpu.memory_space<vmem>> -> memref<1x64xf32, #tpu.memory_space<vmem>>
    %dma_wait3A_25 = tpu.memref_squeeze %dma_wait3A_24 : memref<1x64xf32, #tpu.memory_space<vmem>> -> memref<64xf32, #tpu.memory_space<vmem>>
    %dma_wait3A_26 = arith.constant 0 : i32
    %dma_wait3A_27 = tpu.memref_slice %arg2[%dma_wait3A_21, %dma_wait3A_26] : memref<100000x64xf32, #tpu.memory_space<hbm>> -> memref<1x64xf32, #tpu.memory_space<hbm>>
    %dma_wait3A_28 = tpu.memref_squeeze %dma_wait3A_27 : memref<1x64xf32, #tpu.memory_space<hbm>> -> memref<64xf32, #tpu.memory_space<hbm>>
    %dma_wait3A_29 = arith.constant 0 : i32
    %dma_wait3A_30 = tpu.memref_slice %arg6[%dma_wait3A_22, %dma_wait3A_29] : memref<512x64xf32, #tpu.memory_space<vmem>> -> memref<1x64xf32, #tpu.memory_space<vmem>>
    %dma_wait3A_31 = tpu.memref_squeeze %dma_wait3A_30 : memref<1x64xf32, #tpu.memory_space<vmem>> -> memref<64xf32, #tpu.memory_space<vmem>>
    %dma_wait3A_32 = arith.constant 0 : i32
    %dma_wait3A_33 = tpu.memref_slice %arg2[%dma_wait3A_21, %dma_wait3A_32] : memref<100000x64xf32, #tpu.memory_space<hbm>> -> memref<1x64xf32, #tpu.memory_space<hbm>>
    %dma_wait3A_34 = tpu.memref_squeeze %dma_wait3A_33 : memref<1x64xf32, #tpu.memory_space<hbm>> -> memref<64xf32, #tpu.memory_space<hbm>>
    tpu.wait_dma2 semaphore(%arg7 : memref<!tpu.dma_semaphore, #tpu.memory_space<semaphore_mem>>) src(%dma_wait3A_34 : memref<64xf32, #tpu.memory_space<hbm>>) dst(%dma_wait3A_31 : memref<64xf32, #tpu.memory_space<vmem>>)
    %dma_wait3A_35 = arith.constant 0 : i32
    %dma_wait3A_36 = arith.constant 0 : i32
    %dma_wait3A_37 = arith.constant 0 : i32
    %dma_wait3A_38 = tpu.memref_slice %arg6[%dma_wait3A_36, %dma_wait3A_37] : memref<512x64xf32, #tpu.memory_space<vmem>> -> memref<1x64xf32, #tpu.memory_space<vmem>>
    %dma_wait3A_39 = tpu.memref_squeeze %dma_wait3A_38 : memref<1x64xf32, #tpu.memory_space<vmem>> -> memref<64xf32, #tpu.memory_space<vmem>>
    %dma_wait3A_40 = arith.constant 0 : i32
    %dma_wait3A_41 = tpu.memref_slice %arg2[%dma_wait3A_35, %dma_wait3A_40] : memref<100000x64xf32, #tpu.memory_space<hbm>> -> memref<1x64xf32, #tpu.memory_space<hbm>>
    %dma_wait3A_42 = tpu.memref_squeeze %dma_wait3A_41 : memref<1x64xf32, #tpu.memory_space<hbm>> -> memref<64xf32, #tpu.memory_space<hbm>>
    %dma_wait3A_43 = arith.constant 0 : i32
    %dma_wait3A_44 = tpu.memref_slice %arg6[%dma_wait3A_36, %dma_wait3A_43] : memref<512x64xf32, #tpu.memory_space<vmem>> -> memref<1x64xf32, #tpu.memory_space<vmem>>
    %dma_wait3A_45 = tpu.memref_squeeze %dma_wait3A_44 : memref<1x64xf32, #tpu.memory_space<vmem>> -> memref<64xf32, #tpu.memory_space<vmem>>
    %dma_wait3A_46 = arith.constant 0 : i32
    %dma_wait3A_47 = tpu.memref_slice %arg2[%dma_wait3A_35, %dma_wait3A_46] : memref<100000x64xf32, #tpu.memory_space<hbm>> -> memref<1x64xf32, #tpu.memory_space<hbm>>
    %dma_wait3A_48 = tpu.memref_squeeze %dma_wait3A_47 : memref<1x64xf32, #tpu.memory_space<hbm>> -> memref<64xf32, #tpu.memory_space<hbm>>
    tpu.wait_dma2 semaphore(%arg7 : memref<!tpu.dma_semaphore, #tpu.memory_space<semaphore_mem>>) src(%dma_wait3A_48 : memref<64xf32, #tpu.memory_space<hbm>>) dst(%dma_wait3A_45 : memref<64xf32, #tpu.memory_space<vmem>>)
    %dma_wait3A_49 = arith.constant 0 : i32
    %dma_wait3A_50 = arith.constant 0 : i32
    %dma_wait3A_51 = arith.constant 0 : i32
    %dma_wait3A_52 = tpu.memref_slice %arg6[%dma_wait3A_50, %dma_wait3A_51] : memref<512x64xf32, #tpu.memory_space<vmem>> -> memref<1x64xf32, #tpu.memory_space<vmem>>
    %dma_wait3A_53 = tpu.memref_squeeze %dma_wait3A_52 : memref<1x64xf32, #tpu.memory_space<vmem>> -> memref<64xf32, #tpu.memory_space<vmem>>
    %dma_wait3A_54 = arith.constant 0 : i32
    %dma_wait3A_55 = tpu.memref_slice %arg2[%dma_wait3A_49, %dma_wait3A_54] : memref<100000x64xf32, #tpu.memory_space<hbm>> -> memref<1x64xf32, #tpu.memory_space<hbm>>
    %dma_wait3A_56 = tpu.memref_squeeze %dma_wait3A_55 : memref<1x64xf32, #tpu.memory_space<hbm>> -> memref<64xf32, #tpu.memory_space<hbm>>
    %dma_wait3A_57 = arith.constant 0 : i32
    %dma_wait3A_58 = tpu.memref_slice %arg6[%dma_wait3A_50, %dma_wait3A_57] : memref<512x64xf32, #tpu.memory_space<vmem>> -> memref<1x64xf32, #tpu.memory_space<vmem>>
    %dma_wait3A_59 = tpu.memref_squeeze %dma_wait3A_58 : memref<1x64xf32, #tpu.memory_space<vmem>> -> memref<64xf32, #tpu.memory_space<vmem>>
    %dma_wait3A_60 = arith.constant 0 : i32
    %dma_wait3A_61 = tpu.memref_slice %arg2[%dma_wait3A_49, %dma_wait3A_60] : memref<100000x64xf32, #tpu.memory_space<hbm>> -> memref<1x64xf32, #tpu.memory_space<hbm>>
    %dma_wait3A_62 = tpu.memref_squeeze %dma_wait3A_61 : memref<1x64xf32, #tpu.memory_space<hbm>> -> memref<64xf32, #tpu.memory_space<hbm>>
    tpu.wait_dma2 semaphore(%arg7 : memref<!tpu.dma_semaphore, #tpu.memory_space<semaphore_mem>>) src(%dma_wait3A_62 : memref<64xf32, #tpu.memory_space<hbm>>) dst(%dma_wait3A_59 : memref<64xf32, #tpu.memory_space<vmem>>)
    %dma_wait3A_63 = arith.constant 0 : i32
    %dma_wait3A_64 = arith.constant 0 : i32
    %dma_wait3A_65 = arith.constant 0 : i32
    %dma_wait3A_66 = tpu.memref_slice %arg6[%dma_wait3A_64, %dma_wait3A_65] : memref<512x64xf32, #tpu.memory_space<vmem>> -> memref<1x64xf32, #tpu.memory_space<vmem>>
    %dma_wait3A_67 = tpu.memref_squeeze %dma_wait3A_66 : memref<1x64xf32, #tpu.memory_space<vmem>> -> memref<64xf32, #tpu.memory_space<vmem>>
    %dma_wait3A_68 = arith.constant 0 : i32
    %dma_wait3A_69 = tpu.memref_slice %arg2[%dma_wait3A_63, %dma_wait3A_68] : memref<100000x64xf32, #tpu.memory_space<hbm>> -> memref<1x64xf32, #tpu.memory_space<hbm>>
    %dma_wait3A_70 = tpu.memref_squeeze %dma_wait3A_69 : memref<1x64xf32, #tpu.memory_space<hbm>> -> memref<64xf32, #tpu.memory_space<hbm>>
    %dma_wait3A_71 = arith.constant 0 : i32
    %dma_wait3A_72 = tpu.memref_slice %arg6[%dma_wait3A_64, %dma_wait3A_71] : memref<512x64xf32, #tpu.memory_space<vmem>> -> memref<1x64xf32, #tpu.memory_space<vmem>>
    %dma_wait3A_73 = tpu.memref_squeeze %dma_wait3A_72 : memref<1x64xf32, #tpu.memory_space<vmem>> -> memref<64xf32, #tpu.memory_space<vmem>>
    %dma_wait3A_74 = arith.constant 0 : i32
    %dma_wait3A_75 = tpu.memref_slice %arg2[%dma_wait3A_63, %dma_wait3A_74] : memref<100000x64xf32, #tpu.memory_space<hbm>> -> memref<1x64xf32, #tpu.memory_space<hbm>>
    %dma_wait3A_76 = tpu.memref_squeeze %dma_wait3A_75 : memref<1x64xf32, #tpu.memory_space<hbm>> -> memref<64xf32, #tpu.memory_space<hbm>>
    tpu.wait_dma2 semaphore(%arg7 : memref<!tpu.dma_semaphore, #tpu.memory_space<semaphore_mem>>) src(%dma_wait3A_76 : memref<64xf32, #tpu.memory_space<hbm>>) dst(%dma_wait3A_73 : memref<64xf32, #tpu.memory_space<vmem>>)
    %dma_wait3A_77 = arith.constant 0 : i32
    %dma_wait3A_78 = arith.constant 0 : i32
    %dma_wait3A_79 = arith.constant 0 : i32
    %dma_wait3A_80 = tpu.memref_slice %arg6[%dma_wait3A_78, %dma_wait3A_79] : memref<512x64xf32, #tpu.memory_space<vmem>> -> memref<1x64xf32, #tpu.memory_space<vmem>>
    %dma_wait3A_81 = tpu.memref_squeeze %dma_wait3A_80 : memref<1x64xf32, #tpu.memory_space<vmem>> -> memref<64xf32, #tpu.memory_space<vmem>>
    %dma_wait3A_82 = arith.constant 0 : i32
    %dma_wait3A_83 = tpu.memref_slice %arg2[%dma_wait3A_77, %dma_wait3A_82] : memref<100000x64xf32, #tpu.memory_space<hbm>> -> memref<1x64xf32, #tpu.memory_space<hbm>>
    %dma_wait3A_84 = tpu.memref_squeeze %dma_wait3A_83 : memref<1x64xf32, #tpu.memory_space<hbm>> -> memref<64xf32, #tpu.memory_space<hbm>>
    %dma_wait3A_85 = arith.constant 0 : i32
    %dma_wait3A_86 = tpu.memref_slice %arg6[%dma_wait3A_78, %dma_wait3A_85] : memref<512x64xf32, #tpu.memory_space<vmem>> -> memref<1x64xf32, #tpu.memory_space<vmem>>
    %dma_wait3A_87 = tpu.memref_squeeze %dma_wait3A_86 : memref<1x64xf32, #tpu.memory_space<vmem>> -> memref<64xf32, #tpu.memory_space<vmem>>
    %dma_wait3A_88 = arith.constant 0 : i32
    %dma_wait3A_89 = tpu.memref_slice %arg2[%dma_wait3A_77, %dma_wait3A_88] : memref<100000x64xf32, #tpu.memory_space<hbm>> -> memref<1x64xf32, #tpu.memory_space<hbm>>
    %dma_wait3A_90 = tpu.memref_squeeze %dma_wait3A_89 : memref<1x64xf32, #tpu.memory_space<hbm>> -> memref<64xf32, #tpu.memory_space<hbm>>
    tpu.wait_dma2 semaphore(%arg7 : memref<!tpu.dma_semaphore, #tpu.memory_space<semaphore_mem>>) src(%dma_wait3A_90 : memref<64xf32, #tpu.memory_space<hbm>>) dst(%dma_wait3A_87 : memref<64xf32, #tpu.memory_space<vmem>>)
    %dma_wait3A_91 = arith.constant 0 : i32
    %dma_wait3A_92 = arith.constant 0 : i32
    %dma_wait3A_93 = arith.constant 0 : i32
    %dma_wait3A_94 = tpu.memref_slice %arg6[%dma_wait3A_92, %dma_wait3A_93] : memref<512x64xf32, #tpu.memory_space<vmem>> -> memref<1x64xf32, #tpu.memory_space<vmem>>
    %dma_wait3A_95 = tpu.memref_squeeze %dma_wait3A_94 : memref<1x64xf32, #tpu.memory_space<vmem>> -> memref<64xf32, #tpu.memory_space<vmem>>
    %dma_wait3A_96 = arith.constant 0 : i32
    %dma_wait3A_97 = tpu.memref_slice %arg2[%dma_wait3A_91, %dma_wait3A_96] : memref<100000x64xf32, #tpu.memory_space<hbm>> -> memref<1x64xf32, #tpu.memory_space<hbm>>
    %dma_wait3A_98 = tpu.memref_squeeze %dma_wait3A_97 : memref<1x64xf32, #tpu.memory_space<hbm>> -> memref<64xf32, #tpu.memory_space<hbm>>
    %dma_wait3A_99 = arith.constant 0 : i32
    %dma_wait3A_100 = tpu.memref_slice %arg6[%dma_wait3A_92, %dma_wait3A_99] : memref<512x64xf32, #tpu.memory_space<vmem>> -> memref<1x64xf32, #tpu.memory_space<vmem>>
    %dma_wait3A_101 = tpu.memref_squeeze %dma_wait3A_100 : memref<1x64xf32, #tpu.memory_space<vmem>> -> memref<64xf32, #tpu.memory_space<vmem>>
    %dma_wait3A_102 = arith.constant 0 : i32
    %dma_wait3A_103 = tpu.memref_slice %arg2[%dma_wait3A_91, %dma_wait3A_102] : memref<100000x64xf32, #tpu.memory_space<hbm>> -> memref<1x64xf32, #tpu.memory_space<hbm>>
    %dma_wait3A_104 = tpu.memref_squeeze %dma_wait3A_103 : memref<1x64xf32, #tpu.memory_space<hbm>> -> memref<64xf32, #tpu.memory_space<hbm>>
    tpu.wait_dma2 semaphore(%arg7 : memref<!tpu.dma_semaphore, #tpu.memory_space<semaphore_mem>>) src(%dma_wait3A_104 : memref<64xf32, #tpu.memory_space<hbm>>) dst(%dma_wait3A_101 : memref<64xf32, #tpu.memory_space<vmem>>)
    %dma_wait3A_105 = arith.constant 0 : i32
    %dma_wait3A_106 = arith.constant 0 : i32
    %dma_wait3A_107 = arith.constant 0 : i32
    %dma_wait3A_108 = tpu.memref_slice %arg6[%dma_wait3A_106, %dma_wait3A_107] : memref<512x64xf32, #tpu.memory_space<vmem>> -> memref<1x64xf32, #tpu.memory_space<vmem>>
    %dma_wait3A_109 = tpu.memref_squeeze %dma_wait3A_108 : memref<1x64xf32, #tpu.memory_space<vmem>> -> memref<64xf32, #tpu.memory_space<vmem>>
    %dma_wait3A_110 = arith.constant 0 : i32
    %dma_wait3A_111 = tpu.memref_slice %arg2[%dma_wait3A_105, %dma_wait3A_110] : memref<100000x64xf32, #tpu.memory_space<hbm>> -> memref<1x64xf32, #tpu.memory_space<hbm>>
    %dma_wait3A_112 = tpu.memref_squeeze %dma_wait3A_111 : memref<1x64xf32, #tpu.memory_space<hbm>> -> memref<64xf32, #tpu.memory_space<hbm>>
    %dma_wait3A_113 = arith.constant 0 : i32
    %dma_wait3A_114 = tpu.memref_slice %arg6[%dma_wait3A_106, %dma_wait3A_113] : memref<512x64xf32, #tpu.memory_space<vmem>> -> memref<1x64xf32, #tpu.memory_space<vmem>>
    %dma_wait3A_115 = tpu.memref_squeeze %dma_wait3A_114 : memref<1x64xf32, #tpu.memory_space<vmem>> -> memref<64xf32, #tpu.memory_space<vmem>>
    %dma_wait3A_116 = arith.constant 0 : i32
    %dma_wait3A_117 = tpu.memref_slice %arg2[%dma_wait3A_105, %dma_wait3A_116] : memref<100000x64xf32, #tpu.memory_space<hbm>> -> memref<1x64xf32, #tpu.memory_space<hbm>>
    %dma_wait3A_118 = tpu.memref_squeeze %dma_wait3A_117 : memref<1x64xf32, #tpu.memory_space<hbm>> -> memref<64xf32, #tpu.memory_space<hbm>>
    tpu.wait_dma2 semaphore(%arg7 : memref<!tpu.dma_semaphore, #tpu.memory_space<semaphore_mem>>) src(%dma_wait3A_118 : memref<64xf32, #tpu.memory_space<hbm>>) dst(%dma_wait3A_115 : memref<64xf32, #tpu.memory_space<vmem>>)
    %dma_wait3A_119 = arith.constant 0 : i32
    %dma_wait3A_120 = arith.constant 0 : i32
    %dma_wait3A_121 = arith.constant 0 : i32
    %dma_wait3A_122 = tpu.memref_slice %arg6[%dma_wait3A_120, %dma_wait3A_121] : memref<512x64xf32, #tpu.memory_space<vmem>> -> memref<1x64xf32, #tpu.memory_space<vmem>>
    %dma_wait3A_123 = tpu.memref_squeeze %dma_wait3A_122 : memref<1x64xf32, #tpu.memory_space<vmem>> -> memref<64xf32, #tpu.memory_space<vmem>>
    %dma_wait3A_124 = arith.constant 0 : i32
    %dma_wait3A_125 = tpu.memref_slice %arg2[%dma_wait3A_119, %dma_wait3A_124] : memref<100000x64xf32, #tpu.memory_space<hbm>> -> memref<1x64xf32, #tpu.memory_space<hbm>>
    %dma_wait3A_126 = tpu.memref_squeeze %dma_wait3A_125 : memref<1x64xf32, #tpu.memory_space<hbm>> -> memref<64xf32, #tpu.memory_space<hbm>>
    %dma_wait3A_127 = arith.constant 0 : i32
    %dma_wait3A_128 = tpu.memref_slice %arg6[%dma_wait3A_120, %dma_wait3A_127] : memref<512x64xf32, #tpu.memory_space<vmem>> -> memref<1x64xf32, #tpu.memory_space<vmem>>
    %dma_wait3A_129 = tpu.memref_squeeze %dma_wait3A_128 : memref<1x64xf32, #tpu.memory_space<vmem>> -> memref<64xf32, #tpu.memory_space<vmem>>
    %dma_wait3A_130 = arith.constant 0 : i32
    %dma_wait3A_131 = tpu.memref_slice %arg2[%dma_wait3A_119, %dma_wait3A_130] : memref<100000x64xf32, #tpu.memory_space<hbm>> -> memref<1x64xf32, #tpu.memory_space<hbm>>
    %dma_wait3A_132 = tpu.memref_squeeze %dma_wait3A_131 : memref<1x64xf32, #tpu.memory_space<hbm>> -> memref<64xf32, #tpu.memory_space<hbm>>
    tpu.wait_dma2 semaphore(%arg7 : memref<!tpu.dma_semaphore, #tpu.memory_space<semaphore_mem>>) src(%dma_wait3A_132 : memref<64xf32, #tpu.memory_space<hbm>>) dst(%dma_wait3A_129 : memref<64xf32, #tpu.memory_space<vmem>>)
    %dma_wait3A_133 = arith.constant 0 : i32
    %dma_wait3A_134 = arith.constant 0 : i32
    %dma_wait3A_135 = arith.constant 0 : i32
    %dma_wait3A_136 = tpu.memref_slice %arg6[%dma_wait3A_134, %dma_wait3A_135] : memref<512x64xf32, #tpu.memory_space<vmem>> -> memref<1x64xf32, #tpu.memory_space<vmem>>
    %dma_wait3A_137 = tpu.memref_squeeze %dma_wait3A_136 : memref<1x64xf32, #tpu.memory_space<vmem>> -> memref<64xf32, #tpu.memory_space<vmem>>
    %dma_wait3A_138 = arith.constant 0 : i32
    %dma_wait3A_139 = tpu.memref_slice %arg2[%dma_wait3A_133, %dma_wait3A_138] : memref<100000x64xf32, #tpu.memory_space<hbm>> -> memref<1x64xf32, #tpu.memory_space<hbm>>
    %dma_wait3A_140 = tpu.memref_squeeze %dma_wait3A_139 : memref<1x64xf32, #tpu.memory_space<hbm>> -> memref<64xf32, #tpu.memory_space<hbm>>
    %dma_wait3A_141 = arith.constant 0 : i32
    %dma_wait3A_142 = tpu.memref_slice %arg6[%dma_wait3A_134, %dma_wait3A_141] : memref<512x64xf32, #tpu.memory_space<vmem>> -> memref<1x64xf32, #tpu.memory_space<vmem>>
    %dma_wait3A_143 = tpu.memref_squeeze %dma_wait3A_142 : memref<1x64xf32, #tpu.memory_space<vmem>> -> memref<64xf32, #tpu.memory_space<vmem>>
    %dma_wait3A_144 = arith.constant 0 : i32
    %dma_wait3A_145 = tpu.memref_slice %arg2[%dma_wait3A_133, %dma_wait3A_144] : memref<100000x64xf32, #tpu.memory_space<hbm>> -> memref<1x64xf32, #tpu.memory_space<hbm>>
    %dma_wait3A_146 = tpu.memref_squeeze %dma_wait3A_145 : memref<1x64xf32, #tpu.memory_space<hbm>> -> memref<64xf32, #tpu.memory_space<hbm>>
    tpu.wait_dma2 semaphore(%arg7 : memref<!tpu.dma_semaphore, #tpu.memory_space<semaphore_mem>>) src(%dma_wait3A_146 : memref<64xf32, #tpu.memory_space<hbm>>) dst(%dma_wait3A_143 : memref<64xf32, #tpu.memory_space<vmem>>)
    %dma_wait3A_147 = arith.constant 0 : i32
    %dma_wait3A_148 = arith.constant 0 : i32
    %dma_wait3A_149 = arith.constant 0 : i32
    %dma_wait3A_150 = tpu.memref_slice %arg6[%dma_wait3A_148, %dma_wait3A_149] : memref<512x64xf32, #tpu.memory_space<vmem>> -> memref<1x64xf32, #tpu.memory_space<vmem>>
    %dma_wait3A_151 = tpu.memref_squeeze %dma_wait3A_150 : memref<1x64xf32, #tpu.memory_space<vmem>> -> memref<64xf32, #tpu.memory_space<vmem>>
    %dma_wait3A_152 = arith.constant 0 : i32
    %dma_wait3A_153 = tpu.memref_slice %arg2[%dma_wait3A_147, %dma_wait3A_152] : memref<100000x64xf32, #tpu.memory_space<hbm>> -> memref<1x64xf32, #tpu.memory_space<hbm>>
    %dma_wait3A_154 = tpu.memref_squeeze %dma_wait3A_153 : memref<1x64xf32, #tpu.memory_space<hbm>> -> memref<64xf32, #tpu.memory_space<hbm>>
    %dma_wait3A_155 = arith.constant 0 : i32
    %dma_wait3A_156 = tpu.memref_slice %arg6[%dma_wait3A_148, %dma_wait3A_155] : memref<512x64xf32, #tpu.memory_space<vmem>> -> memref<1x64xf32, #tpu.memory_space<vmem>>
    %dma_wait3A_157 = tpu.memref_squeeze %dma_wait3A_156 : memref<1x64xf32, #tpu.memory_space<vmem>> -> memref<64xf32, #tpu.memory_space<vmem>>
    %dma_wait3A_158 = arith.constant 0 : i32
    %dma_wait3A_159 = tpu.memref_slice %arg2[%dma_wait3A_147, %dma_wait3A_158] : memref<100000x64xf32, #tpu.memory_space<hbm>> -> memref<1x64xf32, #tpu.memory_space<hbm>>
    %dma_wait3A_160 = tpu.memref_squeeze %dma_wait3A_159 : memref<1x64xf32, #tpu.memory_space<hbm>> -> memref<64xf32, #tpu.memory_space<hbm>>
    tpu.wait_dma2 semaphore(%arg7 : memref<!tpu.dma_semaphore, #tpu.memory_space<semaphore_mem>>) src(%dma_wait3A_160 : memref<64xf32, #tpu.memory_space<hbm>>) dst(%dma_wait3A_157 : memref<64xf32, #tpu.memory_space<vmem>>)
    %dma_wait3A_161 = arith.constant 0 : i32
    %dma_wait3A_162 = arith.constant 0 : i32
    %dma_wait3A_163 = arith.constant 0 : i32
    %dma_wait3A_164 = tpu.memref_slice %arg6[%dma_wait3A_162, %dma_wait3A_163] : memref<512x64xf32, #tpu.memory_space<vmem>> -> memref<1x64xf32, #tpu.memory_space<vmem>>
    %dma_wait3A_165 = tpu.memref_squeeze %dma_wait3A_164 : memref<1x64xf32, #tpu.memory_space<vmem>> -> memref<64xf32, #tpu.memory_space<vmem>>
    %dma_wait3A_166 = arith.constant 0 : i32
    %dma_wait3A_167 = tpu.memref_slice %arg2[%dma_wait3A_161, %dma_wait3A_166] : memref<100000x64xf32, #tpu.memory_space<hbm>> -> memref<1x64xf32, #tpu.memory_space<hbm>>
    %dma_wait3A_168 = tpu.memref_squeeze %dma_wait3A_167 : memref<1x64xf32, #tpu.memory_space<hbm>> -> memref<64xf32, #tpu.memory_space<hbm>>
    %dma_wait3A_169 = arith.constant 0 : i32
    %dma_wait3A_170 = tpu.memref_slice %arg6[%dma_wait3A_162, %dma_wait3A_169] : memref<512x64xf32, #tpu.memory_space<vmem>> -> memref<1x64xf32, #tpu.memory_space<vmem>>
    %dma_wait3A_171 = tpu.memref_squeeze %dma_wait3A_170 : memref<1x64xf32, #tpu.memory_space<vmem>> -> memref<64xf32, #tpu.memory_space<vmem>>
    %dma_wait3A_172 = arith.constant 0 : i32
    %dma_wait3A_173 = tpu.memref_slice %arg2[%dma_wait3A_161, %dma_wait3A_172] : memref<100000x64xf32, #tpu.memory_space<hbm>> -> memref<1x64xf32, #tpu.memory_space<hbm>>
    %dma_wait3A_174 = tpu.memref_squeeze %dma_wait3A_173 : memref<1x64xf32, #tpu.memory_space<hbm>> -> memref<64xf32, #tpu.memory_space<hbm>>
    tpu.wait_dma2 semaphore(%arg7 : memref<!tpu.dma_semaphore, #tpu.memory_space<semaphore_mem>>) src(%dma_wait3A_174 : memref<64xf32, #tpu.memory_space<hbm>>) dst(%dma_wait3A_171 : memref<64xf32, #tpu.memory_space<vmem>>)
    %dma_wait3A_175 = arith.constant 0 : i32
    %dma_wait3A_176 = arith.constant 0 : i32
    %dma_wait3A_177 = arith.constant 0 : i32
    %dma_wait3A_178 = tpu.memref_slice %arg6[%dma_wait3A_176, %dma_wait3A_177] : memref<512x64xf32, #tpu.memory_space<vmem>> -> memref<1x64xf32, #tpu.memory_space<vmem>>
    %dma_wait3A_179 = tpu.memref_squeeze %dma_wait3A_178 : memref<1x64xf32, #tpu.memory_space<vmem>> -> memref<64xf32, #tpu.memory_space<vmem>>
    %dma_wait3A_180 = arith.constant 0 : i32
    %dma_wait3A_181 = tpu.memref_slice %arg2[%dma_wait3A_175, %dma_wait3A_180] : memref<100000x64xf32, #tpu.memory_space<hbm>> -> memref<1x64xf32, #tpu.memory_space<hbm>>
    %dma_wait3A_182 = tpu.memref_squeeze %dma_wait3A_181 : memref<1x64xf32, #tpu.memory_space<hbm>> -> memref<64xf32, #tpu.memory_space<hbm>>
    %dma_wait3A_183 = arith.constant 0 : i32
    %dma_wait3A_184 = tpu.memref_slice %arg6[%dma_wait3A_176, %dma_wait3A_183] : memref<512x64xf32, #tpu.memory_space<vmem>> -> memref<1x64xf32, #tpu.memory_space<vmem>>
    %dma_wait3A_185 = tpu.memref_squeeze %dma_wait3A_184 : memref<1x64xf32, #tpu.memory_space<vmem>> -> memref<64xf32, #tpu.memory_space<vmem>>
    %dma_wait3A_186 = arith.constant 0 : i32
    %dma_wait3A_187 = tpu.memref_slice %arg2[%dma_wait3A_175, %dma_wait3A_186] : memref<100000x64xf32, #tpu.memory_space<hbm>> -> memref<1x64xf32, #tpu.memory_space<hbm>>
    %dma_wait3A_188 = tpu.memref_squeeze %dma_wait3A_187 : memref<1x64xf32, #tpu.memory_space<hbm>> -> memref<64xf32, #tpu.memory_space<hbm>>
    tpu.wait_dma2 semaphore(%arg7 : memref<!tpu.dma_semaphore, #tpu.memory_space<semaphore_mem>>) src(%dma_wait3A_188 : memref<64xf32, #tpu.memory_space<hbm>>) dst(%dma_wait3A_185 : memref<64xf32, #tpu.memory_space<vmem>>)
    %dma_wait3A_189 = arith.constant 0 : i32
    %dma_wait3A_190 = arith.constant 0 : i32
    %dma_wait3A_191 = arith.constant 0 : i32
    %dma_wait3A_192 = tpu.memref_slice %arg6[%dma_wait3A_190, %dma_wait3A_191] : memref<512x64xf32, #tpu.memory_space<vmem>> -> memref<1x64xf32, #tpu.memory_space<vmem>>
    %dma_wait3A_193 = tpu.memref_squeeze %dma_wait3A_192 : memref<1x64xf32, #tpu.memory_space<vmem>> -> memref<64xf32, #tpu.memory_space<vmem>>
    %dma_wait3A_194 = arith.constant 0 : i32
    %dma_wait3A_195 = tpu.memref_slice %arg2[%dma_wait3A_189, %dma_wait3A_194] : memref<100000x64xf32, #tpu.memory_space<hbm>> -> memref<1x64xf32, #tpu.memory_space<hbm>>
    %dma_wait3A_196 = tpu.memref_squeeze %dma_wait3A_195 : memref<1x64xf32, #tpu.memory_space<hbm>> -> memref<64xf32, #tpu.memory_space<hbm>>
    %dma_wait3A_197 = arith.constant 0 : i32
    %dma_wait3A_198 = tpu.memref_slice %arg6[%dma_wait3A_190, %dma_wait3A_197] : memref<512x64xf32, #tpu.memory_space<vmem>> -> memref<1x64xf32, #tpu.memory_space<vmem>>
    %dma_wait3A_199 = tpu.memref_squeeze %dma_wait3A_198 : memref<1x64xf32, #tpu.memory_space<vmem>> -> memref<64xf32, #tpu.memory_space<vmem>>
    %dma_wait3A_200 = arith.constant 0 : i32
    %dma_wait3A_201 = tpu.memref_slice %arg2[%dma_wait3A_189, %dma_wait3A_200] : memref<100000x64xf32, #tpu.memory_space<hbm>> -> memref<1x64xf32, #tpu.memory_space<hbm>>
    %dma_wait3A_202 = tpu.memref_squeeze %dma_wait3A_201 : memref<1x64xf32, #tpu.memory_space<hbm>> -> memref<64xf32, #tpu.memory_space<hbm>>
    tpu.wait_dma2 semaphore(%arg7 : memref<!tpu.dma_semaphore, #tpu.memory_space<semaphore_mem>>) src(%dma_wait3A_202 : memref<64xf32, #tpu.memory_space<hbm>>) dst(%dma_wait3A_199 : memref<64xf32, #tpu.memory_space<vmem>>)
    %dma_wait3A_203 = arith.constant 0 : i32
    %dma_wait3A_204 = arith.constant 0 : i32
    %dma_wait3A_205 = arith.constant 0 : i32
    %dma_wait3A_206 = tpu.memref_slice %arg6[%dma_wait3A_204, %dma_wait3A_205] : memref<512x64xf32, #tpu.memory_space<vmem>> -> memref<1x64xf32, #tpu.memory_space<vmem>>
    %dma_wait3A_207 = tpu.memref_squeeze %dma_wait3A_206 : memref<1x64xf32, #tpu.memory_space<vmem>> -> memref<64xf32, #tpu.memory_space<vmem>>
    %dma_wait3A_208 = arith.constant 0 : i32
    %dma_wait3A_209 = tpu.memref_slice %arg2[%dma_wait3A_203, %dma_wait3A_208] : memref<100000x64xf32, #tpu.memory_space<hbm>> -> memref<1x64xf32, #tpu.memory_space<hbm>>
    %dma_wait3A_210 = tpu.memref_squeeze %dma_wait3A_209 : memref<1x64xf32, #tpu.memory_space<hbm>> -> memref<64xf32, #tpu.memory_space<hbm>>
    %dma_wait3A_211 = arith.constant 0 : i32
    %dma_wait3A_212 = tpu.memref_slice %arg6[%dma_wait3A_204, %dma_wait3A_211] : memref<512x64xf32, #tpu.memory_space<vmem>> -> memref<1x64xf32, #tpu.memory_space<vmem>>
    %dma_wait3A_213 = tpu.memref_squeeze %dma_wait3A_212 : memref<1x64xf32, #tpu.memory_space<vmem>> -> memref<64xf32, #tpu.memory_space<vmem>>
    %dma_wait3A_214 = arith.constant 0 : i32
    %dma_wait3A_215 = tpu.memref_slice %arg2[%dma_wait3A_203, %dma_wait3A_214] : memref<100000x64xf32, #tpu.memory_space<hbm>> -> memref<1x64xf32, #tpu.memory_space<hbm>>
    %dma_wait3A_216 = tpu.memref_squeeze %dma_wait3A_215 : memref<1x64xf32, #tpu.memory_space<hbm>> -> memref<64xf32, #tpu.memory_space<hbm>>
    tpu.wait_dma2 semaphore(%arg7 : memref<!tpu.dma_semaphore, #tpu.memory_space<semaphore_mem>>) src(%dma_wait3A_216 : memref<64xf32, #tpu.memory_space<hbm>>) dst(%dma_wait3A_213 : memref<64xf32, #tpu.memory_space<vmem>>)
    %dma_wait3A_217 = arith.constant 0 : i32
    %dma_wait3A_218 = arith.constant 0 : i32
    %dma_wait3A_219 = arith.constant 0 : i32
    %dma_wait3A_220 = tpu.memref_slice %arg6[%dma_wait3A_218, %dma_wait3A_219] : memref<512x64xf32, #tpu.memory_space<vmem>> -> memref<1x64xf32, #tpu.memory_space<vmem>>
    %dma_wait3A_221 = tpu.memref_squeeze %dma_wait3A_220 : memref<1x64xf32, #tpu.memory_space<vmem>> -> memref<64xf32, #tpu.memory_space<vmem>>
    %dma_wait3A_222 = arith.constant 0 : i32
    %dma_wait3A_223 = tpu.memref_slice %arg2[%dma_wait3A_217, %dma_wait3A_222] : memref<100000x64xf32, #tpu.memory_space<hbm>> -> memref<1x64xf32, #tpu.memory_space<hbm>>
    %dma_wait3A_224 = tpu.memref_squeeze %dma_wait3A_223 : memref<1x64xf32, #tpu.memory_space<hbm>> -> memref<64xf32, #tpu.memory_space<hbm>>
    %dma_wait3A_225 = arith.constant 0 : i32
    %dma_wait3A_226 = tpu.memref_slice %arg6[%dma_wait3A_218, %dma_wait3A_225] : memref<512x64xf32, #tpu.memory_space<vmem>> -> memref<1x64xf32, #tpu.memory_space<vmem>>
    %dma_wait3A_227 = tpu.memref_squeeze %dma_wait3A_226 : memref<1x64xf32, #tpu.memory_space<vmem>> -> memref<64xf32, #tpu.memory_space<vmem>>
    %dma_wait3A_228 = arith.constant 0 : i32
    %dma_wait3A_229 = tpu.memref_slice %arg2[%dma_wait3A_217, %dma_wait3A_228] : memref<100000x64xf32, #tpu.memory_space<hbm>> -> memref<1x64xf32, #tpu.memory_space<hbm>>
    %dma_wait3A_230 = tpu.memref_squeeze %dma_wait3A_229 : memref<1x64xf32, #tpu.memory_space<hbm>> -> memref<64xf32, #tpu.memory_space<hbm>>
    tpu.wait_dma2 semaphore(%arg7 : memref<!tpu.dma_semaphore, #tpu.memory_space<semaphore_mem>>) src(%dma_wait3A_230 : memref<64xf32, #tpu.memory_space<hbm>>) dst(%dma_wait3A_227 : memref<64xf32, #tpu.memory_space<vmem>>)
    "tpu.region"() ({
      %run_scoped3A = tpu.sem_alloc : memref<!tpu.dma_semaphore, #tpu.memory_space<semaphore_mem>>
      %dma_start3A = arith.constant 0 : i32
      %dma_start3A_231 = tpu.memref_slice %arg4[%mul3A_2, %dma_start3A] : memref<16384x64xf32, #tpu.memory_space<hbm>> -> memref<512x64xf32, #tpu.memory_space<hbm>>
      %dma_start3A_232 = arith.constant 0 : i32
      %dma_start3A_233 = tpu.memref_slice %arg4[%mul3A_2, %dma_start3A_232] : memref<16384x64xf32, #tpu.memory_space<hbm>> -> memref<512x64xf32, #tpu.memory_space<hbm>>
      tpu.enqueue_dma source(%arg6 : memref<512x64xf32, #tpu.memory_space<vmem>>) target(%dma_start3A_233 : memref<512x64xf32, #tpu.memory_space<hbm>>) target_semaphore(%run_scoped3A : memref<!tpu.dma_semaphore, #tpu.memory_space<semaphore_mem>>)
      %dma_wait3A_234 = arith.constant 0 : i32
      %dma_wait3A_235 = tpu.memref_slice %arg4[%mul3A_2, %dma_wait3A_234] : memref<16384x64xf32, #tpu.memory_space<hbm>> -> memref<512x64xf32, #tpu.memory_space<hbm>>
      %dma_wait3A_236 = arith.constant 0 : i32
      %dma_wait3A_237 = tpu.memref_slice %arg4[%mul3A_2, %dma_wait3A_236] : memref<16384x64xf32, #tpu.memory_space<hbm>> -> memref<512x64xf32, #tpu.memory_space<hbm>>
      tpu.wait_dma2 semaphore(%run_scoped3A : memref<!tpu.dma_semaphore, #tpu.memory_space<semaphore_mem>>) src(%arg6 : memref<512x64xf32, #tpu.memory_space<vmem>>) dst(%dma_wait3A_237 : memref<512x64xf32, #tpu.memory_space<hbm>>)
      tpu.yield
    }) : () -> ()
    return
  }
}

module attributes {stable_mosaic.version = 14 : i64} {
  func.func @_mm_body(%arg0: i32, %arg1: memref<2048x64xf32, #tpu.memory_space<vmem>>, %arg2: memref<2048x64xf32, #tpu.memory_space<vmem>>, %arg3: memref<64x128xf32, #tpu.memory_space<vmem>>, %arg4: memref<64x128xf32, #tpu.memory_space<vmem>>, %arg5: memref<1x128xf32, #tpu.memory_space<vmem>>, %arg6: memref<2048x128xf32, #tpu.memory_space<vmem>>) attributes {dimension_semantics = [#tpu.dimension_semantics<arbitrary>], iteration_bounds = array<i64: 8>, scalar_prefetch = 0 : i64, scratch_operands = 0 : i64, tpu.core_type = #tpu.core_type<tc>, window_params = [{transform_indices = @transform_0, window_bounds = array<i64: 2048, 64>}, {transform_indices = @transform_1, window_bounds = array<i64: 2048, 64>}, {pipeline_mode = #tpu.pipeline_mode<synchronous>, transform_indices = @transform_2, window_bounds = array<i64: 64, 128>}, {pipeline_mode = #tpu.pipeline_mode<synchronous>, transform_indices = @transform_3, window_bounds = array<i64: 64, 128>}, {pipeline_mode = #tpu.pipeline_mode<synchronous>, transform_indices = @transform_4, window_bounds = array<i64: 1, 128>}, {transform_indices = @transform_5, window_bounds = array<i64: 2048, 128>}]} {
    %get3A = arith.constant 0 : index
    %get3A_0 = arith.constant 0 : index
    %get3A_1 = vector.load %arg1[%get3A, %get3A_0] : memref<2048x64xf32, #tpu.memory_space<vmem>>, vector<2048x64xf32>
    %get3A_2 = arith.constant 0 : index
    %get3A_3 = arith.constant 0 : index
    %get3A_4 = vector.load %arg3[%get3A_2, %get3A_3] : memref<64x128xf32, #tpu.memory_space<vmem>>, vector<64x128xf32>
    %dot_general3A = arith.constant dense<0.000000e+00> : vector<2048x128xf32>
    %dot_general3A_5 = tpu.matmul %get3A_1, %get3A_4, %dot_general3A {dimension_numbers = #tpu.dot_dimension_numbers<[1], [0], [0], [1], [0, 0, 1, 1], [], []>, transpose_lhs_hint = false} : vector<2048x64xf32>, vector<64x128xf32>, vector<2048x128xf32> -> vector<2048x128xf32>
    %get3A_6 = arith.constant 0 : index
    %get3A_7 = arith.constant 0 : index
    %get3A_8 = vector.load %arg2[%get3A_6, %get3A_7] : memref<2048x64xf32, #tpu.memory_space<vmem>>, vector<2048x64xf32>
    %get3A_9 = arith.constant 0 : index
    %get3A_10 = arith.constant 0 : index
    %get3A_11 = vector.load %arg4[%get3A_9, %get3A_10] : memref<64x128xf32, #tpu.memory_space<vmem>>, vector<64x128xf32>
    %dot_general3A_12 = arith.constant dense<0.000000e+00> : vector<2048x128xf32>
    %dot_general3A_13 = tpu.matmul %get3A_8, %get3A_11, %dot_general3A_12 {dimension_numbers = #tpu.dot_dimension_numbers<[1], [0], [0], [1], [0, 0, 1, 1], [], []>, transpose_lhs_hint = false} : vector<2048x64xf32>, vector<64x128xf32>, vector<2048x128xf32> -> vector<2048x128xf32>
    %add3A = arith.addf %dot_general3A_5, %dot_general3A_13 : vector<2048x128xf32>
    %get3A_14 = arith.constant 0 : index
    %get3A_15 = arith.constant 0 : index
    %get3A_16 = vector.load %arg5[%get3A_14, %get3A_15] : memref<1x128xf32, #tpu.memory_space<vmem>>, vector<1x128xf32>
    %add3A_17 = vector.broadcast %get3A_16 : vector<1x128xf32> to vector<2048x128xf32>
    %add3A_18 = arith.addf %add3A, %add3A_17 : vector<2048x128xf32>
    %swap3A = arith.constant 0 : index
    %swap3A_19 = arith.constant 0 : index
    %swap3A_20 = vector.load %arg6[%swap3A, %swap3A_19] : memref<2048x128xf32, #tpu.memory_space<vmem>>, vector<2048x128xf32>
    tpu.vector_store %arg6[%swap3A, %swap3A_19], %add3A_18 {strides = array<i32>} : memref<2048x128xf32, #tpu.memory_space<vmem>>, vector<2048x128xf32>,
    return
  }
  func.func @transform_0(%arg0: i32) -> (i32, i32) {
    %c0_i32 = arith.constant 0 : i32
    %c0_i32_0 = arith.constant 0 : i32
    return %arg0, %c0_i32 : i32, i32
  }
  func.func @transform_1(%arg0: i32) -> (i32, i32) {
    %c0_i32 = arith.constant 0 : i32
    %c0_i32_0 = arith.constant 0 : i32
    return %arg0, %c0_i32 : i32, i32
  }
  func.func @transform_2(%arg0: i32) -> (i32, i32) {
    %c0_i32 = arith.constant 0 : i32
    %c0_i32_0 = arith.constant 0 : i32
    %c0_i32_1 = arith.constant 0 : i32
    return %c0_i32, %c0_i32_0 : i32, i32
  }
  func.func @transform_3(%arg0: i32) -> (i32, i32) {
    %c0_i32 = arith.constant 0 : i32
    %c0_i32_0 = arith.constant 0 : i32
    %c0_i32_1 = arith.constant 0 : i32
    return %c0_i32, %c0_i32_0 : i32, i32
  }
  func.func @transform_4(%arg0: i32) -> (i32, i32) {
    %c0_i32 = arith.constant 0 : i32
    %c0_i32_0 = arith.constant 0 : i32
    %c0_i32_1 = arith.constant 0 : i32
    return %c0_i32, %c0_i32_0 : i32, i32
  }
  func.func @transform_5(%arg0: i32) -> (i32, i32) {
    %c0_i32 = arith.constant 0 : i32
    %c0_i32_0 = arith.constant 0 : i32
    return %arg0, %c0_i32 : i32, i32
  }
}

</mosaic_0001>

<sc_bundles>
// kernel: kernel.5.cloned.1.call-start
scs
__scs_entry_jumppad:
0x0: {  	(pc) =	sbr.rel $0x88, $3  }
0x1: {  	(tag) =	ssettag $0x0;
	lr =	simm.s32 $0x1  }
0x2: {  	[smem:$0x3F9C] =	sst lr;
	_ =	strace $0xD0000000  }
0x3: {  	_ = 	snop  }
0x4: {  	_ = 	snop  }
0x5: {  	_ = 	snop  }
0x6: {  	_ = 	snop  }
0x7: {  	_ = 	snop  }
__scs_overlays_trampoline_lowered:
0x8: {  	[smem:$0x3FAB] =	sst s0  }
0x9: {  	[smem:$0x3FAC] =	sst s1  }
0xa: {  	[smem:$0x3FAD] =	sst s2  }
0xb: {  	[smem:$0x3FAE] =	sst s3  }
0xc: {  	[smem:$0x3FAF] =	sst s4  }
0xd: {  	[smem:$0x3FB0] =	sst s5  }
0xe: {  	[smem:$0x3FB1] =	sst s6  }
0xf: {  	[smem:$0x3FB2] =	sst s7  }
0x10: {  	[smem:$0x3FB3] =	sst s8  }
0x11: {  	[smem:$0x3FB4] =	sst s9;
	s0 =	simm.s32 @!p0 $0x0  }
0x12: {  	s1 =	sld [smem:$0x3F9A];
	s0 =	simm.s32 @p0 $0x1  }
0x13: {  	[smem:$0x3FB5] =	sst s0;
	s0 =	simm.s32 @!p1 $0x0  }
0x14: {  	s2 =	sld [smem:$0x3F99];
	s0 =	simm.s32 @p1 $0x1  }
0x15: {  	[smem:$0x3FB6] =	sst s0;
	s0 =	simm.s32 @!p2 $0x0  }
0x16: {  	s3 =	sld [smem:$0x3FDB];
	s0 =	simm.s32 @p2 $0x1  }
0x17: {  	s4 =	simm.s32 $0x1BF5;
	[smem:$0x3FB8] =	sst s0  }
0x18: {  	s0 =	sld [smem:$0x3F9B];
	_ =	swait.ge [sflag:s4], $0x0  }
0x19: {  	s7 =	sld [smem:$0x3F9C]  }
0x1a: {  	s8 =	sadd.s32 $0xFFFFE003, lr  }
0x1b: {  	s9 =	sadd.s32 $0xFFFFFEF7, lr;
	s5 =	simm.s32 $0xFFFFFFFF;
	p2 =	slt.u32 s8, $0xFFFFF086  }
0x1c: {  	p1 =	slt.u32 s9, $0xF7A;
	s5 =	simm.s32 @!p2 $0x0  }
0x1d: {  	s5 =	simm.s32 @p1 $0x1;
	p0 =	seq.s32 s7, s2  }
0x1e: {  	s7 =	smul.u32 @!p0 $0xF7A, s2;
	p2 =	seq.s32 @!p0 s5, $0x0  }
0x1f: {  	s9 =	smul.u32 $0xF7A, s1;
	s8 =	simm.s32 @!p0 $0x1BF5;
	p2 =	por !p2, p0  }
0x20: {  	[sflag:s8] =	ssyncset.s32 @!p0 $0xFFFFF086;
	s6 =	sadd.s32 @!p0 s3, s7;
	s7 =	simm.s32 @!p0 $0x108  }
0x21: {  	s3 =	sadd.s32 s3, s9;
	s6 =	sadd.s32 @!p0 $0x88, s6;
	s7 =	simm.s32 @p2 $0x1082  }
0x22: {  	[simem:s7], [sflag:s8] =	dma.local @!p0 [hbm:s6], $0xF7A  }
0x23: {  	s9 =	sor.u32 $0xD0000000, s2;
	s6 =	simm.s32 $0x108;
	_ =	swait.ge @!p0 [sflag:s8], $0x0  }
0x24: {  	s3 =	sadd.s32 $0x88, s3;
	s6 =	simm.s32 @!p1 $0x1082;
	[sflag:s4] =	ssyncset.s32 $0xFFFFF086  }
0x25: {  	[simem:s6], [sflag:s4] =	dma.local [hbm:s3], $0xF7A  }
0x26: {  	[smem:$0x3F9C] =	sst s1;
	(tag) =	ssettag s2;
	_ =	strace s9  }
0x27: {  	s1 =	sld [smem:$0x3FAC]  }
0x28: {  	s2 =	sld [smem:$0x3FAD]  }
0x29: {  	s4 =	sld [smem:$0x3FAF]  }
0x2a: {  	p0 =	seq.s32 s5, $0x0;
	s5 =	sld [smem:$0x3FB0]  }
0x2b: {  	s6 =	sld [smem:$0x3FB1]  }
0x2c: {  	s7 =	sld [smem:$0x3FB2]  }
0x2d: {  	s3 =	simm.s32 $0x108;
	s8 =	sld [smem:$0x3FB3]  }
0x2e: {  	s3 =	simm.s32 @!p0 $0x1082;
	s9 =	sld [smem:$0x3FB4]  }
0x2f: {  	lr =	sadd.s32 s0, s3;
	s0 =	sld [smem:$0x3FAB]  }
0x30: {  	s3 =	sld [smem:$0x3FAE]  }
0x31: {  	[smem:$0x3FB7] =	sst s10  }
0x32: {  	s10 =	sld [smem:$0x3FB5];
	_ =	sdelay $0x3  }
0x33: {  	p0 =	seq.s32 s10, $0x1;
	s10 =	sld [smem:$0x3FB7];
	_ =	sdelay $0x3  }
0x34: {  	[smem:$0x3FB7] =	sst s10  }
0x35: {  	s10 =	sld [smem:$0x3FB6];
	_ =	sdelay $0x3  }
0x36: {  	p1 =	seq.s32 s10, $0x1;
	s10 =	sld [smem:$0x3FB7];
	_ =	sdelay $0x3  }
0x37: {  	[smem:$0x3FB7] =	sst s10  }
0x38: {  	s10 =	sld [smem:$0x3FB8]  }
0x39: {  	_ = 	snop;
	(pc) =	sbr.ind lr, $3  }
0x3a: {  	_ = 	snop  }
0x3b: {  	_ = 	snop  }
0x3c: {  	p2 =	seq.s32 s10, $0x1;
	s10 =	sld [smem:$0x3FB7]  }
0x3d: {  	_ =	shalt  }
0x3e: {  	_ =	shalt  }
0x3f: {  	_ =	shalt  }
0x40: {  	_ =	shalt  }
0x41: {  	_ =	shalt  }
0x42: {  	_ =	shalt  }
0x43: {  	_ =	shalt  }
0x44: {  	_ =	shalt  }
0x45: {  	_ =	shalt  }
0x46: {  	_ =	shalt  }
0x47: {  	_ =	shalt  }
0x48: {  	_ =	shalt  }
0x49: {  	_ =	shalt  }
0x4a: {  	_ =	shalt  }
0x4b: {  	_ =	shalt  }
0x4c: {  	_ =	shalt  }
0x4d: {  	_ =	shalt  }
0x4e: {  	_ =	shalt  }
0x4f: {  	_ =	shalt  }
0x50: {  	_ =	shalt  }
0x51: {  	_ =	shalt  }
0x52: {  	_ =	shalt  }
0x53: {  	_ =	shalt  }
0x54: {  	_ =	shalt  }
0x55: {  	_ =	shalt  }
0x56: {  	_ =	shalt  }
0x57: {  	_ =	shalt  }
0x58: {  	_ =	shalt  }
0x59: {  	_ =	shalt  }
0x5a: {  	_ =	shalt  }
0x5b: {  	_ =	shalt  }
0x5c: {  	_ =	shalt  }
0x5d: {  	_ =	shalt  }
0x5e: {  	_ =	shalt  }
0x5f: {  	_ =	shalt  }
0x60: {  	_ =	shalt  }
0x61: {  	_ =	shalt  }
0x62: {  	_ =	shalt  }
0x63: {  	_ =	shalt  }
0x64: {  	_ =	shalt  }
0x65: {  	_ =	shalt  }
0x66: {  	_ =	shalt  }
0x67: {  	_ =	shalt  }
0x68: {  	_ =	shalt  }
0x69: {  	_ =	shalt  }
0x6a: {  	_ =	shalt  }
0x6b: {  	_ =	shalt  }
0x6c: {  	_ =	shalt  }
0x6d: {  	_ =	shalt  }
0x6e: {  	_ =	shalt  }
0x6f: {  	_ =	shalt  }
0x70: {  	_ =	shalt  }
0x71: {  	_ =	shalt  }
0x72: {  	_ =	shalt  }
0x73: {  	_ =	shalt  }
0x74: {  	_ =	shalt  }
0x75: {  	_ =	shalt  }
0x76: {  	_ =	shalt  }
0x77: {  	_ =	shalt  }
0x78: {  	_ =	shalt  }
0x79: {  	_ =	shalt  }
0x7a: {  	_ =	shalt  }
0x7b: {  	_ =	shalt  }
0x7c: {  	_ =	shalt  }
0x7d: {  	_ =	shalt  }
0x7e: {  	_ =	shalt  }
0x7f: {  	_ =	shalt  }
0x80: {  	_ =	shalt  }
0x81: {  	_ =	shalt  }
0x82: {  	_ =	shalt  }
0x83: {  	_ =	shalt  }
0x84: {  	_ =	shalt  }
0x85: {  	_ =	shalt  }
0x86: {  	_ =	shalt  }
0x87: {  	_ =	shalt  }
.Lfunc_end0:
.L_simem_size_0:
called_computation_lowered:
.L_overlay_start_0:
0x88: {  	s2 =	sld [smem:$0x3FD9]  }
0x89: {  	s3 =	sld [smem:$0x3FFE];
	_ =	sdelay $0x1  }
0x8a: {  	s1 =	srdreg.scid  }
0x8b: {  	s0 =	sand.u32 $0x1, s1  }
0x8c: {  	s16 =	sshll.u32 s0, $0xA;
	s2 =	sadd.s32 s3, s2  }
0x8d: {  	s2 =	sadd.s32 s2, s16  }
0x8e: {  	[smem:$0x3FC3] =	sst s2  }
0x8f: {  	_ = 	snop  }
0x90: {  	(tm) =	ssettm $0x1  }
0x91: {  	s17 =	sld [smem:$0x3FFB];
	_ =	sdelay $0x3  }
0x92: {  	_ =	strace s17  }
0x93: {  	s2 =	sld [smem:$0x3FFC];
	_ =	sdelay $0x3  }
0x94: {  	_ =	strace s2  }
0x95: {  	s2 =	sld [smem:$0x3FFD];
	_ =	sdelay $0x3  }
0x96: {  	_ =	strace s2  }
0x97: {  	_ =	strace $0x8FFFFFFF  }
0x98: {  	s18 =	sld [smem:$0x3FDB];
	_ =	sdelay $0x1  }
0x99: {  	s19 =	simm.s32 $_scs_section_size  }
0x9a: {  	s4 =	simm.s32 $_size__tile_overlayer_lowered;
	s5 =	simm.s32 $_tile_overlayer_lowered  }
0x9b: {  	s22 =	simm.s32 $0x1BFF;
	s21 =	sshll.u32 s5, $0x1;
	s2 =	sadd.s32 s19, s18  }
0x9c: {  	s6 =	simm.s32 $0x0;
	s20 =	sshll.u32 s4, $0x1;
	s4 =	sadd.s32 s21, s2  }
0x9d: {  	[timem:s6], [sflag:s22] =	dma.local [hbm:s4], s20  }
0x9e: {  	_ =	swait.ge [sflag:s22], s20  }
0x9f: {  	s3 =	ssub.s32 $0x0, s20;
	[sflag:s22] =	ssyncset.done $0x0  }
0xa0: {  	[sflag:s22] =	ssyncadd.s32 s3;
	_ =	sdelay $0x1  }
0xa1: {  	s23 =	simm.s32 $0x1B8B  }
0xa2: {  	_ =	swait.ge [sflag:s23], $0x1  }
0xa3: {  	[sflag:s23] =	ssyncset.done $0x0  }
0xa4: {  	s25 =	simm.s32 $0x1B8E;
	s24 =	sld [smem:$0x3FFE];
	[sflag:s23] =	ssyncadd.s32 $0xFFFFFFFF  }
0xa5: {  	s26 =	simm.s32 $execute0_lowered;
	[smem:$0x3FD2] =	sst s25  }
0xa6: {  	s4 =	sshll.u32 s26, $0x1;
	_ =	strace $0x80000046;
	[dreg:$0x1] =	wrdreg $0xFFFFFFFF  }
0xa7: {  	s28 =	simm.s32 $_size_execute0_lowered;
	s2 =	sadd.s32 s2, s4;
	[dreg:$0x0] =	wrdreg $0x0  }
0xa8: {  	s4 =	sshll.u32 s28, $0x1;
	[dreg:$0x2] =	wrdreg s2  }
0xa9: {  	[dreg:$0x3] =	wrdreg s4  }
0xaa: {  	[dreg:$0x4] =	wrdreg $0xC0  }
0xab: {  	_ =	task [dreg:s6], $0x5FFFF  }
0xac: {  	[dreg:$0x1] =	wrdreg $0xFFFFFFFF  }
0xad: {  	[dreg:$0x0] =	wrdreg $0x60  }
0xae: {  	[dreg:$0x2] =	wrdreg s24  }
0xaf: {  	[dreg:$0x3] =	wrdreg $0x9  }
0xb0: {  	_ =	task.clear_ibuf [dreg:s6], $0x4FFFF;
	_ =	strace $0x90000046  }
0xb1: {  	s29 =	simm.s32 $0x9;
	_ =	strace $0x80000048  }
0xb2: {  	_ =	swait.ge [sflag:s29], $0x1  }
0xb3: {  	[sflag:s29] =	ssyncadd.s32 $0xFFFFFFFF  }
0xb4: {  	_ =	strace $0x90000048  }
0xb5: {  	_ =	sfence  }
0xb6: {  	s30 =	sld [smem:$0x0];
	_ =	sdelay $0x2  }
0xb7: {  	s31 =	sshll.u32 s1, $0xD;
	s1 =	sshrl.u32 s1, $0x2  }
0xb8: {  	s3 =	sand.u32 $0x4000, s31;
	s1 =	sadd.s32 s1, s30  }
0xb9: {  	s0 =	sor.u32 s3, s0;
	s1 =	sshll.u32 s1, $0x11  }
0xba: {  	s0 =	sor.u32 s1, s0  }
0xbb: {  	s0 =	sadd.s32 $0x8F2B, s0  }
0xbc: {  	[sflag:s0] =	ssyncadd.remote.s32 $0x1  }
0xbd: {  	_ =	sfence.sel $0xFFFF  }
0xbe: {  	[dreg:$0x0] =	wrdreg $0xFFFFFFFF;
	(pc) =	sbr.abs _section_cstart, $3  }
0xbf: {  	[dreg:$0x1] =	wrdreg $0xFFFFFFFF  }
0xc0: {  	_ =	task.clear_ibuf [dreg:s6], $0x2FFFF;
	_ =	strace $0x9FFFFFFF  }
0xc1: {  	(tm) =	ssettm $0x7FFFFFFF  }
tec
execute0_lowered:
.L_overlay_start_1:
0x0: {  	(tag) =	ssettag $0x1  }
0x1: {  	s4 =	rddreg [dreg:$0x0];
	s2 =	simm.s32 $0x0  }
0x2: {  	s0 =	stileid.u32;
	s3 =	srdreg.scid;
	s10 =	simm.s32 $0x1  }
0x3: {  	s11 =	simm.s32 $0x200;
	s12 =	simm.s32 $0x0;
	[smem:$0x7FF] =	sst s2  }
0x4: {  	s5 =	sshll.u32 s0, $0x7;
	s6 =	sand.u32 $0x1, s3;
	s7 =	sshll.u32 s0, $0x1  }
0x5: {  	s3 =	sadd.s32 $0x2E00, s4;
	_ =	strace $0x80000047;
	s5 =	sand.u32 $0x600, s5  }
0x6: {  	s7 =	sor.u32 s6, s7;
	s6 =	ssub.s32 $0x2, s6;
	s5 =	sadd.s32 s5, s4  }
0x7: {  	s8 =	sshll.u32 s7, $0x4;
	s7 =	sshll.u32 s7, $0xD;
	s9 =	sshrl.u32 s6, $0x1  }
0x8: {  	s8 =	sand.u32 $0x70, s8;
	s7 =	sadd.s32 s7, s4;
	s6 =	ssub.s32 s6, s9  }
0x9: {  	s9 =	simm.s32 $0x2;
	s31 =	sadd.s32 s8, s5;
	s5 =	sadd.s32 $0x189800, s7  }
0xa: {  	s6 =	smax.u32 s6, $0x1;
	s8 =	simm.s32 $0x400;
	s4 =	sadd.s32 $0x2600, s31  }
.LBB2_1:
0xb: {  	s0 =	simm.s32 $0x80  }
0xc: {  	[tilespmem:s2], [sflag:$0x2] =	stream.strided.gather [hbm4b:s4+s0], $0x200, s8, s0, $0x38;
	[tilespmem:$0x10200] =	vst v63  }
0xd: {  	_ =	swait.ge [sflag:s9], $0x200  }
0xe: {  	[sflag:s9] =	ssyncset.done $0x0  }
0xf: {  	[sflag:s9] =	ssyncadd.s32 $0xFFFFFE00  }
0x10: {  	v0 =	vld [tilespmem:s2+$0x0];
	_ =	sdelay $0x4  }
0x11: {  	v0 =	vshll.u32 v0, $0x4  }
0x12: {  	(v2sf) =	vpush v0, $0x0  }
0x13: {  	(v2sf) =	vpush v0, $0x1  }
0x14: {  	(v2sf) =	vpush v0, $0x2;
	_ =	sdelay $0x1  }
0x15: {  	(v2sf) =	vpush v0, $0x3;
	_ =	sdelay $0x1  }
0x16: {  	(v2sf) =	vpush v0, $0x4;
	_ =	sdelay $0x1  }
0x17: {  	(v2sf) =	vpush v0, $0x5;
	_ =	sdelay $0x1  }
0x18: {  	(v2sf) =	vpush v0, $0x6  }
0x19: {  	s15 =	simm.s32 $0x280;
	s16 =	simm.s32 $0x380;
	s17 =	simm.s32 $0x400  }
0x1a: {  	s18 =	simm.s32 $0x200;
	s19 =	simm.s32 $0x300;
	s20 =	simm.s32 $0x480;
	(v2sf) =	vpush v0, $0x7  }
0x1b: {  	p0 =	por $0x1, $0x1;
	s14 =	simm.s32 $0x800;
	s13 =	simm.s32 $0x880  }
0x1c: {  	s21 =	simm.s32 $0x500;
	s22 =	simm.s32 $0x600;
	s23 =	simm.s32 $0x780;
	(v2sf) =	vpush v0, $0x8  }
0x1d: {  	s24 =	simm.s32 $0x580;
	s25 =	simm.s32 $0x700;
	s26 =	spop (v2sf)  }
0x1e: {  	s28 =	simm.s32 $0x680;
	(v2sf) =	vpush v0, $0x9;
	s26 =	sand.u32 $0x1FFFFFF0, s26;
	s29 =	spop (v2sf)  }
0x1f: {  	s26 =	sadd.s32 s3, s26;
	s29 =	sand.u32 $0x1FFFFFF0, s29;
	s30 =	spop (v2sf)  }
0x20: {  	(v2sf) =	vpush v0, $0xA;
	[tilespmem:s18], [sflag:$0x1] =	stream.linear.gather [hbm4b:s26+s2], $0x80, $0x38;
	[tilespmem:$0x10200] =	vst v63  }
0x21: {  	s0 =	sadd.s32 s3, s29;
	s1 =	sand.u32 $0x1FFFFFF0, s30;
	s7 =	spop (v2sf)  }
0x22: {  	(v2sf) =	vpush v0, $0xB;
	[tilespmem:s15], [sflag:$0x1] =	stream.linear.gather [hbm4b:s0+s2], $0x80, $0x38;
	[tilespmem:$0x10200] =	vst v63  }
0x23: {  	s26 =	sadd.s32 s3, s1;
	s30 =	sand.u32 $0x1FFFFFF0, s7;
	s31 =	spop (v2sf)  }
0x24: {  	(v2sf) =	vpush v0, $0xC;
	[tilespmem:s19], [sflag:$0x1] =	stream.linear.gather [hbm4b:s26+s2], $0x80, $0x38;
	[tilespmem:$0x10200] =	vst v63  }
0x25: {  	s0 =	sadd.s32 s3, s30;
	s1 =	sand.u32 $0x1FFFFFF0, s31;
	s7 =	spop (v2sf)  }
0x26: {  	(v2sf) =	vpush v0, $0xD;
	[tilespmem:s16], [sflag:$0x1] =	stream.linear.gather [hbm4b:s0+s2], $0x80, $0x38;
	[tilespmem:$0x10200] =	vst v63  }
0x27: {  	s18 =	sadd.s32 s3, s1;
	s19 =	sand.u32 $0x1FFFFFF0, s7;
	s26 =	spop (v2sf)  }
0x28: {  	(v2sf) =	vpush v0, $0xE;
	[tilespmem:s17], [sflag:$0x1] =	stream.linear.gather [hbm4b:s18+s2], $0x80, $0x38;
	[tilespmem:$0x10200] =	vst v63  }
0x29: {  	s29 =	sadd.s32 s3, s19;
	s30 =	sand.u32 $0x1FFFFFF0, s26;
	s31 =	spop (v2sf)  }
0x2a: {  	(v2sf) =	vpush v0, $0xF;
	[tilespmem:s20], [sflag:$0x1] =	stream.linear.gather [hbm4b:s29+s2], $0x80, $0x38;
	[tilespmem:$0x10200] =	vst v63  }
0x2b: {  	s0 =	sadd.s32 s3, s30;
	s1 =	sand.u32 $0x1FFFFFF0, s31;
	s7 =	spop (v2sf)  }
0x2c: {  	[tilespmem:s21], [sflag:$0x1] =	stream.linear.gather [hbm4b:s0+s2], $0x80, $0x38;
	[tilespmem:$0x10200] =	vst v63  }
0x2d: {  	s19 =	sand.u32 $0x1FFFFFF0, s7;
	s18 =	sadd.s32 s3, s1;
	s20 =	spop (v2sf)  }
0x2e: {  	[tilespmem:s24], [sflag:$0x1] =	stream.linear.gather [hbm4b:s18+s2], $0x80, $0x38;
	[tilespmem:$0x10200] =	vst v63  }
0x2f: {  	s21 =	sadd.s32 s3, s19;
	s26 =	spop (v2sf);
	s24 =	sand.u32 $0x1FFFFFF0, s20  }
0x30: {  	[tilespmem:s22], [sflag:$0x1] =	stream.linear.gather [hbm4b:s21+s2], $0x80, $0x38;
	[tilespmem:$0x10200] =	vst v63  }
0x31: {  	s30 =	sand.u32 $0x1FFFFFF0, s26;
	s31 =	spop (v2sf);
	s29 =	sadd.s32 s3, s24  }
0x32: {  	[tilespmem:s28], [sflag:$0x1] =	stream.linear.gather [hbm4b:s29+s2], $0x80, $0x38;
	[tilespmem:$0x10200] =	vst v63  }
0x33: {  	s0 =	sadd.s32 s3, s30;
	s1 =	sand.u32 $0x1FFFFFF0, s31;
	s7 =	spop (v2sf)  }
0x34: {  	[tilespmem:s25], [sflag:$0x1] =	stream.linear.gather [hbm4b:s0+s2], $0x80, $0x38;
	[tilespmem:$0x10200] =	vst v63  }
0x35: {  	s16 =	sadd.s32 s3, s1;
	s18 =	sand.u32 $0x1FFFFFF0, s7;
	s19 =	spop (v2sf)  }
0x36: {  	[tilespmem:s23], [sflag:$0x1] =	stream.linear.gather [hbm4b:s16+s2], $0x80, $0x38;
	[tilespmem:$0x10200] =	vst v63  }
0x37: {  	s20 =	sadd.s32 s3, s18;
	s21 =	sand.u32 $0x1FFFFFF0, s19;
	s22 =	spop (v2sf)  }
0x38: {  	[tilespmem:s14], [sflag:$0x1] =	stream.linear.gather [hbm4b:s20+s2], $0x80, $0x38;
	[tilespmem:$0x10200] =	vst v63  }
0x39: {  	s24 =	sand.u32 $0x1FFFFFF0, s22;
	s25 =	spop (v2sf);
	s23 =	sadd.s32 s3, s21  }
0x3a: {  	[tilespmem:s13], [sflag:$0x1] =	stream.linear.gather [hbm4b:s23+s2], $0x80, $0x38;
	[tilespmem:$0x10200] =	vst v63  }
0x3b: {  	s26 =	simm.s32 $0x900;
	s28 =	sadd.s32 s3, s24;
	s29 =	sand.u32 $0x1FFFFFF0, s25  }
0x3c: {  	[tilespmem:s26], [sflag:$0x1] =	stream.linear.gather [hbm4b:s28+s2], $0x80, $0x38;
	[tilespmem:$0x10200] =	vst v63  }
0x3d: {  	s15 =	simm.s32 @!p0 $0x1;
	s30 =	simm.s32 $0x980;
	s31 =	sadd.s32 s3, s29  }
0x3e: {  	[tilespmem:s30], [sflag:$0x1] =	stream.linear.gather [hbm4b:s31+s2], $0x80, $0x38;
	[tilespmem:$0x10200] =	vst v63  }
0x3f: {  	_ =	swait.ge @!p0 [sflag:s15], $0x80  }
0x40: {  	[sflag:s15] =	ssyncset.done @!p0 $0x0  }
0x41: {  	[sflag:s15] =	ssyncadd.s32 @!p0 $0xFFFFFF80  }
0x42: {  	_ =	swait.ge @!p0 [sflag:s15], $0x80  }
0x43: {  	[sflag:s15] =	ssyncset.done @!p0 $0x0  }
0x44: {  	[sflag:s15] =	ssyncadd.s32 @!p0 $0xFFFFFF80  }
0x45: {  	_ =	swait.ge @!p0 [sflag:s15], $0x80  }
0x46: {  	[sflag:s15] =	ssyncset.done @!p0 $0x0  }
0x47: {  	[sflag:s15] =	ssyncadd.s32 @!p0 $0xFFFFFF80  }
0x48: {  	_ =	swait.ge @!p0 [sflag:s15], $0x80  }
0x49: {  	[sflag:s15] =	ssyncset.done @!p0 $0x0  }
0x4a: {  	[sflag:s15] =	ssyncadd.s32 @!p0 $0xFFFFFF80  }
0x4b: {  	_ =	swait.ge @!p0 [sflag:s15], $0x80  }
0x4c: {  	[sflag:s15] =	ssyncset.done @!p0 $0x0  }
0x4d: {  	[sflag:s15] =	ssyncadd.s32 @!p0 $0xFFFFFF80  }
0x4e: {  	_ =	swait.ge @!p0 [sflag:s15], $0x80  }
0x4f: {  	[sflag:s15] =	ssyncset.done @!p0 $0x0  }
0x50: {  	[sflag:s15] =	ssyncadd.s32 @!p0 $0xFFFFFF80  }
0x51: {  	_ =	swait.ge @!p0 [sflag:s15], $0x80  }
0x52: {  	[sflag:s15] =	ssyncset.done @!p0 $0x0  }
0x53: {  	[sflag:s15] =	ssyncadd.s32 @!p0 $0xFFFFFF80  }
0x54: {  	_ =	swait.ge @!p0 [sflag:s15], $0x80  }
0x55: {  	[sflag:s15] =	ssyncset.done @!p0 $0x0  }
0x56: {  	[sflag:s15] =	ssyncadd.s32 @!p0 $0xFFFFFF80  }
0x57: {  	_ =	swait.ge @!p0 [sflag:s15], $0x80  }
0x58: {  	[sflag:s15] =	ssyncset.done @!p0 $0x0  }
0x59: {  	[sflag:s15] =	ssyncadd.s32 @!p0 $0xFFFFFF80  }
0x5a: {  	_ =	swait.ge @!p0 [sflag:s15], $0x80  }
0x5b: {  	[sflag:s15] =	ssyncset.done @!p0 $0x0  }
0x5c: {  	[sflag:s15] =	ssyncadd.s32 @!p0 $0xFFFFFF80  }
0x5d: {  	_ =	swait.ge @!p0 [sflag:s15], $0x80  }
0x5e: {  	[sflag:s15] =	ssyncset.done @!p0 $0x0  }
0x5f: {  	[sflag:s15] =	ssyncadd.s32 @!p0 $0xFFFFFF80  }
0x60: {  	_ =	swait.ge @!p0 [sflag:s15], $0x80  }
0x61: {  	[sflag:s15] =	ssyncset.done @!p0 $0x0  }
0x62: {  	[sflag:s15] =	ssyncadd.s32 @!p0 $0xFFFFFF80  }
0x63: {  	_ =	swait.ge @!p0 [sflag:s15], $0x80  }
0x64: {  	[sflag:s15] =	ssyncset.done @!p0 $0x0  }
0x65: {  	[sflag:s15] =	ssyncadd.s32 @!p0 $0xFFFFFF80  }
0x66: {  	s14 =	simm.s32 $0x0;
	s13 =	simm.s32 $0x2000;
	_ =	swait.ge @!p0 [sflag:s15], $0x80  }
.LBB2_2:
0x67: {  	[sflag:s15] =	ssyncset.done @!p0 $0x0  }
0x68: {  	s14 =	sadd.s32 $0x10, s14;
	s16 =	smov.u32 s13;
	s13 =	sadd.s32 $0x2000, s13  }
0x69: {  	p1 =	sne.s32 s13, $0x40000;
	[sflag:s15] =	ssyncadd.s32 @!p0 $0xFFFFFF80  }
0x6a: {  	_ =	swait.ge @!p0 [sflag:s15], $0x80  }
0x6b: {  	[sflag:s15] =	ssyncset.done @!p0 $0x0  }
0x6c: {  	[sflag:s15] =	ssyncadd.s32 @!p0 $0xFFFFFF80  }
0x6d: {  	_ =	swait.ge @!p0 [sflag:s15], $0x80  }
0x6e: {  	[sflag:s15] =	ssyncset.done @!p0 $0x0  }
0x6f: {  	[sflag:s15] =	ssyncadd.s32 @!p0 $0xFFFFFF80  }
0x70: {  	v0 =	vld [tilespmem:s14+$0x0];
	_ =	sdelay $0x4  }
0x71: {  	v0 =	vshll.u32 v0, $0x4  }
0x72: {  	(v2sf) =	vpush v0, $0x0  }
0x73: {  	(v2sf) =	vpush v0, $0x1  }
0x74: {  	(v2sf) =	vpush v0, $0x2;
	_ =	sdelay $0x1  }
0x75: {  	(v2sf) =	vpush v0, $0x3;
	_ =	sdelay $0x1  }
0x76: {  	(v2sf) =	vpush v0, $0x4;
	_ =	sdelay $0x1  }
0x77: {  	(v2sf) =	vpush v0, $0x5  }
0x78: {  	s15 =	sshra.s32 s16, $0x2  }
0x79: {  	s23 =	sadd.s32 $0x280, s15;
	s24 =	sadd.s32 $0x380, s15;
	s25 =	sadd.s32 $0x400, s15;
	(v2sf) =	vpush v0, $0x6  }
0x7a: {  	s26 =	sadd.s32 $0x200, s15;
	s28 =	sadd.s32 $0x300, s15  }
0x7b: {  	p0 =	seq.s32 s16, $0x0;
	s29 =	sadd.s32 $0x480, s15;
	(v2sf) =	vpush v0, $0x7  }
0x7c: {  	s18 =	sadd.s32 $0x800, s15;
	s17 =	sadd.s32 $0x880, s15;
	s16 =	sadd.s32 $0x980, s15  }
0x7d: {  	s30 =	sadd.s32 $0x500, s15;
	s21 =	sadd.s32 $0x600, s15;
	s19 =	sadd.s32 $0x780, s15;
	(v2sf) =	vpush v0, $0x8  }
0x7e: {  	s31 =	sadd.s32 $0x580, s15;
	s20 =	sadd.s32 $0x700, s15;
	s22 =	spop (v2sf)  }
0x7f: {  	s0 =	sand.u32 $0x1FFFFFF0, s22;
	s22 =	sadd.s32 $0x680, s15;
	s1 =	spop (v2sf);
	(v2sf) =	vpush v0, $0x9  }
0x80: {  	s0 =	sadd.s32 s3, s0;
	s1 =	sand.u32 $0x1FFFFFF0, s1;
	s7 =	spop (v2sf)  }
0x81: {  	[tilespmem:s26], [sflag:$0x1] =	stream.linear.gather [hbm4b:s0+s2], $0x80, $0x38;
	(v2sf) =	vpush v0, $0xA;
	[tilespmem:$0x10200] =	vst v63  }
0x82: {  	s0 =	sadd.s32 s3, s1;
	s1 =	sand.u32 $0x1FFFFFF0, s7;
	s7 =	spop (v2sf)  }
0x83: {  	[tilespmem:s23], [sflag:$0x1] =	stream.linear.gather [hbm4b:s0+s2], $0x80, $0x38;
	(v2sf) =	vpush v0, $0xB;
	[tilespmem:$0x10200] =	vst v63  }
0x84: {  	s0 =	sadd.s32 s3, s1;
	s1 =	sand.u32 $0x1FFFFFF0, s7;
	s7 =	spop (v2sf)  }
0x85: {  	[tilespmem:s28], [sflag:$0x1] =	stream.linear.gather [hbm4b:s0+s2], $0x80, $0x38;
	(v2sf) =	vpush v0, $0xC;
	[tilespmem:$0x10200] =	vst v63  }
0x86: {  	s0 =	sadd.s32 s3, s1;
	s1 =	sand.u32 $0x1FFFFFF0, s7;
	s7 =	spop (v2sf)  }
0x87: {  	[tilespmem:s24], [sflag:$0x1] =	stream.linear.gather [hbm4b:s0+s2], $0x80, $0x38;
	(v2sf) =	vpush v0, $0xD;
	[tilespmem:$0x10200] =	vst v63  }
0x88: {  	s0 =	sadd.s32 s3, s1;
	s1 =	sand.u32 $0x1FFFFFF0, s7;
	s7 =	spop (v2sf)  }
0x89: {  	[tilespmem:s25], [sflag:$0x1] =	stream.linear.gather [hbm4b:s0+s2], $0x80, $0x38;
	(v2sf) =	vpush v0, $0xE;
	[tilespmem:$0x10200] =	vst v63  }
0x8a: {  	s0 =	sadd.s32 s3, s1;
	s1 =	sand.u32 $0x1FFFFFF0, s7;
	s7 =	spop (v2sf)  }
0x8b: {  	[tilespmem:s29], [sflag:$0x1] =	stream.linear.gather [hbm4b:s0+s2], $0x80, $0x38;
	(v2sf) =	vpush v0, $0xF;
	[tilespmem:$0x10200] =	vst v63  }
0x8c: {  	s0 =	sadd.s32 s3, s1;
	s1 =	sand.u32 $0x1FFFFFF0, s7;
	s7 =	spop (v2sf)  }
0x8d: {  	[tilespmem:s30], [sflag:$0x1] =	stream.linear.gather [hbm4b:s0+s2], $0x80, $0x38;
	[tilespmem:$0x10200] =	vst v63  }
0x8e: {  	s0 =	sadd.s32 s3, s1;
	s1 =	sand.u32 $0x1FFFFFF0, s7;
	s7 =	spop (v2sf)  }
0x8f: {  	[tilespmem:s31], [sflag:$0x1] =	stream.linear.gather [hbm4b:s0+s2], $0x80, $0x38;
	[tilespmem:$0x10200] =	vst v63  }
0x90: {  	s0 =	sadd.s32 s3, s1;
	s1 =	sand.u32 $0x1FFFFFF0, s7;
	s7 =	spop (v2sf)  }
0x91: {  	[tilespmem:s21], [sflag:$0x1] =	stream.linear.gather [hbm4b:s0+s2], $0x80, $0x38;
	[tilespmem:$0x10200] =	vst v63  }
0x92: {  	s0 =	sadd.s32 s3, s1;
	s1 =	sand.u32 $0x1FFFFFF0, s7;
	s7 =	spop (v2sf)  }
0x93: {  	[tilespmem:s22], [sflag:$0x1] =	stream.linear.gather [hbm4b:s0+s2], $0x80, $0x38;
	[tilespmem:$0x10200] =	vst v63  }
0x94: {  	s0 =	sadd.s32 s3, s1;
	s1 =	sand.u32 $0x1FFFFFF0, s7;
	s7 =	spop (v2sf)  }
0x95: {  	[tilespmem:s20], [sflag:$0x1] =	stream.linear.gather [hbm4b:s0+s2], $0x80, $0x38;
	[tilespmem:$0x10200] =	vst v63  }
0x96: {  	s0 =	sadd.s32 s3, s1;
	s1 =	sand.u32 $0x1FFFFFF0, s7;
	s7 =	spop (v2sf)  }
0x97: {  	[tilespmem:s19], [sflag:$0x1] =	stream.linear.gather [hbm4b:s0+s2], $0x80, $0x38;
	[tilespmem:$0x10200] =	vst v63  }
0x98: {  	s0 =	sadd.s32 s3, s1;
	s1 =	sand.u32 $0x1FFFFFF0, s7;
	s7 =	spop (v2sf)  }
0x99: {  	[tilespmem:s18], [sflag:$0x1] =	stream.linear.gather [hbm4b:s0+s2], $0x80, $0x38;
	[tilespmem:$0x10200] =	vst v63  }
0x9a: {  	s0 =	sadd.s32 s3, s1;
	s1 =	sand.u32 $0x1FFFFFF0, s7;
	s7 =	spop (v2sf)  }
0x9b: {  	[tilespmem:s17], [sflag:$0x1] =	stream.linear.gather [hbm4b:s0+s2], $0x80, $0x38;
	[tilespmem:$0x10200] =	vst v63  }
0x9c: {  	s1 =	sadd.s32 s3, s1;
	s0 =	sadd.s32 $0x900, s15;
	s7 =	sand.u32 $0x1FFFFFF0, s7  }
0x9d: {  	[tilespmem:s0], [sflag:$0x1] =	stream.linear.gather [hbm4b:s1+s2], $0x80, $0x38;
	[tilespmem:$0x10200] =	vst v63  }
0x9e: {  	s15 =	simm.s32 @!p0 $0x1;
	s0 =	sadd.s32 s3, s7  }
0x9f: {  	[tilespmem:s16], [sflag:$0x1] =	stream.linear.gather [hbm4b:s0+s2], $0x80, $0x38;
	[tilespmem:$0x10200] =	vst v63  }
0xa0: {  	_ =	swait.ge @!p0 [sflag:s15], $0x80  }
0xa1: {  	[sflag:s15] =	ssyncset.done @!p0 $0x0  }
0xa2: {  	[sflag:s15] =	ssyncadd.s32 @!p0 $0xFFFFFF80  }
0xa3: {  	_ =	swait.ge @!p0 [sflag:s15], $0x80  }
0xa4: {  	[sflag:s15] =	ssyncset.done @!p0 $0x0  }
0xa5: {  	[sflag:s15] =	ssyncadd.s32 @!p0 $0xFFFFFF80  }
0xa6: {  	_ =	swait.ge @!p0 [sflag:s15], $0x80  }
0xa7: {  	[sflag:s15] =	ssyncset.done @!p0 $0x0  }
0xa8: {  	[sflag:s15] =	ssyncadd.s32 @!p0 $0xFFFFFF80  }
0xa9: {  	_ =	swait.ge @!p0 [sflag:s15], $0x80  }
0xaa: {  	[sflag:s15] =	ssyncset.done @!p0 $0x0  }
0xab: {  	[sflag:s15] =	ssyncadd.s32 @!p0 $0xFFFFFF80  }
0xac: {  	_ =	swait.ge @!p0 [sflag:s15], $0x80  }
0xad: {  	[sflag:s15] =	ssyncset.done @!p0 $0x0  }
0xae: {  	[sflag:s15] =	ssyncadd.s32 @!p0 $0xFFFFFF80  }
0xaf: {  	_ =	swait.ge @!p0 [sflag:s15], $0x80  }
0xb0: {  	[sflag:s15] =	ssyncset.done @!p0 $0x0  }
0xb1: {  	[sflag:s15] =	ssyncadd.s32 @!p0 $0xFFFFFF80  }
0xb2: {  	_ =	swait.ge @!p0 [sflag:s15], $0x80  }
0xb3: {  	[sflag:s15] =	ssyncset.done @!p0 $0x0  }
0xb4: {  	[sflag:s15] =	ssyncadd.s32 @!p0 $0xFFFFFF80  }
0xb5: {  	_ =	swait.ge @!p0 [sflag:s15], $0x80  }
0xb6: {  	[sflag:s15] =	ssyncset.done @!p0 $0x0  }
0xb7: {  	[sflag:s15] =	ssyncadd.s32 @!p0 $0xFFFFFF80  }
0xb8: {  	_ =	swait.ge @!p0 [sflag:s15], $0x80  }
0xb9: {  	[sflag:s15] =	ssyncset.done @!p0 $0x0  }
0xba: {  	[sflag:s15] =	ssyncadd.s32 @!p0 $0xFFFFFF80  }
0xbb: {  	_ =	swait.ge @!p0 [sflag:s15], $0x80  }
0xbc: {  	[sflag:s15] =	ssyncset.done @!p0 $0x0  }
0xbd: {  	[sflag:s15] =	ssyncadd.s32 @!p0 $0xFFFFFF80  }
0xbe: {  	_ =	swait.ge @!p0 [sflag:s15], $0x80  }
0xbf: {  	[sflag:s15] =	ssyncset.done @!p0 $0x0  }
0xc0: {  	[sflag:s15] =	ssyncadd.s32 @!p0 $0xFFFFFF80  }
0xc1: {  	_ =	swait.ge @!p0 [sflag:s15], $0x80  }
0xc2: {  	[sflag:s15] =	ssyncset.done @!p0 $0x0  }
.Ltmp0:
0xc3: {  	[sflag:s15] =	ssyncadd.s32 @!p0 $0xFFFFFF80;
	(pc) =	sbr.rel @p1 .LBB2_2-.Ltmp0, $4  }
0xc4: {  	_ =	swait.ge @!p0 [sflag:s15], $0x80  }
0xc5: {  	[sflag:s15] =	ssyncset.done @!p0 $0x0  }
0xc6: {  	[sflag:s15] =	ssyncadd.s32 @!p0 $0xFFFFFF80  }
0xc7: {  	_ =	swait.ge @!p0 [sflag:s15], $0x80  }
0xc8: {  	[sflag:s15] =	ssyncset.done @!p0 $0x0  }
0xc9: {  	[sflag:s15] =	ssyncadd.s32 @!p0 $0xFFFFFF80  }
0xca: {  	_ =	swait.ge @!p0 [sflag:s15], $0x80  }
0xcb: {  	[sflag:s15] =	ssyncset.done @!p0 $0x0  }
0xcc: {  	[sflag:s15] =	ssyncadd.s32 @!p0 $0xFFFFFF80  }
0xcd: {  	_ =	swait.ge @!p0 [sflag:s15], $0x80  }
0xce: {  	[sflag:s15] =	ssyncset.done @!p0 $0x0  }
0xcf: {  	[sflag:s15] =	ssyncadd.s32 @!p0 $0xFFFFFF80  }
0xd0: {  	_ =	swait.ge [sflag:s10], $0x80  }
0xd1: {  	[sflag:s10] =	ssyncset.done $0x0  }
0xd2: {  	[sflag:s10] =	ssyncadd.s32 $0xFFFFFF80  }
0xd3: {  	_ =	swait.ge [sflag:s10], $0x80  }
0xd4: {  	[sflag:s10] =	ssyncset.done $0x0  }
0xd5: {  	[sflag:s10] =	ssyncadd.s32 $0xFFFFFF80  }
0xd6: {  	_ =	swait.ge [sflag:s10], $0x80  }
0xd7: {  	[sflag:s10] =	ssyncset.done $0x0  }
0xd8: {  	[sflag:s10] =	ssyncadd.s32 $0xFFFFFF80  }
0xd9: {  	_ =	swait.ge [sflag:s10], $0x80  }
0xda: {  	[sflag:s10] =	ssyncset.done $0x0  }
0xdb: {  	[sflag:s10] =	ssyncadd.s32 $0xFFFFFF80  }
0xdc: {  	_ =	swait.ge [sflag:s10], $0x80  }
0xdd: {  	[sflag:s10] =	ssyncset.done $0x0  }
0xde: {  	[sflag:s10] =	ssyncadd.s32 $0xFFFFFF80  }
0xdf: {  	_ =	swait.ge [sflag:s10], $0x80  }
0xe0: {  	[sflag:s10] =	ssyncset.done $0x0  }
0xe1: {  	[sflag:s10] =	ssyncadd.s32 $0xFFFFFF80  }
0xe2: {  	_ =	swait.ge [sflag:s10], $0x80  }
0xe3: {  	[sflag:s10] =	ssyncset.done $0x0  }
0xe4: {  	[sflag:s10] =	ssyncadd.s32 $0xFFFFFF80  }
0xe5: {  	_ =	swait.ge [sflag:s10], $0x80  }
0xe6: {  	[sflag:s10] =	ssyncset.done $0x0  }
0xe7: {  	[sflag:s10] =	ssyncadd.s32 $0xFFFFFF80  }
0xe8: {  	_ =	swait.ge [sflag:s10], $0x80  }
0xe9: {  	[sflag:s10] =	ssyncset.done $0x0  }
0xea: {  	[sflag:s10] =	ssyncadd.s32 $0xFFFFFF80  }
0xeb: {  	_ =	swait.ge [sflag:s10], $0x80  }
0xec: {  	[sflag:s10] =	ssyncset.done $0x0  }
0xed: {  	[sflag:s10] =	ssyncadd.s32 $0xFFFFFF80  }
0xee: {  	_ =	swait.ge [sflag:s10], $0x80  }
0xef: {  	[sflag:s10] =	ssyncset.done $0x0  }
0xf0: {  	[sflag:s10] =	ssyncadd.s32 $0xFFFFFF80  }
0xf1: {  	_ =	swait.ge [sflag:s10], $0x80  }
0xf2: {  	[sflag:s10] =	ssyncset.done $0x0  }
0xf3: {  	[sflag:s10] =	ssyncadd.s32 $0xFFFFFF80  }
0xf4: {  	_ =	swait.ge [sflag:s10], $0x80  }
0xf5: {  	[sflag:s10] =	ssyncset.done $0x0  }
0xf6: {  	[sflag:s10] =	ssyncadd.s32 $0xFFFFFF80  }
0xf7: {  	_ =	swait.ge [sflag:s10], $0x80  }
0xf8: {  	[sflag:s10] =	ssyncset.done $0x0  }
0xf9: {  	[sflag:s10] =	ssyncadd.s32 $0xFFFFFF80  }
0xfa: {  	_ =	swait.ge [sflag:s10], $0x80  }
0xfb: {  	[sflag:s10] =	ssyncset.done $0x0  }
0xfc: {  	[sflag:s10] =	ssyncadd.s32 $0xFFFFFF80  }
0xfd: {  	s12 =	sadd.s32 $0x1, s12;
	_ =	swait.ge [sflag:s10], $0x80  }
0xfe: {  	p0 =	sne.s32 s12, s6;
	[sflag:s10] =	ssyncset.done $0x0  }
.Ltmp1:
0xff: {  	[sflag:s10] =	ssyncadd.s32 $0xFFFFFF80;
	(pc) =	sbr.rel @p0 .LBB2_1-.Ltmp1, $4  }
0x100: {  	[hbm4b:s5+s2] =	stream.linear.scatter [tilespmem:s11], [sflag:$0x2], $0x10000, $0x38;
	[tilespmem:$0x10200] =	vst v63  }
0x101: {  	_ =	swait.ge [sflag:s9], $0x10000  }
0x102: {  	[sflag:s9] =	ssyncset.done $0x0  }
0x103: {  	[sflag:s9] =	ssyncadd.s32 $0xFFFF0000  }
0x104: {  	_ =	sfence.sel $0x180000  }
0x105: {  	[bflag:$0x0] =	sbarrier.arrive $0xFFFF  }
0x106: {  	_ =	strace $0x90000047  }
0x107: {  	s0 =	stileid.u32;
	[bflag:$0x2] =	sbarrier.arrive $0xFFFF  }
0x108: {  	p0 =	sne.s32 s0, $0x0;
	s0 =	rddreg [dreg:$0x1]  }
0x109: {  	s0 =	sadd.s32 @!p0 $0x100000, s0  }
0x10a: {  	[sflag:s0] =	ssyncadd.tile.s32 @!p0 $0x1;
	_ =	shalt  }
.Lfunc_end2:
_tile_overlayer_lowered:
.L_overlay_start_2:
0x10b: {  	(tag) =	ssettag $0x2  }
0x10c: {  	s0 =	rddreg [dreg:$0x0];
	s2 =	stileid.u32  }
0x10d: {  	s1 =	rddreg [dreg:$0x1];
	p0 =	sne.s32 s2, $0x0  }
0x10e: {  	s3 =	rddreg [dreg:$0x2];
	[bflag:$0x3] =	sbarrier.arrive $0xFFFF;
	s2 =	simm.s32 @!p0 $0x1C02  }
0x10f: {  	[timem:s3], [sflag:s2] =	dma.local @!p0 [hbm:s0], s1  }
0x110: {  	s0 =	simm.s32 @!p0 $0x2  }
0x111: {  	_ =	swait.ge @!p0 [sflag:s0], s1  }
0x112: {  	s1 =	ssub.s32 @!p0 $0x0, s1;
	[sflag:s0] =	ssyncset.done @!p0 $0x0  }
0x113: {  	[sflag:s0] =	ssyncadd.s32 @!p0 s1  }
0x114: {  	[bflag:$0x3] =	sbarrier.arrive $0xFFFF  }
0x115: {  	_ =	shalt  }

// kernel: kernel.8.cloned.1.call-start
scs
__scs_entry_jumppad:
0x0: {  	(pc) =	sbr.rel $0x88, $3  }
0x1: {  	(tag) =	ssettag $0x0;
	lr =	simm.s32 $0x1  }
0x2: {  	[smem:$0x3F9C] =	sst lr;
	_ =	strace $0xD0000000  }
0x3: {  	_ = 	snop  }
0x4: {  	_ = 	snop  }
0x5: {  	_ = 	snop  }
0x6: {  	_ = 	snop  }
0x7: {  	_ = 	snop  }
__scs_overlays_trampoline_lowered:
0x8: {  	[smem:$0x3FAB] =	sst s0  }
0x9: {  	[smem:$0x3FAC] =	sst s1  }
0xa: {  	[smem:$0x3FAD] =	sst s2  }
0xb: {  	[smem:$0x3FAE] =	sst s3  }
0xc: {  	[smem:$0x3FAF] =	sst s4  }
0xd: {  	[smem:$0x3FB0] =	sst s5  }
0xe: {  	[smem:$0x3FB1] =	sst s6  }
0xf: {  	[smem:$0x3FB2] =	sst s7  }
0x10: {  	[smem:$0x3FB3] =	sst s8  }
0x11: {  	[smem:$0x3FB4] =	sst s9;
	s0 =	simm.s32 @!p0 $0x0  }
0x12: {  	s1 =	sld [smem:$0x3F9A];
	s0 =	simm.s32 @p0 $0x1  }
0x13: {  	[smem:$0x3FB5] =	sst s0;
	s0 =	simm.s32 @!p1 $0x0  }
0x14: {  	s2 =	sld [smem:$0x3F99];
	s0 =	simm.s32 @p1 $0x1  }
0x15: {  	[smem:$0x3FB6] =	sst s0;
	s0 =	simm.s32 @!p2 $0x0  }
0x16: {  	s3 =	sld [smem:$0x3FDB];
	s0 =	simm.s32 @p2 $0x1  }
0x17: {  	s4 =	simm.s32 $0x1BF5;
	[smem:$0x3FB8] =	sst s0  }
0x18: {  	s0 =	sld [smem:$0x3F9B];
	_ =	swait.ge [sflag:s4], $0x0  }
0x19: {  	s7 =	sld [smem:$0x3F9C]  }
0x1a: {  	s8 =	sadd.s32 $0xFFFFE003, lr  }
0x1b: {  	s9 =	sadd.s32 $0xFFFFFEF7, lr;
	s5 =	simm.s32 $0xFFFFFFFF;
	p2 =	slt.u32 s8, $0xFFFFF086  }
0x1c: {  	p1 =	slt.u32 s9, $0xF7A;
	s5 =	simm.s32 @!p2 $0x0  }
0x1d: {  	s5 =	simm.s32 @p1 $0x1;
	p0 =	seq.s32 s7, s2  }
0x1e: {  	s7 =	smul.u32 @!p0 $0xF7A, s2;
	p2 =	seq.s32 @!p0 s5, $0x0  }
0x1f: {  	s9 =	smul.u32 $0xF7A, s1;
	s8 =	simm.s32 @!p0 $0x1BF5;
	p2 =	por !p2, p0  }
0x20: {  	[sflag:s8] =	ssyncset.s32 @!p0 $0xFFFFF086;
	s6 =	sadd.s32 @!p0 s3, s7;
	s7 =	simm.s32 @!p0 $0x108  }
0x21: {  	s3 =	sadd.s32 s3, s9;
	s6 =	sadd.s32 @!p0 $0x88, s6;
	s7 =	simm.s32 @p2 $0x1082  }
0x22: {  	[simem:s7], [sflag:s8] =	dma.local @!p0 [hbm:s6], $0xF7A  }
0x23: {  	s9 =	sor.u32 $0xD0000000, s2;
	s6 =	simm.s32 $0x108;
	_ =	swait.ge @!p0 [sflag:s8], $0x0  }
0x24: {  	s3 =	sadd.s32 $0x88, s3;
	s6 =	simm.s32 @!p1 $0x1082;
	[sflag:s4] =	ssyncset.s32 $0xFFFFF086  }
0x25: {  	[simem:s6], [sflag:s4] =	dma.local [hbm:s3], $0xF7A  }
0x26: {  	[smem:$0x3F9C] =	sst s1;
	(tag) =	ssettag s2;
	_ =	strace s9  }
0x27: {  	s1 =	sld [smem:$0x3FAC]  }
0x28: {  	s2 =	sld [smem:$0x3FAD]  }
0x29: {  	s4 =	sld [smem:$0x3FAF]  }
0x2a: {  	p0 =	seq.s32 s5, $0x0;
	s5 =	sld [smem:$0x3FB0]  }
0x2b: {  	s6 =	sld [smem:$0x3FB1]  }
0x2c: {  	s7 =	sld [smem:$0x3FB2]  }
0x2d: {  	s3 =	simm.s32 $0x108;
	s8 =	sld [smem:$0x3FB3]  }
0x2e: {  	s3 =	simm.s32 @!p0 $0x1082;
	s9 =	sld [smem:$0x3FB4]  }
0x2f: {  	lr =	sadd.s32 s0, s3;
	s0 =	sld [smem:$0x3FAB]  }
0x30: {  	s3 =	sld [smem:$0x3FAE]  }
0x31: {  	[smem:$0x3FB7] =	sst s10  }
0x32: {  	s10 =	sld [smem:$0x3FB5];
	_ =	sdelay $0x3  }
0x33: {  	p0 =	seq.s32 s10, $0x1;
	s10 =	sld [smem:$0x3FB7];
	_ =	sdelay $0x3  }
0x34: {  	[smem:$0x3FB7] =	sst s10  }
0x35: {  	s10 =	sld [smem:$0x3FB6];
	_ =	sdelay $0x3  }
0x36: {  	p1 =	seq.s32 s10, $0x1;
	s10 =	sld [smem:$0x3FB7];
	_ =	sdelay $0x3  }
0x37: {  	[smem:$0x3FB7] =	sst s10  }
0x38: {  	s10 =	sld [smem:$0x3FB8]  }
0x39: {  	_ = 	snop;
	(pc) =	sbr.ind lr, $3  }
0x3a: {  	_ = 	snop  }
0x3b: {  	_ = 	snop  }
0x3c: {  	p2 =	seq.s32 s10, $0x1;
	s10 =	sld [smem:$0x3FB7]  }
0x3d: {  	_ =	shalt  }
0x3e: {  	_ =	shalt  }
0x3f: {  	_ =	shalt  }
0x40: {  	_ =	shalt  }
0x41: {  	_ =	shalt  }
0x42: {  	_ =	shalt  }
0x43: {  	_ =	shalt  }
0x44: {  	_ =	shalt  }
0x45: {  	_ =	shalt  }
0x46: {  	_ =	shalt  }
0x47: {  	_ =	shalt  }
0x48: {  	_ =	shalt  }
0x49: {  	_ =	shalt  }
0x4a: {  	_ =	shalt  }
0x4b: {  	_ =	shalt  }
0x4c: {  	_ =	shalt  }
0x4d: {  	_ =	shalt  }
0x4e: {  	_ =	shalt  }
0x4f: {  	_ =	shalt  }
0x50: {  	_ =	shalt  }
0x51: {  	_ =	shalt  }
0x52: {  	_ =	shalt  }
0x53: {  	_ =	shalt  }
0x54: {  	_ =	shalt  }
0x55: {  	_ =	shalt  }
0x56: {  	_ =	shalt  }
0x57: {  	_ =	shalt  }
0x58: {  	_ =	shalt  }
0x59: {  	_ =	shalt  }
0x5a: {  	_ =	shalt  }
0x5b: {  	_ =	shalt  }
0x5c: {  	_ =	shalt  }
0x5d: {  	_ =	shalt  }
0x5e: {  	_ =	shalt  }
0x5f: {  	_ =	shalt  }
0x60: {  	_ =	shalt  }
0x61: {  	_ =	shalt  }
0x62: {  	_ =	shalt  }
0x63: {  	_ =	shalt  }
0x64: {  	_ =	shalt  }
0x65: {  	_ =	shalt  }
0x66: {  	_ =	shalt  }
0x67: {  	_ =	shalt  }
0x68: {  	_ =	shalt  }
0x69: {  	_ =	shalt  }
0x6a: {  	_ =	shalt  }
0x6b: {  	_ =	shalt  }
0x6c: {  	_ =	shalt  }
0x6d: {  	_ =	shalt  }
0x6e: {  	_ =	shalt  }
0x6f: {  	_ =	shalt  }
0x70: {  	_ =	shalt  }
0x71: {  	_ =	shalt  }
0x72: {  	_ =	shalt  }
0x73: {  	_ =	shalt  }
0x74: {  	_ =	shalt  }
0x75: {  	_ =	shalt  }
0x76: {  	_ =	shalt  }
0x77: {  	_ =	shalt  }
0x78: {  	_ =	shalt  }
0x79: {  	_ =	shalt  }
0x7a: {  	_ =	shalt  }
0x7b: {  	_ =	shalt  }
0x7c: {  	_ =	shalt  }
0x7d: {  	_ =	shalt  }
0x7e: {  	_ =	shalt  }
0x7f: {  	_ =	shalt  }
0x80: {  	_ =	shalt  }
0x81: {  	_ =	shalt  }
0x82: {  	_ =	shalt  }
0x83: {  	_ =	shalt  }
0x84: {  	_ =	shalt  }
0x85: {  	_ =	shalt  }
0x86: {  	_ =	shalt  }
0x87: {  	_ =	shalt  }
.Lfunc_end0:
.L_simem_size_0:
called_computation.1_lowered:
.L_overlay_start_0:
0x88: {  	s2 =	sld [smem:$0x3FD9]  }
0x89: {  	s3 =	sld [smem:$0x3FFE];
	_ =	sdelay $0x1  }
0x8a: {  	s1 =	srdreg.scid  }
0x8b: {  	s0 =	sand.u32 $0x1, s1  }
0x8c: {  	s17 =	sshll.u32 s0, $0xA;
	s2 =	sadd.s32 s3, s2  }
0x8d: {  	s2 =	sadd.s32 s2, s17  }
0x8e: {  	[smem:$0x3FC3] =	sst s2  }
0x8f: {  	_ = 	snop  }
0x90: {  	s18 =	sld [smem:$0x3FD0];
	(tm) =	ssettm $0x1  }
0x91: {  	s19 =	sld [smem:$0x3FFB];
	_ =	sdelay $0x3  }
0x92: {  	_ =	strace s19  }
0x93: {  	s2 =	sld [smem:$0x3FFC];
	_ =	sdelay $0x3  }
0x94: {  	_ =	strace s2  }
0x95: {  	s2 =	sld [smem:$0x3FFD];
	_ =	sdelay $0x3  }
0x96: {  	_ =	strace s2  }
0x97: {  	_ =	strace $0x8FFFFFFF  }
0x98: {  	s20 =	sld [smem:$0x3FDB];
	_ =	sdelay $0x1  }
0x99: {  	s4 =	simm.s32 $_scs_section_size  }
0x9a: {  	s5 =	simm.s32 $_size__tile_overlayer_lowered;
	s6 =	simm.s32 $_tile_overlayer_lowered  }
0x9b: {  	s7 =	simm.s32 $0x1BFF;
	s21 =	sshll.u32 s6, $0x1;
	s4 =	sadd.s32 s4, s20  }
0x9c: {  	s22 =	simm.s32 $0x0;
	s5 =	sshll.u32 s5, $0x1;
	s6 =	sadd.s32 s21, s4  }
0x9d: {  	[timem:s22], [sflag:s7] =	dma.local [hbm:s6], s5  }
0x9e: {  	_ =	swait.ge [sflag:s7], s5  }
0x9f: {  	s5 =	ssub.s32 $0x0, s5;
	[sflag:s7] =	ssyncset.done $0x0  }
0xa0: {  	[sflag:s7] =	ssyncadd.s32 s5;
	_ =	sdelay $0x1  }
0xa1: {  	s23 =	simm.s32 $0x1B8B  }
0xa2: {  	_ =	swait.ge [sflag:s23], $0x1  }
0xa3: {  	[sflag:s23] =	ssyncset.done $0x0  }
0xa4: {  	[sflag:s23] =	ssyncadd.s32 $0xFFFFFFFF  }
0xa5: {  	s5 =	sld [smem:$0x0]  }
0xa6: {  	s6 =	sand.u32 $0xFFFFFFFE, s1  }
0xa7: {  	p0 =	sne.s32 s1, s6  }
0xa8: {  	s6 =	sshll.u32 @p0 s6, $0xE  }
0xa9: {  	s6 =	sadd.s32 @p0 $0x11B8D, s6;
	s7 =	sshll.u32 @p0 s5, $0x11  }
0xaa: {  	s6 =	sor.u32 @p0 s7, s6  }
0xab: {  	[sflag:s6] =	ssyncadd.remote.s32 @p0 $0x1;
	_ =	sdelay $0x1  }
0xac: {  	s6 =	simm.s32 @p0 $0x1B8D  }
0xad: {  	_ =	swait.eq @p0 [sflag:s6], $0x1  }
0xae: {  	[sflag:s6] =	ssyncadd.s32 @p0 $0xFFFFFFFF  }
0xaf: {  	s7 =	sshll.u32 @!p0 s1, $0xE  }
0xb0: {  	s7 =	sor.u32 @!p0 $0x4000, s7;
	s6 =	simm.s32 @!p0 $0x1B8D  }
0xb1: {  	s5 =	sshll.u32 @!p0 s5, $0x11;
	s7 =	sadd.s32 @!p0 $0x11B8D, s7;
	_ =	swait.eq @!p0 [sflag:s6], $0x1  }
0xb2: {  	s5 =	sor.u32 @!p0 s5, s7;
	[sflag:s6] =	ssyncadd.s32 @!p0 $0xFFFFFFFF  }
0xb3: {  	s25 =	simm.s32 $0x1B8E;
	s24 =	sld [smem:$0x3FFE];
	[sflag:s5] =	ssyncadd.remote.s32 @!p0 $0x1  }
0xb4: {  	s26 =	simm.s32 $execute0_lowered;
	[smem:$0x3FD2] =	sst s25  }
0xb5: {  	s6 =	sshll.u32 s26, $0x1;
	_ =	strace $0x80000049;
	[dreg:$0x1] =	wrdreg $0xFFFFFFFF  }
0xb6: {  	s28 =	simm.s32 $_size_execute0_lowered;
	s4 =	sadd.s32 s4, s6;
	[dreg:$0x0] =	wrdreg $0x0  }
0xb7: {  	s6 =	sshll.u32 s28, $0x1;
	[dreg:$0x2] =	wrdreg s4  }
0xb8: {  	[dreg:$0x3] =	wrdreg s6  }
0xb9: {  	[dreg:$0x4] =	wrdreg $0xC0  }
0xba: {  	_ =	task [dreg:s22], $0x5FFFF  }
0xbb: {  	[dreg:$0x1] =	wrdreg $0xFFFFFFFF  }
0xbc: {  	[dreg:$0x0] =	wrdreg $0x60  }
0xbd: {  	[dreg:$0x2] =	wrdreg s24  }
0xbe: {  	[dreg:$0x3] =	wrdreg s18  }
0xbf: {  	[dreg:$0x4] =	wrdreg $0xA  }
0xc0: {  	_ =	task.clear_ibuf [dreg:s22], $0x5FFFF;
	_ =	strace $0x90000049  }
0xc1: {  	s29 =	simm.s32 $0xA;
	_ =	strace $0x8000004B  }
0xc2: {  	_ =	swait.ge [sflag:s29], $0x1  }
0xc3: {  	[sflag:s29] =	ssyncadd.s32 $0xFFFFFFFF  }
0xc4: {  	_ =	strace $0x9000004B  }
0xc5: {  	_ =	sfence  }
0xc6: {  	s30 =	sld [smem:$0x0];
	_ =	sdelay $0x2  }
0xc7: {  	s31 =	sshll.u32 s1, $0xD;
	s1 =	sshrl.u32 s1, $0x2  }
0xc8: {  	s4 =	sand.u32 $0x4000, s31;
	s1 =	sadd.s32 s1, s30  }
0xc9: {  	s0 =	sor.u32 s4, s0;
	s1 =	sshll.u32 s1, $0x11  }
0xca: {  	s0 =	sor.u32 s1, s0  }
0xcb: {  	s0 =	sadd.s32 $0x8F2B, s0  }
0xcc: {  	[sflag:s0] =	ssyncadd.remote.s32 $0x1  }
0xcd: {  	_ =	sfence.sel $0xFFFF  }
0xce: {  	[dreg:$0x0] =	wrdreg $0xFFFFFFFF;
	(pc) =	sbr.abs _section_cstart, $3  }
0xcf: {  	[dreg:$0x1] =	wrdreg $0xFFFFFFFF  }
0xd0: {  	_ =	task.clear_ibuf [dreg:s22], $0x2FFFF;
	_ =	strace $0x9FFFFFFF  }
0xd1: {  	(tm) =	ssettm $0x7FFFFFFF  }
tec
execute0_lowered:
.L_overlay_start_1:
0x0: {  	(tag) =	ssettag $0x1  }
0x1: {  	s4 =	rddreg [dreg:$0x0]  }
0x2: {  	s5 =	rddreg [dreg:$0x1]  }
0x3: {  	s2 =	simm.s32 $0x0;
	s0 =	stileid.u32;
	s3 =	srdreg.scid  }
0x4: {  	s10 =	simm.s32 $0x1;
	s11 =	simm.s32 $0x200;
	s12 =	simm.s32 $0x0  }
0x5: {  	[smem:$0x7FF] =	sst s2;
	s6 =	sand.u32 $0x1, s3;
	s7 =	sshll.u32 s0, $0x1  }
0x6: {  	s3 =	sadd.s32 $0x1CA000, s4;
	s8 =	sshll.u32 s0, $0x7;
	_ =	strace $0x8000004A  }
0x7: {  	s7 =	sor.u32 s6, s7;
	s8 =	sand.u32 $0x600, s8;
	s6 =	ssub.s32 $0x2, s6  }
0x8: {  	s9 =	sshll.u32 s7, $0x4;
	s4 =	sadd.s32 s8, s4;
	s31 =	sshrl.u32 s6, $0x1  }
0x9: {  	s7 =	sshll.u32 s7, $0xD;
	s8 =	simm.s32 $0x400;
	s9 =	sand.u32 $0x70, s9  }
0xa: {  	s6 =	ssub.s32 s6, s31;
	s5 =	sadd.s32 s5, s7;
	s4 =	sadd.s32 s9, s4  }
0xb: {  	s6 =	smax.u32 s6, $0x1;
	s9 =	simm.s32 $0x2;
	s4 =	sadd.s32 $0x1C9800, s4  }
.LBB2_1:
0xc: {  	s0 =	simm.s32 $0x80  }
0xd: {  	[tilespmem:s2], [sflag:$0x2] =	stream.strided.gather [hbm4b:s4+s0], $0x200, s8, s0, $0x38;
	[tilespmem:$0x10200] =	vst v63  }
0xe: {  	_ =	swait.ge [sflag:s9], $0x200  }
0xf: {  	[sflag:s9] =	ssyncset.done $0x0  }
0x10: {  	[sflag:s9] =	ssyncadd.s32 $0xFFFFFE00  }
0x11: {  	v0 =	vld [tilespmem:s2+$0x0];
	_ =	sdelay $0x4  }
0x12: {  	v0 =	vshll.u32 v0, $0x4  }
0x13: {  	(v2sf) =	vpush v0, $0x0  }
0x14: {  	(v2sf) =	vpush v0, $0x1  }
0x15: {  	(v2sf) =	vpush v0, $0x2;
	_ =	sdelay $0x1  }
0x16: {  	(v2sf) =	vpush v0, $0x3;
	_ =	sdelay $0x1  }
0x17: {  	(v2sf) =	vpush v0, $0x4;
	_ =	sdelay $0x1  }
0x18: {  	(v2sf) =	vpush v0, $0x5;
	_ =	sdelay $0x1  }
0x19: {  	(v2sf) =	vpush v0, $0x6  }
0x1a: {  	s15 =	simm.s32 $0x280;
	s16 =	simm.s32 $0x380;
	s17 =	simm.s32 $0x400  }
0x1b: {  	s18 =	simm.s32 $0x200;
	s19 =	simm.s32 $0x300;
	s20 =	simm.s32 $0x480;
	(v2sf) =	vpush v0, $0x7  }
0x1c: {  	p0 =	por $0x1, $0x1;
	s14 =	simm.s32 $0x800;
	s13 =	simm.s32 $0x880  }
0x1d: {  	s21 =	simm.s32 $0x500;
	s22 =	simm.s32 $0x600;
	s23 =	simm.s32 $0x780;
	(v2sf) =	vpush v0, $0x8  }
0x1e: {  	s24 =	simm.s32 $0x580;
	s25 =	simm.s32 $0x700;
	s26 =	spop (v2sf)  }
0x1f: {  	s28 =	simm.s32 $0x680;
	(v2sf) =	vpush v0, $0x9;
	s26 =	sand.u32 $0x1FFFFFF0, s26;
	s29 =	spop (v2sf)  }
0x20: {  	s26 =	sadd.s32 s3, s26;
	s29 =	sand.u32 $0x1FFFFFF0, s29;
	s30 =	spop (v2sf)  }
0x21: {  	(v2sf) =	vpush v0, $0xA;
	[tilespmem:s18], [sflag:$0x1] =	stream.linear.gather [hbm4b:s26+s2], $0x80, $0x38;
	[tilespmem:$0x10200] =	vst v63  }
0x22: {  	s0 =	sadd.s32 s3, s29;
	s1 =	sand.u32 $0x1FFFFFF0, s30;
	s7 =	spop (v2sf)  }
0x23: {  	(v2sf) =	vpush v0, $0xB;
	[tilespmem:s15], [sflag:$0x1] =	stream.linear.gather [hbm4b:s0+s2], $0x80, $0x38;
	[tilespmem:$0x10200] =	vst v63  }
0x24: {  	s26 =	sadd.s32 s3, s1;
	s30 =	sand.u32 $0x1FFFFFF0, s7;
	s31 =	spop (v2sf)  }
0x25: {  	(v2sf) =	vpush v0, $0xC;
	[tilespmem:s19], [sflag:$0x1] =	stream.linear.gather [hbm4b:s26+s2], $0x80, $0x38;
	[tilespmem:$0x10200] =	vst v63  }
0x26: {  	s0 =	sadd.s32 s3, s30;
	s1 =	sand.u32 $0x1FFFFFF0, s31;
	s7 =	spop (v2sf)  }
0x27: {  	(v2sf) =	vpush v0, $0xD;
	[tilespmem:s16], [sflag:$0x1] =	stream.linear.gather [hbm4b:s0+s2], $0x80, $0x38;
	[tilespmem:$0x10200] =	vst v63  }
0x28: {  	s18 =	sadd.s32 s3, s1;
	s19 =	sand.u32 $0x1FFFFFF0, s7;
	s26 =	spop (v2sf)  }
0x29: {  	(v2sf) =	vpush v0, $0xE;
	[tilespmem:s17], [sflag:$0x1] =	stream.linear.gather [hbm4b:s18+s2], $0x80, $0x38;
	[tilespmem:$0x10200] =	vst v63  }
0x2a: {  	s29 =	sadd.s32 s3, s19;
	s30 =	sand.u32 $0x1FFFFFF0, s26;
	s31 =	spop (v2sf)  }
0x2b: {  	(v2sf) =	vpush v0, $0xF;
	[tilespmem:s20], [sflag:$0x1] =	stream.linear.gather [hbm4b:s29+s2], $0x80, $0x38;
	[tilespmem:$0x10200] =	vst v63  }
0x2c: {  	s0 =	sadd.s32 s3, s30;
	s1 =	sand.u32 $0x1FFFFFF0, s31;
	s7 =	spop (v2sf)  }
0x2d: {  	[tilespmem:s21], [sflag:$0x1] =	stream.linear.gather [hbm4b:s0+s2], $0x80, $0x38;
	[tilespmem:$0x10200] =	vst v63  }
0x2e: {  	s19 =	sand.u32 $0x1FFFFFF0, s7;
	s18 =	sadd.s32 s3, s1;
	s20 =	spop (v2sf)  }
0x2f: {  	[tilespmem:s24], [sflag:$0x1] =	stream.linear.gather [hbm4b:s18+s2], $0x80, $0x38;
	[tilespmem:$0x10200] =	vst v63  }
0x30: {  	s21 =	sadd.s32 s3, s19;
	s26 =	spop (v2sf);
	s24 =	sand.u32 $0x1FFFFFF0, s20  }
0x31: {  	[tilespmem:s22], [sflag:$0x1] =	stream.linear.gather [hbm4b:s21+s2], $0x80, $0x38;
	[tilespmem:$0x10200] =	vst v63  }
0x32: {  	s30 =	sand.u32 $0x1FFFFFF0, s26;
	s31 =	spop (v2sf);
	s29 =	sadd.s32 s3, s24  }
0x33: {  	[tilespmem:s28], [sflag:$0x1] =	stream.linear.gather [hbm4b:s29+s2], $0x80, $0x38;
	[tilespmem:$0x10200] =	vst v63  }
0x34: {  	s0 =	sadd.s32 s3, s30;
	s1 =	sand.u32 $0x1FFFFFF0, s31;
	s7 =	spop (v2sf)  }
0x35: {  	[tilespmem:s25], [sflag:$0x1] =	stream.linear.gather [hbm4b:s0+s2], $0x80, $0x38;
	[tilespmem:$0x10200] =	vst v63  }
0x36: {  	s16 =	sadd.s32 s3, s1;
	s18 =	sand.u32 $0x1FFFFFF0, s7;
	s19 =	spop (v2sf)  }
0x37: {  	[tilespmem:s23], [sflag:$0x1] =	stream.linear.gather [hbm4b:s16+s2], $0x80, $0x38;
	[tilespmem:$0x10200] =	vst v63  }
0x38: {  	s20 =	sadd.s32 s3, s18;
	s21 =	sand.u32 $0x1FFFFFF0, s19;
	s22 =	spop (v2sf)  }
0x39: {  	[tilespmem:s14], [sflag:$0x1] =	stream.linear.gather [hbm4b:s20+s2], $0x80, $0x38;
	[tilespmem:$0x10200] =	vst v63  }
0x3a: {  	s24 =	sand.u32 $0x1FFFFFF0, s22;
	s25 =	spop (v2sf);
	s23 =	sadd.s32 s3, s21  }
0x3b: {  	[tilespmem:s13], [sflag:$0x1] =	stream.linear.gather [hbm4b:s23+s2], $0x80, $0x38;
	[tilespmem:$0x10200] =	vst v63  }
0x3c: {  	s26 =	simm.s32 $0x900;
	s28 =	sadd.s32 s3, s24;
	s29 =	sand.u32 $0x1FFFFFF0, s25  }
0x3d: {  	[tilespmem:s26], [sflag:$0x1] =	stream.linear.gather [hbm4b:s28+s2], $0x80, $0x38;
	[tilespmem:$0x10200] =	vst v63  }
0x3e: {  	s15 =	simm.s32 @!p0 $0x1;
	s30 =	simm.s32 $0x980;
	s31 =	sadd.s32 s3, s29  }
0x3f: {  	[tilespmem:s30], [sflag:$0x1] =	stream.linear.gather [hbm4b:s31+s2], $0x80, $0x38;
	[tilespmem:$0x10200] =	vst v63  }
0x40: {  	_ =	swait.ge @!p0 [sflag:s15], $0x80  }
0x41: {  	[sflag:s15] =	ssyncset.done @!p0 $0x0  }
0x42: {  	[sflag:s15] =	ssyncadd.s32 @!p0 $0xFFFFFF80  }
0x43: {  	_ =	swait.ge @!p0 [sflag:s15], $0x80  }
0x44: {  	[sflag:s15] =	ssyncset.done @!p0 $0x0  }
0x45: {  	[sflag:s15] =	ssyncadd.s32 @!p0 $0xFFFFFF80  }
0x46: {  	_ =	swait.ge @!p0 [sflag:s15], $0x80  }
0x47: {  	[sflag:s15] =	ssyncset.done @!p0 $0x0  }
0x48: {  	[sflag:s15] =	ssyncadd.s32 @!p0 $0xFFFFFF80  }
0x49: {  	_ =	swait.ge @!p0 [sflag:s15], $0x80  }
0x4a: {  	[sflag:s15] =	ssyncset.done @!p0 $0x0  }
0x4b: {  	[sflag:s15] =	ssyncadd.s32 @!p0 $0xFFFFFF80  }
0x4c: {  	_ =	swait.ge @!p0 [sflag:s15], $0x80  }
0x4d: {  	[sflag:s15] =	ssyncset.done @!p0 $0x0  }
0x4e: {  	[sflag:s15] =	ssyncadd.s32 @!p0 $0xFFFFFF80  }
0x4f: {  	_ =	swait.ge @!p0 [sflag:s15], $0x80  }
0x50: {  	[sflag:s15] =	ssyncset.done @!p0 $0x0  }
0x51: {  	[sflag:s15] =	ssyncadd.s32 @!p0 $0xFFFFFF80  }
0x52: {  	_ =	swait.ge @!p0 [sflag:s15], $0x80  }
0x53: {  	[sflag:s15] =	ssyncset.done @!p0 $0x0  }
0x54: {  	[sflag:s15] =	ssyncadd.s32 @!p0 $0xFFFFFF80  }
0x55: {  	_ =	swait.ge @!p0 [sflag:s15], $0x80  }
0x56: {  	[sflag:s15] =	ssyncset.done @!p0 $0x0  }
0x57: {  	[sflag:s15] =	ssyncadd.s32 @!p0 $0xFFFFFF80  }
0x58: {  	_ =	swait.ge @!p0 [sflag:s15], $0x80  }
0x59: {  	[sflag:s15] =	ssyncset.done @!p0 $0x0  }
0x5a: {  	[sflag:s15] =	ssyncadd.s32 @!p0 $0xFFFFFF80  }
0x5b: {  	_ =	swait.ge @!p0 [sflag:s15], $0x80  }
0x5c: {  	[sflag:s15] =	ssyncset.done @!p0 $0x0  }
0x5d: {  	[sflag:s15] =	ssyncadd.s32 @!p0 $0xFFFFFF80  }
0x5e: {  	_ =	swait.ge @!p0 [sflag:s15], $0x80  }
0x5f: {  	[sflag:s15] =	ssyncset.done @!p0 $0x0  }
0x60: {  	[sflag:s15] =	ssyncadd.s32 @!p0 $0xFFFFFF80  }
0x61: {  	_ =	swait.ge @!p0 [sflag:s15], $0x80  }
0x62: {  	[sflag:s15] =	ssyncset.done @!p0 $0x0  }
0x63: {  	[sflag:s15] =	ssyncadd.s32 @!p0 $0xFFFFFF80  }
0x64: {  	_ =	swait.ge @!p0 [sflag:s15], $0x80  }
0x65: {  	[sflag:s15] =	ssyncset.done @!p0 $0x0  }
0x66: {  	[sflag:s15] =	ssyncadd.s32 @!p0 $0xFFFFFF80  }
0x67: {  	s14 =	simm.s32 $0x0;
	s13 =	simm.s32 $0x2000;
	_ =	swait.ge @!p0 [sflag:s15], $0x80  }
.LBB2_2:
0x68: {  	[sflag:s15] =	ssyncset.done @!p0 $0x0  }
0x69: {  	s14 =	sadd.s32 $0x10, s14;
	s16 =	smov.u32 s13;
	s13 =	sadd.s32 $0x2000, s13  }
0x6a: {  	p1 =	sne.s32 s13, $0x40000;
	[sflag:s15] =	ssyncadd.s32 @!p0 $0xFFFFFF80  }
0x6b: {  	_ =	swait.ge @!p0 [sflag:s15], $0x80  }
0x6c: {  	[sflag:s15] =	ssyncset.done @!p0 $0x0  }
0x6d: {  	[sflag:s15] =	ssyncadd.s32 @!p0 $0xFFFFFF80  }
0x6e: {  	_ =	swait.ge @!p0 [sflag:s15], $0x80  }
0x6f: {  	[sflag:s15] =	ssyncset.done @!p0 $0x0  }
0x70: {  	[sflag:s15] =	ssyncadd.s32 @!p0 $0xFFFFFF80  }
0x71: {  	v0 =	vld [tilespmem:s14+$0x0];
	_ =	sdelay $0x4  }
0x72: {  	v0 =	vshll.u32 v0, $0x4  }
0x73: {  	(v2sf) =	vpush v0, $0x0  }
0x74: {  	(v2sf) =	vpush v0, $0x1  }
0x75: {  	(v2sf) =	vpush v0, $0x2;
	_ =	sdelay $0x1  }
0x76: {  	(v2sf) =	vpush v0, $0x3;
	_ =	sdelay $0x1  }
0x77: {  	(v2sf) =	vpush v0, $0x4;
	_ =	sdelay $0x1  }
0x78: {  	(v2sf) =	vpush v0, $0x5  }
0x79: {  	s15 =	sshra.s32 s16, $0x2  }
0x7a: {  	s23 =	sadd.s32 $0x280, s15;
	s24 =	sadd.s32 $0x380, s15;
	s25 =	sadd.s32 $0x400, s15;
	(v2sf) =	vpush v0, $0x6  }
0x7b: {  	s26 =	sadd.s32 $0x200, s15;
	s28 =	sadd.s32 $0x300, s15  }
0x7c: {  	p0 =	seq.s32 s16, $0x0;
	s29 =	sadd.s32 $0x480, s15;
	(v2sf) =	vpush v0, $0x7  }
0x7d: {  	s18 =	sadd.s32 $0x800, s15;
	s17 =	sadd.s32 $0x880, s15;
	s16 =	sadd.s32 $0x980, s15  }
0x7e: {  	s30 =	sadd.s32 $0x500, s15;
	s21 =	sadd.s32 $0x600, s15;
	s19 =	sadd.s32 $0x780, s15;
	(v2sf) =	vpush v0, $0x8  }
0x7f: {  	s31 =	sadd.s32 $0x580, s15;
	s20 =	sadd.s32 $0x700, s15;
	s22 =	spop (v2sf)  }
0x80: {  	s0 =	sand.u32 $0x1FFFFFF0, s22;
	s22 =	sadd.s32 $0x680, s15;
	s1 =	spop (v2sf);
	(v2sf) =	vpush v0, $0x9  }
0x81: {  	s0 =	sadd.s32 s3, s0;
	s1 =	sand.u32 $0x1FFFFFF0, s1;
	s7 =	spop (v2sf)  }
0x82: {  	[tilespmem:s26], [sflag:$0x1] =	stream.linear.gather [hbm4b:s0+s2], $0x80, $0x38;
	(v2sf) =	vpush v0, $0xA;
	[tilespmem:$0x10200] =	vst v63  }
0x83: {  	s0 =	sadd.s32 s3, s1;
	s1 =	sand.u32 $0x1FFFFFF0, s7;
	s7 =	spop (v2sf)  }
0x84: {  	[tilespmem:s23], [sflag:$0x1] =	stream.linear.gather [hbm4b:s0+s2], $0x80, $0x38;
	(v2sf) =	vpush v0, $0xB;
	[tilespmem:$0x10200] =	vst v63  }
0x85: {  	s0 =	sadd.s32 s3, s1;
	s1 =	sand.u32 $0x1FFFFFF0, s7;
	s7 =	spop (v2sf)  }
0x86: {  	[tilespmem:s28], [sflag:$0x1] =	stream.linear.gather [hbm4b:s0+s2], $0x80, $0x38;
	(v2sf) =	vpush v0, $0xC;
	[tilespmem:$0x10200] =	vst v63  }
0x87: {  	s0 =	sadd.s32 s3, s1;
	s1 =	sand.u32 $0x1FFFFFF0, s7;
	s7 =	spop (v2sf)  }
0x88: {  	[tilespmem:s24], [sflag:$0x1] =	stream.linear.gather [hbm4b:s0+s2], $0x80, $0x38;
	(v2sf) =	vpush v0, $0xD;
	[tilespmem:$0x10200] =	vst v63  }
0x89: {  	s0 =	sadd.s32 s3, s1;
	s1 =	sand.u32 $0x1FFFFFF0, s7;
	s7 =	spop (v2sf)  }
0x8a: {  	[tilespmem:s25], [sflag:$0x1] =	stream.linear.gather [hbm4b:s0+s2], $0x80, $0x38;
	(v2sf) =	vpush v0, $0xE;
	[tilespmem:$0x10200] =	vst v63  }
0x8b: {  	s0 =	sadd.s32 s3, s1;
	s1 =	sand.u32 $0x1FFFFFF0, s7;
	s7 =	spop (v2sf)  }
0x8c: {  	[tilespmem:s29], [sflag:$0x1] =	stream.linear.gather [hbm4b:s0+s2], $0x80, $0x38;
	(v2sf) =	vpush v0, $0xF;
	[tilespmem:$0x10200] =	vst v63  }
0x8d: {  	s0 =	sadd.s32 s3, s1;
	s1 =	sand.u32 $0x1FFFFFF0, s7;
	s7 =	spop (v2sf)  }
0x8e: {  	[tilespmem:s30], [sflag:$0x1] =	stream.linear.gather [hbm4b:s0+s2], $0x80, $0x38;
	[tilespmem:$0x10200] =	vst v63  }
0x8f: {  	s0 =	sadd.s32 s3, s1;
	s1 =	sand.u32 $0x1FFFFFF0, s7;
	s7 =	spop (v2sf)  }
0x90: {  	[tilespmem:s31], [sflag:$0x1] =	stream.linear.gather [hbm4b:s0+s2], $0x80, $0x38;
	[tilespmem:$0x10200] =	vst v63  }
0x91: {  	s0 =	sadd.s32 s3, s1;
	s1 =	sand.u32 $0x1FFFFFF0, s7;
	s7 =	spop (v2sf)  }
0x92: {  	[tilespmem:s21], [sflag:$0x1] =	stream.linear.gather [hbm4b:s0+s2], $0x80, $0x38;
	[tilespmem:$0x10200] =	vst v63  }
0x93: {  	s0 =	sadd.s32 s3, s1;
	s1 =	sand.u32 $0x1FFFFFF0, s7;
	s7 =	spop (v2sf)  }
0x94: {  	[tilespmem:s22], [sflag:$0x1] =	stream.linear.gather [hbm4b:s0+s2], $0x80, $0x38;
	[tilespmem:$0x10200] =	vst v63  }
0x95: {  	s0 =	sadd.s32 s3, s1;
	s1 =	sand.u32 $0x1FFFFFF0, s7;
	s7 =	spop (v2sf)  }
0x96: {  	[tilespmem:s20], [sflag:$0x1] =	stream.linear.gather [hbm4b:s0+s2], $0x80, $0x38;
	[tilespmem:$0x10200] =	vst v63  }
0x97: {  	s0 =	sadd.s32 s3, s1;
	s1 =	sand.u32 $0x1FFFFFF0, s7;
	s7 =	spop (v2sf)  }
0x98: {  	[tilespmem:s19], [sflag:$0x1] =	stream.linear.gather [hbm4b:s0+s2], $0x80, $0x38;
	[tilespmem:$0x10200] =	vst v63  }
0x99: {  	s0 =	sadd.s32 s3, s1;
	s1 =	sand.u32 $0x1FFFFFF0, s7;
	s7 =	spop (v2sf)  }
0x9a: {  	[tilespmem:s18], [sflag:$0x1] =	stream.linear.gather [hbm4b:s0+s2], $0x80, $0x38;
	[tilespmem:$0x10200] =	vst v63  }
0x9b: {  	s0 =	sadd.s32 s3, s1;
	s1 =	sand.u32 $0x1FFFFFF0, s7;
	s7 =	spop (v2sf)  }
0x9c: {  	[tilespmem:s17], [sflag:$0x1] =	stream.linear.gather [hbm4b:s0+s2], $0x80, $0x38;
	[tilespmem:$0x10200] =	vst v63  }
0x9d: {  	s1 =	sadd.s32 s3, s1;
	s0 =	sadd.s32 $0x900, s15;
	s7 =	sand.u32 $0x1FFFFFF0, s7  }
0x9e: {  	[tilespmem:s0], [sflag:$0x1] =	stream.linear.gather [hbm4b:s1+s2], $0x80, $0x38;
	[tilespmem:$0x10200] =	vst v63  }
0x9f: {  	s15 =	simm.s32 @!p0 $0x1;
	s0 =	sadd.s32 s3, s7  }
0xa0: {  	[tilespmem:s16], [sflag:$0x1] =	stream.linear.gather [hbm4b:s0+s2], $0x80, $0x38;
	[tilespmem:$0x10200] =	vst v63  }
0xa1: {  	_ =	swait.ge @!p0 [sflag:s15], $0x80  }
0xa2: {  	[sflag:s15] =	ssyncset.done @!p0 $0x0  }
0xa3: {  	[sflag:s15] =	ssyncadd.s32 @!p0 $0xFFFFFF80  }
0xa4: {  	_ =	swait.ge @!p0 [sflag:s15], $0x80  }
0xa5: {  	[sflag:s15] =	ssyncset.done @!p0 $0x0  }
0xa6: {  	[sflag:s15] =	ssyncadd.s32 @!p0 $0xFFFFFF80  }
0xa7: {  	_ =	swait.ge @!p0 [sflag:s15], $0x80  }
0xa8: {  	[sflag:s15] =	ssyncset.done @!p0 $0x0  }
0xa9: {  	[sflag:s15] =	ssyncadd.s32 @!p0 $0xFFFFFF80  }
0xaa: {  	_ =	swait.ge @!p0 [sflag:s15], $0x80  }
0xab: {  	[sflag:s15] =	ssyncset.done @!p0 $0x0  }
0xac: {  	[sflag:s15] =	ssyncadd.s32 @!p0 $0xFFFFFF80  }
0xad: {  	_ =	swait.ge @!p0 [sflag:s15], $0x80  }
0xae: {  	[sflag:s15] =	ssyncset.done @!p0 $0x0  }
0xaf: {  	[sflag:s15] =	ssyncadd.s32 @!p0 $0xFFFFFF80  }
0xb0: {  	_ =	swait.ge @!p0 [sflag:s15], $0x80  }
0xb1: {  	[sflag:s15] =	ssyncset.done @!p0 $0x0  }
0xb2: {  	[sflag:s15] =	ssyncadd.s32 @!p0 $0xFFFFFF80  }
0xb3: {  	_ =	swait.ge @!p0 [sflag:s15], $0x80  }
0xb4: {  	[sflag:s15] =	ssyncset.done @!p0 $0x0  }
0xb5: {  	[sflag:s15] =	ssyncadd.s32 @!p0 $0xFFFFFF80  }
0xb6: {  	_ =	swait.ge @!p0 [sflag:s15], $0x80  }
0xb7: {  	[sflag:s15] =	ssyncset.done @!p0 $0x0  }
0xb8: {  	[sflag:s15] =	ssyncadd.s32 @!p0 $0xFFFFFF80  }
0xb9: {  	_ =	swait.ge @!p0 [sflag:s15], $0x80  }
0xba: {  	[sflag:s15] =	ssyncset.done @!p0 $0x0  }
0xbb: {  	[sflag:s15] =	ssyncadd.s32 @!p0 $0xFFFFFF80  }
0xbc: {  	_ =	swait.ge @!p0 [sflag:s15], $0x80  }
0xbd: {  	[sflag:s15] =	ssyncset.done @!p0 $0x0  }
0xbe: {  	[sflag:s15] =	ssyncadd.s32 @!p0 $0xFFFFFF80  }
0xbf: {  	_ =	swait.ge @!p0 [sflag:s15], $0x80  }
0xc0: {  	[sflag:s15] =	ssyncset.done @!p0 $0x0  }
0xc1: {  	[sflag:s15] =	ssyncadd.s32 @!p0 $0xFFFFFF80  }
0xc2: {  	_ =	swait.ge @!p0 [sflag:s15], $0x80  }
0xc3: {  	[sflag:s15] =	ssyncset.done @!p0 $0x0  }
.Ltmp0:
0xc4: {  	[sflag:s15] =	ssyncadd.s32 @!p0 $0xFFFFFF80;
	(pc) =	sbr.rel @p1 .LBB2_2-.Ltmp0, $4  }
0xc5: {  	_ =	swait.ge @!p0 [sflag:s15], $0x80  }
0xc6: {  	[sflag:s15] =	ssyncset.done @!p0 $0x0  }
0xc7: {  	[sflag:s15] =	ssyncadd.s32 @!p0 $0xFFFFFF80  }
0xc8: {  	_ =	swait.ge @!p0 [sflag:s15], $0x80  }
0xc9: {  	[sflag:s15] =	ssyncset.done @!p0 $0x0  }
0xca: {  	[sflag:s15] =	ssyncadd.s32 @!p0 $0xFFFFFF80  }
0xcb: {  	_ =	swait.ge @!p0 [sflag:s15], $0x80  }
0xcc: {  	[sflag:s15] =	ssyncset.done @!p0 $0x0  }
0xcd: {  	[sflag:s15] =	ssyncadd.s32 @!p0 $0xFFFFFF80  }
0xce: {  	_ =	swait.ge @!p0 [sflag:s15], $0x80  }
0xcf: {  	[sflag:s15] =	ssyncset.done @!p0 $0x0  }
0xd0: {  	[sflag:s15] =	ssyncadd.s32 @!p0 $0xFFFFFF80  }
0xd1: {  	_ =	swait.ge [sflag:s10], $0x80  }
0xd2: {  	[sflag:s10] =	ssyncset.done $0x0  }
0xd3: {  	[sflag:s10] =	ssyncadd.s32 $0xFFFFFF80  }
0xd4: {  	_ =	swait.ge [sflag:s10], $0x80  }
0xd5: {  	[sflag:s10] =	ssyncset.done $0x0  }
0xd6: {  	[sflag:s10] =	ssyncadd.s32 $0xFFFFFF80  }
0xd7: {  	_ =	swait.ge [sflag:s10], $0x80  }
0xd8: {  	[sflag:s10] =	ssyncset.done $0x0  }
0xd9: {  	[sflag:s10] =	ssyncadd.s32 $0xFFFFFF80  }
0xda: {  	_ =	swait.ge [sflag:s10], $0x80  }
0xdb: {  	[sflag:s10] =	ssyncset.done $0x0  }
0xdc: {  	[sflag:s10] =	ssyncadd.s32 $0xFFFFFF80  }
0xdd: {  	_ =	swait.ge [sflag:s10], $0x80  }
0xde: {  	[sflag:s10] =	ssyncset.done $0x0  }
0xdf: {  	[sflag:s10] =	ssyncadd.s32 $0xFFFFFF80  }
0xe0: {  	_ =	swait.ge [sflag:s10], $0x80  }
0xe1: {  	[sflag:s10] =	ssyncset.done $0x0  }
0xe2: {  	[sflag:s10] =	ssyncadd.s32 $0xFFFFFF80  }
0xe3: {  	_ =	swait.ge [sflag:s10], $0x80  }
0xe4: {  	[sflag:s10] =	ssyncset.done $0x0  }
0xe5: {  	[sflag:s10] =	ssyncadd.s32 $0xFFFFFF80  }
0xe6: {  	_ =	swait.ge [sflag:s10], $0x80  }
0xe7: {  	[sflag:s10] =	ssyncset.done $0x0  }
0xe8: {  	[sflag:s10] =	ssyncadd.s32 $0xFFFFFF80  }
0xe9: {  	_ =	swait.ge [sflag:s10], $0x80  }
0xea: {  	[sflag:s10] =	ssyncset.done $0x0  }
0xeb: {  	[sflag:s10] =	ssyncadd.s32 $0xFFFFFF80  }
0xec: {  	_ =	swait.ge [sflag:s10], $0x80  }
0xed: {  	[sflag:s10] =	ssyncset.done $0x0  }
0xee: {  	[sflag:s10] =	ssyncadd.s32 $0xFFFFFF80  }
0xef: {  	_ =	swait.ge [sflag:s10], $0x80  }
0xf0: {  	[sflag:s10] =	ssyncset.done $0x0  }
0xf1: {  	[sflag:s10] =	ssyncadd.s32 $0xFFFFFF80  }
0xf2: {  	_ =	swait.ge [sflag:s10], $0x80  }
0xf3: {  	[sflag:s10] =	ssyncset.done $0x0  }
0xf4: {  	[sflag:s10] =	ssyncadd.s32 $0xFFFFFF80  }
0xf5: {  	_ =	swait.ge [sflag:s10], $0x80  }
0xf6: {  	[sflag:s10] =	ssyncset.done $0x0  }
0xf7: {  	[sflag:s10] =	ssyncadd.s32 $0xFFFFFF80  }
0xf8: {  	_ =	swait.ge [sflag:s10], $0x80  }
0xf9: {  	[sflag:s10] =	ssyncset.done $0x0  }
0xfa: {  	[sflag:s10] =	ssyncadd.s32 $0xFFFFFF80  }
0xfb: {  	_ =	swait.ge [sflag:s10], $0x80  }
0xfc: {  	[sflag:s10] =	ssyncset.done $0x0  }
0xfd: {  	[sflag:s10] =	ssyncadd.s32 $0xFFFFFF80  }
0xfe: {  	s12 =	sadd.s32 $0x1, s12;
	_ =	swait.ge [sflag:s10], $0x80  }
0xff: {  	p0 =	sne.s32 s12, s6;
	[sflag:s10] =	ssyncset.done $0x0  }
.Ltmp1:
0x100: {  	[sflag:s10] =	ssyncadd.s32 $0xFFFFFF80;
	(pc) =	sbr.rel @p0 .LBB2_1-.Ltmp1, $4  }
0x101: {  	[hbm4b:s5+s2] =	stream.linear.scatter [tilespmem:s11], [sflag:$0x2], $0x10000, $0x38;
	[tilespmem:$0x10200] =	vst v63  }
0x102: {  	_ =	swait.ge [sflag:s9], $0x10000  }
0x103: {  	[sflag:s9] =	ssyncset.done $0x0  }
0x104: {  	[sflag:s9] =	ssyncadd.s32 $0xFFFF0000  }
0x105: {  	_ =	sfence.sel $0x180000  }
0x106: {  	[bflag:$0x0] =	sbarrier.arrive $0xFFFF  }
0x107: {  	_ =	strace $0x9000004A  }
0x108: {  	s0 =	stileid.u32;
	[bflag:$0x2] =	sbarrier.arrive $0xFFFF  }
0x109: {  	p0 =	sne.s32 s0, $0x0;
	s0 =	rddreg [dreg:$0x2]  }
0x10a: {  	s0 =	sadd.s32 @!p0 $0x100000, s0  }
0x10b: {  	[sflag:s0] =	ssyncadd.tile.s32 @!p0 $0x1;
	_ =	shalt  }
.Lfunc_end2:
_tile_overlayer_lowered:
.L_overlay_start_2:
0x10c: {  	(tag) =	ssettag $0x2  }
0x10d: {  	s0 =	rddreg [dreg:$0x0];
	s2 =	stileid.u32  }
0x10e: {  	s1 =	rddreg [dreg:$0x1];
	p0 =	sne.s32 s2, $0x0  }
0x10f: {  	s3 =	rddreg [dreg:$0x2];
	[bflag:$0x3] =	sbarrier.arrive $0xFFFF;
	s2 =	simm.s32 @!p0 $0x1C02  }
0x110: {  	[timem:s3], [sflag:s2] =	dma.local @!p0 [hbm:s0], s1  }
0x111: {  	s0 =	simm.s32 @!p0 $0x2  }
0x112: {  	_ =	swait.ge @!p0 [sflag:s0], s1  }
0x113: {  	s1 =	ssub.s32 @!p0 $0x0, s1;
	[sflag:s0] =	ssyncset.done @!p0 $0x0  }
0x114: {  	[sflag:s0] =	ssyncadd.s32 @!p0 s1  }
0x115: {  	[bflag:$0x3] =	sbarrier.arrive $0xFFFF  }
0x116: {  	_ =	shalt  }

</sc_bundles>
